<compile_context>
chip_gen: v7x
topology: tpu7x:2x2x1
jax: 0.10.2.dev20260603
libtpu: 0.0.44.dev20260713+nightly
codegen_flags: <defaults>
</compile_context>

<pallas_src>
import jax
import jax.numpy as jnp
from jax import lax
from jax.experimental import pallas as pl
from jax.experimental.pallas import tpu as pltpu
from jax.experimental.pallas import tpu_sc as plsc

B = 256
D = 128
M = 100000
K = 4096
T = 0.07
MOMENTUM = 0.5

NC, NS = 2, 16
NW = NC * NS
BPW = B // NW

_f32 = jnp.float32


def _norm_rows(x):
    n = jnp.sqrt(jnp.sum(x * x, axis=1, keepdims=True))
    return x / jnp.maximum(n, 1e-12)


_TE = 4096
_NBLK = pl.cdiv(M, _TE)
_WPAD = _NBLK * _TE


def _k1_body(q_ref, ql_ref, bank_ref, L_ref, qn_ref, qi_s):
    i32 = jnp.int32

    @pl.when(pl.program_id(0) == 0)
    def _():
        qg = _norm_rows(q_ref[...])
        qj = _norm_rows(ql_ref[...])
        qn_ref[0:B, :] = qg
        qn_ref[B:2 * B, :] = qj
        qs = jnp.concatenate([qg, qj], axis=0)
        ii = lax.broadcasted_iota(i32, (2 * B, 2 * B), 0)
        jj = lax.broadcasted_iota(i32, (2 * B, 2 * B), 1)
        tgt = jnp.right_shift(ii, 1) + lax.bitwise_and(ii, 1) * B
        perm = (jj == tgt).astype(_f32)
        qi_s[...] = lax.dot_general(perm, qs, (((1,), (0,)), ((), ())),
                                    preferred_element_type=_f32)

    bt = bank_ref[...].astype(jnp.bfloat16)
    li = lax.dot_general(qi_s[...].astype(jnp.bfloat16), bt,
                         (((1,), (1,)), ((), ())),
                         preferred_element_type=_f32)
    L_ref[...] = pltpu.bitcast(li.astype(jnp.bfloat16), jnp.int32)


def _k1(q, q_l, bank):
    return pl.pallas_call(
        _k1_body,
        grid=(_NBLK,),
        in_specs=[
            pl.BlockSpec((B, D), lambda i: (0, 0)),
            pl.BlockSpec((B, D), lambda i: (0, 0)),
            pl.BlockSpec((_TE, D), lambda i: (i, 0)),
        ],
        out_specs=[
            pl.BlockSpec((B, _TE), lambda i: (0, i)),
            pl.BlockSpec((2 * B, D), lambda i: (0, 0)),
        ],
        out_shape=[
            jax.ShapeDtypeStruct((B, _WPAD), jnp.int32),
            jax.ShapeDtypeStruct((2 * B, D), _f32),
        ],
        scratch_shapes=[pltpu.VMEM((2 * B, D), _f32)],
    )(q, q_l, bank)


def _k0_body(bank_hbm, idx_hbm, posf_hbm, pidx_v, prow_v, sem_p):
    wid = lax.axis_index("s") * NC + lax.axis_index("c")
    b0 = wid * BPW
    pltpu.sync_copy(idx_hbm.at[pl.ds(b0, BPW)], pidx_v)
    pltpu.async_copy(bank_hbm.at[pidx_v], prow_v, sem_p).wait()
    pltpu.sync_copy(prow_v, posf_hbm.at[pl.ds(b0, BPW)])


_k0 = pl.kernel(
    _k0_body,
    out_type=jax.ShapeDtypeStruct((B, D), _f32),
    mesh=plsc.VectorSubcoreMesh(core_axis_name="c", subcore_axis_name="s",
                                num_cores=NC, num_subcores=NS),
    scratch_types=[
        pltpu.VMEM((BPW,), jnp.int32),
        pltpu.VMEM((BPW, D), _f32),
        pltpu.SemaphoreType.DMA,
    ],
    compiler_params=pltpu.CompilerParams(needs_layout_passes=False),
)


def _k2_body(L_hbm, nidx_hbm, zsum_hbm, row_v, im_v, zg_v, zj_v, s_row):
    wid = lax.axis_index("s") * NC + lax.axis_index("c")
    b0 = wid * BPW
    r_inv_t = jnp.float32(1.0 / T)

    rowcopy = pltpu.async_copy(L_hbm.at[b0], row_v, s_row)
    for bi in range(BPW):
        pltpu.sync_copy(nidx_hbm.at[b0 + bi], im_v)
        rowcopy.wait()

        def u_body(i, acc):
            accg, accj = acc
            off = pl.multiple_of(i * 16, 16)
            wv = plsc.load_gather(row_v, [im_v[pl.ds(off, 16)]])
            lg = plsc.bitcast(jnp.left_shift(wv, 16), _f32)
            lj = plsc.bitcast(lax.bitwise_and(wv, jnp.int32(-65536)), _f32)
            accg = accg + jnp.exp(lg * r_inv_t)
            accj = accj + jnp.exp(lj * r_inv_t)
            return accg, accj

        z0 = jnp.zeros((16,), _f32)
        accg, accj = lax.fori_loop(0, K // 16, u_body, (z0, z0), unroll=4)
        if bi + 1 < BPW:
            rowcopy = pltpu.async_copy(L_hbm.at[b0 + bi + 1], row_v, s_row)
        zg_v[...] = accg
        zj_v[...] = accj
        pltpu.sync_copy(zg_v, zsum_hbm.at[0, b0 + bi])
        pltpu.sync_copy(zj_v, zsum_hbm.at[1, b0 + bi])


_k2 = pl.kernel(
    _k2_body,
    out_type=jax.ShapeDtypeStruct((2, B, 16), _f32),
    mesh=plsc.VectorSubcoreMesh(core_axis_name="c", subcore_axis_name="s",
                                num_cores=NC, num_subcores=NS),
    scratch_types=[
        pltpu.VMEM((_WPAD,), jnp.int32),
        pltpu.VMEM((K,), jnp.int32),
        pltpu.VMEM((16,), _f32),
        pltpu.VMEM((16,), _f32),
        pltpu.SemaphoreType.DMA,
    ],
    compiler_params=pltpu.CompilerParams(needs_layout_passes=False),
)


def _k3_body(qn_ref, posf_ref, idx_ref, upd_ref):
    i32 = jnp.int32
    qn = qn_ref[...]
    pf = posf_ref[...]
    u = _norm_rows(MOMENTUM * pf + (1.0 - MOMENTUM) * qn[0:B, :])
    idxr = idx_ref[...].astype(_f32)
    eye = (lax.broadcasted_iota(i32, (B, B), 0)
           == lax.broadcasted_iota(i32, (B, B), 1)).astype(_f32)
    dnT = (((1,), (1,)), ((), ()))
    idxc = lax.dot_general(eye, idxr, dnT,
                           preferred_element_type=_f32)
    eqm = (jnp.broadcast_to(idxc, (B, B))
           == jnp.broadcast_to(idxr, (B, B))).astype(_f32)
    gt = (lax.broadcasted_iota(i32, (B, B), 0)
          > lax.broadcasted_iota(i32, (B, B), 1)).astype(_f32)
    dup = jnp.sum(eqm * gt, axis=0, keepdims=True)
    keep = (dup == 0.0).astype(_f32)
    keepc = lax.dot_general(eye, keep, dnT, preferred_element_type=_f32)
    upd_ref[...] = u * keepc


def _k3(qn, posf, idx_row):
    return pl.pallas_call(
        _k3_body,
        in_specs=[
            pl.BlockSpec((2 * B, D), lambda: (0, 0)),
            pl.BlockSpec((B, D), lambda: (0, 0)),
            pl.BlockSpec((1, B), lambda: (0, 0)),
        ],
        out_specs=pl.BlockSpec((B, D), lambda: (0, 0)),
        out_shape=jax.ShapeDtypeStruct((B, D), _f32),
    )(qn, posf, idx_row)


_RB = 1024


def _k4_body(bank_ref, idx_ref, upd_ref, out_ref):
    i = pl.program_id(0)
    i32 = jnp.int32
    rows = lax.broadcasted_iota(i32, (_RB, B), 0) + i * _RB
    idxb = jnp.broadcast_to(idx_ref[...], (_RB, B))
    eq = (rows == idxb).astype(_f32)
    hit = jnp.sum(eq, axis=1, keepdims=True)
    miss = (hit == 0.0).astype(_f32)
    upd = lax.dot_general(eq, upd_ref[...], (((1,), (0,)), ((), ())),
                          preferred_element_type=_f32)
    out_ref[...] = miss * bank_ref[...] + upd


def _k4(bank, idx_row, upd):
    grid = (pl.cdiv(M, _RB),)
    return pl.pallas_call(
        _k4_body,
        grid=grid,
        in_specs=[
            pl.BlockSpec((_RB, D), lambda i: (i, 0)),
            pl.BlockSpec((1, B), lambda i: (0, 0)),
            pl.BlockSpec((B, D), lambda i: (0, 0)),
        ],
        out_specs=pl.BlockSpec((_RB, D), lambda i: (i, 0)),
        out_shape=jax.ShapeDtypeStruct((M, D), _f32),
    )(bank, idx_row, upd)


def _k5_body(qn_ref, posf_ref, zsum_ref, loss_ref):
    qn = qn_ref[...]
    pf = posf_ref[...]
    pf2 = jnp.concatenate([pf, pf], axis=0)
    pos = jnp.sum(pf2 * qn, axis=1, keepdims=True)
    zs = zsum_ref[...].reshape(2 * B, 16)
    z = jnp.sum(zs, axis=1, keepdims=True) + jnp.exp(pos / T)
    lpb = jnp.log(z) - pos / T
    loss_ref[...] = jnp.mean(lpb, keepdims=True)


def _k5(qn, posf, zsum):
    return pl.pallas_call(
        _k5_body,
        in_specs=[
            pl.BlockSpec((2 * B, D), lambda: (0, 0)),
            pl.BlockSpec((B, D), lambda: (0, 0)),
            pl.BlockSpec((2, B, 16), lambda: (0, 0, 0)),
        ],
        out_specs=pl.BlockSpec((1, 1), lambda: (0, 0)),
        out_shape=jax.ShapeDtypeStruct((1, 1), _f32),
    )(qn, posf, zsum)


def kernel(q, q_l, feature_bank, idx, neg_idx):
    idx_row = idx.reshape(1, B)
    posf = _k0(feature_bank, idx)
    Lmat, qn = _k1(q, q_l, feature_bank)
    zsum = _k2(Lmat, neg_idx.reshape(B, K))
    upd = _k3(qn, posf, idx_row)
    new_bank = _k4(feature_bank, idx_row, upd)
    loss = _k5(qn, posf, zsum)
    return loss[0, 0], new_bank

# --- scband reference (transcript-rebuilt; emitter-appended) ---
"""Pipeline reference for scband-pirl-20083267076565 (READ-ONLY COPY).

The authoritative reference and input builder live on the scoring server;
editing this copy changes nothing except your own understanding.
"""

import jax, jax.numpy as jnp
import numpy as np


def _normalize(x, axis=-1, eps=1e-12):
    n = jnp.linalg.norm(x, axis=axis, keepdims=True)
    return x / jnp.maximum(n, eps)


def setup_inputs(seed: int = 0) -> dict:
    key = jax.random.key(seed)
    ks = jax.random.split(key, 5)
    B, D, M, K = 256, 128, 100000, 4096
    q = jax.random.normal(ks[0], (B, D), dtype=jnp.float32)
    q_l = jax.random.normal(ks[1], (B, D), dtype=jnp.float32)
    feature_bank = _normalize(jax.random.normal(ks[2], (M, D), dtype=jnp.float32))
    idx = jax.random.randint(ks[3], (B,), 0, M, dtype=jnp.int32)
    neg_idx = jax.random.randint(ks[4], (B * K,), 0, M, dtype=jnp.int32)
    return {"q": q, "q_l": q_l, "feature_bank": feature_bank, "idx": idx, "neg_idx": neg_idx}


def reference(q, q_l, feature_bank, idx, neg_idx):
    # PIRL forward_train core: memory-bank gather for pos/neg features,
    # NPID-style contrastive losses for global + jigsaw branches,
    # and momentum scatter-update of the memory bank.
    T = 0.07
    momentum = 0.5
    B, D = q.shape
    K = neg_idx.shape[0] // B
    q_sslp = _normalize(q)
    q_ln = _normalize(q_l)
    # gathers from memory bank (scatter_memory read side)
    pos_feat = jnp.take(feature_bank, idx, axis=0)                      # [B, D]
    neg_feat = jnp.take(feature_bank, neg_idx, axis=0).reshape(B, K, D)  # [B, K, D]
    # logits: einsum('nc,nc->n') and bmm(neg_feat, q.unsqueeze(2))
    pos_logits_g = jnp.sum(pos_feat * q_sslp, axis=1, keepdims=True)    # [B, 1]
    neg_logits_g = jnp.einsum('bkd,bd->bk', neg_feat, q_sslp)           # [B, K]
    pos_logits_jig = jnp.sum(pos_feat * q_ln, axis=1, keepdims=True)
    neg_logits_jig = jnp.einsum('bkd,bd->bk', neg_feat, q_ln)

    def nce_loss(pos, neg):
        logits = jnp.concatenate([pos, neg], axis=1) / T
        logZ = jax.scipy.special.logsumexp(logits, axis=1)
        return jnp.mean(logZ - logits[:, 0])

    loss_npid = nce_loss(pos_logits_g, neg_logits_g)
    loss_jig = nce_loss(pos_logits_jig, neg_logits_jig)
    total_loss = 0.5 * loss_npid + 0.5 * loss_jig
    # memory_bank.update(idx, q_sslp.detach()): momentum scatter-overwrite
    upd = _normalize(momentum * pos_feat + (1.0 - momentum) * jax.lax.stop_gradient(q_sslp))
    new_bank = feature_bank.at[idx].set(upd)
    return total_loss, new_bank

if __name__ == "__main__":
    import jax
    _d = setup_inputs()
    print(jax.jit(kernel)(*tuple(_d.values())))

</pallas_src>

<mosaic_0001>
#map = affine_map<(d0, d1) -> (0, 0)>
#map1 = affine_map<(d0, d1) -> (0)>
module attributes {stable_mosaic.version = 14 : i64} {
  func.func @_k0_body(%arg0: i32, %arg1: i32, %arg2: memref<100000x128xf32, #tpu.memory_space<hbm>>, %arg3: memref<256xi32, #tpu.memory_space<hbm>>, %arg4: memref<256x128xf32, #tpu.memory_space<hbm>>, %arg5: memref<8xi32, #tpu.memory_space<vmem>>, %arg6: memref<8x128xf32, #tpu.memory_space<vmem>>, %arg7: memref<!tpu.dma_semaphore, #tpu.memory_space<semaphore_mem>>) attributes {dimension_semantics = [#tpu.dimension_semantics<core_parallel>, #tpu.dimension_semantics<subcore_parallel>], iteration_bounds = array<i64: 2, 16>, scalar_prefetch = 0 : i64, scratch_operands = 3 : i64, tpu.core_type = #tpu.core_type<sc_vector_subcore>, window_params = [{transform_indices = #map}, {transform_indices = #map1}, {transform_indices = #map}]} {
    %mul3A = arith.constant 2 : i32
    %mul3A_0 = arith.muli %arg1, %mul3A : i32
    %add3A = arith.addi %mul3A_0, %arg0 : i32
    %mul3A_1 = arith.constant 8 : i32
    %mul3A_2 = arith.muli %add3A, %mul3A_1 : i32
    "tpu.region"() ({
      %run_scoped3A = tpu.sem_alloc : memref<!tpu.dma_semaphore, #tpu.memory_space<semaphore_mem>>
      %dma_start3A_7 = tpu.memref_slice %arg3[%mul3A_2] : memref<256xi32, #tpu.memory_space<hbm>> -> memref<8xi32, #tpu.memory_space<hbm>>
      %dma_start3A_8 = tpu.memref_slice %arg3[%mul3A_2] : memref<256xi32, #tpu.memory_space<hbm>> -> memref<8xi32, #tpu.memory_space<hbm>>
      tpu.enqueue_dma source(%dma_start3A_8 : memref<8xi32, #tpu.memory_space<hbm>>) target(%arg5 : memref<8xi32, #tpu.memory_space<vmem>>) target_semaphore(%run_scoped3A : memref<!tpu.dma_semaphore, #tpu.memory_space<semaphore_mem>>)
      %dma_wait3A_9 = tpu.memref_slice %arg3[%mul3A_2] : memref<256xi32, #tpu.memory_space<hbm>> -> memref<8xi32, #tpu.memory_space<hbm>>
      %dma_wait3A_10 = tpu.memref_slice %arg3[%mul3A_2] : memref<256xi32, #tpu.memory_space<hbm>> -> memref<8xi32, #tpu.memory_space<hbm>>
      tpu.wait_dma2 semaphore(%run_scoped3A : memref<!tpu.dma_semaphore, #tpu.memory_space<semaphore_mem>>) src(%dma_wait3A_10 : memref<8xi32, #tpu.memory_space<hbm>>) dst(%arg5 : memref<8xi32, #tpu.memory_space<vmem>>)
      tpu.yield
    }) : () -> ()
    %dma_start3A = arith.constant 0 : i32
    %dma_start3A_3 = arith.constant 0 : i32
    %dma_start3A_4 = tpu.memref_slice %arg2[%dma_start3A, %dma_start3A_3] : memref<100000x128xf32, #tpu.memory_space<hbm>> -> memref<100000x128xf32, #tpu.memory_space<hbm>>
    tpu.enqueue_indirect_dma source(%dma_start3A_4 : memref<100000x128xf32, #tpu.memory_space<hbm>>) target(%arg6 : memref<8x128xf32, #tpu.memory_space<vmem>>) offsets(%arg5 : memref<8xi32, #tpu.memory_space<vmem>>) semaphore(%arg7 : memref<!tpu.dma_semaphore, #tpu.memory_space<semaphore_mem>>)
    %dma_wait3A = arith.constant 0 : i32
    %dma_wait3A_5 = arith.constant 0 : i32
    %dma_wait3A_6 = tpu.memref_slice %arg2[%dma_wait3A, %dma_wait3A_5] : memref<100000x128xf32, #tpu.memory_space<hbm>> -> memref<100000x128xf32, #tpu.memory_space<hbm>>
    tpu.wait_indirect_dma semaphore(%arg7 : memref<!tpu.dma_semaphore, #tpu.memory_space<semaphore_mem>>) src(%dma_wait3A_6 : memref<100000x128xf32, #tpu.memory_space<hbm>>) dst(%arg6 : memref<8x128xf32, #tpu.memory_space<vmem>>)
    "tpu.region"() ({
      %run_scoped3A = tpu.sem_alloc : memref<!tpu.dma_semaphore, #tpu.memory_space<semaphore_mem>>
      %dma_start3A_7 = arith.constant 0 : i32
      %dma_start3A_8 = tpu.memref_slice %arg4[%mul3A_2, %dma_start3A_7] : memref<256x128xf32, #tpu.memory_space<hbm>> -> memref<8x128xf32, #tpu.memory_space<hbm>>
      %dma_start3A_9 = arith.constant 0 : i32
      %dma_start3A_10 = tpu.memref_slice %arg4[%mul3A_2, %dma_start3A_9] : memref<256x128xf32, #tpu.memory_space<hbm>> -> memref<8x128xf32, #tpu.memory_space<hbm>>
      tpu.enqueue_dma source(%arg6 : memref<8x128xf32, #tpu.memory_space<vmem>>) target(%dma_start3A_10 : memref<8x128xf32, #tpu.memory_space<hbm>>) target_semaphore(%run_scoped3A : memref<!tpu.dma_semaphore, #tpu.memory_space<semaphore_mem>>)
      %dma_wait3A_11 = arith.constant 0 : i32
      %dma_wait3A_12 = tpu.memref_slice %arg4[%mul3A_2, %dma_wait3A_11] : memref<256x128xf32, #tpu.memory_space<hbm>> -> memref<8x128xf32, #tpu.memory_space<hbm>>
      %dma_wait3A_13 = arith.constant 0 : i32
      %dma_wait3A_14 = tpu.memref_slice %arg4[%mul3A_2, %dma_wait3A_13] : memref<256x128xf32, #tpu.memory_space<hbm>> -> memref<8x128xf32, #tpu.memory_space<hbm>>
      tpu.wait_dma2 semaphore(%run_scoped3A : memref<!tpu.dma_semaphore, #tpu.memory_space<semaphore_mem>>) src(%arg6 : memref<8x128xf32, #tpu.memory_space<vmem>>) dst(%dma_wait3A_14 : memref<8x128xf32, #tpu.memory_space<hbm>>)
      tpu.yield
    }) : () -> ()
    return
  }
}

#map = affine_map<(d0, d1) -> (0, 0)>
#map1 = affine_map<(d0, d1) -> (0, 0, 0)>
module attributes {stable_mosaic.version = 14 : i64} {
  func.func @_k2_body(%arg0: i32, %arg1: i32, %arg2: memref<256x102400xi32, #tpu.memory_space<hbm>>, %arg3: memref<256x4096xi32, #tpu.memory_space<hbm>>, %arg4: memref<2x256x16xf32, #tpu.memory_space<hbm>>, %arg5: memref<102400xi32, #tpu.memory_space<vmem>>, %arg6: memref<4096xi32, #tpu.memory_space<vmem>>, %arg7: memref<16xf32, #tpu.memory_space<vmem>>, %arg8: memref<16xf32, #tpu.memory_space<vmem>>, %arg9: memref<!tpu.dma_semaphore, #tpu.memory_space<semaphore_mem>>) attributes {dimension_semantics = [#tpu.dimension_semantics<core_parallel>, #tpu.dimension_semantics<subcore_parallel>], iteration_bounds = array<i64: 2, 16>, scalar_prefetch = 0 : i64, scratch_operands = 5 : i64, tpu.core_type = #tpu.core_type<sc_vector_subcore>, window_params = [{transform_indices = #map}, {transform_indices = #map}, {transform_indices = #map1}]} {
    %mul3A = arith.constant 2 : i32
    %mul3A_0 = arith.muli %arg1, %mul3A : i32
    %add3A = arith.addi %mul3A_0, %arg0 : i32
    %mul3A_1 = arith.constant 8 : i32
    %mul3A_2 = arith.muli %add3A, %mul3A_1 : i32
    %dma_start3A = arith.constant 0 : i32
    %dma_start3A_3 = tpu.memref_slice %arg2[%mul3A_2, %dma_start3A] : memref<256x102400xi32, #tpu.memory_space<hbm>> -> memref<1x102400xi32, #tpu.memory_space<hbm>>
    %dma_start3A_4 = tpu.memref_squeeze %dma_start3A_3 : memref<1x102400xi32, #tpu.memory_space<hbm>> -> memref<102400xi32, #tpu.memory_space<hbm>>
    %dma_start3A_5 = arith.constant 0 : i32
    %dma_start3A_6 = tpu.memref_slice %arg2[%mul3A_2, %dma_start3A_5] : memref<256x102400xi32, #tpu.memory_space<hbm>> -> memref<1x102400xi32, #tpu.memory_space<hbm>>
    %dma_start3A_7 = tpu.memref_squeeze %dma_start3A_6 : memref<1x102400xi32, #tpu.memory_space<hbm>> -> memref<102400xi32, #tpu.memory_space<hbm>>
    tpu.enqueue_dma source(%dma_start3A_7 : memref<102400xi32, #tpu.memory_space<hbm>>) target(%arg5 : memref<102400xi32, #tpu.memory_space<vmem>>) target_semaphore(%arg9 : memref<!tpu.dma_semaphore, #tpu.memory_space<semaphore_mem>>)
    %add3A_8 = arith.constant 0 : i32
    %add3A_9 = arith.addi %mul3A_2, %add3A_8 : i32
    "tpu.region"() ({
      %run_scoped3A_289 = tpu.sem_alloc : memref<!tpu.dma_semaphore, #tpu.memory_space<semaphore_mem>>
      %dma_start3A_290 = arith.constant 0 : i32
      %dma_start3A_291 = tpu.memref_slice %arg3[%add3A_9, %dma_start3A_290] : memref<256x4096xi32, #tpu.memory_space<hbm>> -> memref<1x4096xi32, #tpu.memory_space<hbm>>
      %dma_start3A_292 = tpu.memref_squeeze %dma_start3A_291 : memref<1x4096xi32, #tpu.memory_space<hbm>> -> memref<4096xi32, #tpu.memory_space<hbm>>
      %dma_start3A_293 = arith.constant 0 : i32
      %dma_start3A_294 = tpu.memref_slice %arg3[%add3A_9, %dma_start3A_293] : memref<256x4096xi32, #tpu.memory_space<hbm>> -> memref<1x4096xi32, #tpu.memory_space<hbm>>
      %dma_start3A_295 = tpu.memref_squeeze %dma_start3A_294 : memref<1x4096xi32, #tpu.memory_space<hbm>> -> memref<4096xi32, #tpu.memory_space<hbm>>
      tpu.enqueue_dma source(%dma_start3A_295 : memref<4096xi32, #tpu.memory_space<hbm>>) target(%arg6 : memref<4096xi32, #tpu.memory_space<vmem>>) target_semaphore(%run_scoped3A_289 : memref<!tpu.dma_semaphore, #tpu.memory_space<semaphore_mem>>)
      %dma_wait3A_296 = arith.constant 0 : i32
      %dma_wait3A_297 = tpu.memref_slice %arg3[%add3A_9, %dma_wait3A_296] : memref<256x4096xi32, #tpu.memory_space<hbm>> -> memref<1x4096xi32, #tpu.memory_space<hbm>>
      %dma_wait3A_298 = tpu.memref_squeeze %dma_wait3A_297 : memref<1x4096xi32, #tpu.memory_space<hbm>> -> memref<4096xi32, #tpu.memory_space<hbm>>
      %dma_wait3A_299 = arith.constant 0 : i32
      %dma_wait3A_300 = tpu.memref_slice %arg3[%add3A_9, %dma_wait3A_299] : memref<256x4096xi32, #tpu.memory_space<hbm>> -> memref<1x4096xi32, #tpu.memory_space<hbm>>
      %dma_wait3A_301 = tpu.memref_squeeze %dma_wait3A_300 : memref<1x4096xi32, #tpu.memory_space<hbm>> -> memref<4096xi32, #tpu.memory_space<hbm>>
      tpu.wait_dma2 semaphore(%run_scoped3A_289 : memref<!tpu.dma_semaphore, #tpu.memory_space<semaphore_mem>>) src(%dma_wait3A_301 : memref<4096xi32, #tpu.memory_space<hbm>>) dst(%arg6 : memref<4096xi32, #tpu.memory_space<vmem>>)
      tpu.yield
    }) : () -> ()
    %dma_wait3A = arith.constant 0 : i32
    %dma_wait3A_10 = tpu.memref_slice %arg2[%mul3A_2, %dma_wait3A] : memref<256x102400xi32, #tpu.memory_space<hbm>> -> memref<1x102400xi32, #tpu.memory_space<hbm>>
    %dma_wait3A_11 = tpu.memref_squeeze %dma_wait3A_10 : memref<1x102400xi32, #tpu.memory_space<hbm>> -> memref<102400xi32, #tpu.memory_space<hbm>>
    %dma_wait3A_12 = arith.constant 0 : i32
    %dma_wait3A_13 = tpu.memref_slice %arg2[%mul3A_2, %dma_wait3A_12] : memref<256x102400xi32, #tpu.memory_space<hbm>> -> memref<1x102400xi32, #tpu.memory_space<hbm>>
    %dma_wait3A_14 = tpu.memref_squeeze %dma_wait3A_13 : memref<1x102400xi32, #tpu.memory_space<hbm>> -> memref<102400xi32, #tpu.memory_space<hbm>>
    tpu.wait_dma2 semaphore(%arg9 : memref<!tpu.dma_semaphore, #tpu.memory_space<semaphore_mem>>) src(%dma_wait3A_14 : memref<102400xi32, #tpu.memory_space<hbm>>) dst(%arg5 : memref<102400xi32, #tpu.memory_space<vmem>>)
    %broadcast_in_dim3A = arith.constant 0.000000e+00 : f32
    %broadcast_in_dim3A_15 = vector.broadcast %broadcast_in_dim3A : f32 to vector<16xf32>
    %scan3A = arith.constant 14.2857141 : f32
    %scan3A_16 = arith.constant 0 : i32
    %scan3A_17 = arith.constant 256 : i32
    %scan3A_18 = arith.addi %scan3A_16, %scan3A_17 : i32
    %scan3A_19 = arith.constant 4 : i32
    %scan3A_20:2 = scf.for %scan3A_289 = %scan3A_16 to %scan3A_18 step %scan3A_19 iter_args(%scan3A_290 = %broadcast_in_dim3A_15, %scan3A_291 = %broadcast_in_dim3A_15) -> (vector<16xf32>, vector<16xf32>)  : i32 {
      %mul3A_292 = arith.constant 16 : i32
      %mul3A_293 = arith.muli %scan3A_289, %mul3A_292 : i32
      %multiple_of3A = tpu.assume_multiple %mul3A_293, 16 : i32
      %get3A = arith.index_cast %multiple_of3A : i32 to index
      %get3A_294 = tpu.vector_load %arg6[%get3A] {strides = array<i32>} : memref<4096xi32, #tpu.memory_space<vmem>>, vector<16xi32>,
      %gather3A = tpu.vector_load_idx %arg5[%get3A_294] : memref<102400xi32, #tpu.memory_space<vmem>>[vector<16xi32>], vector<16xi32>,
      %shift_left3A = arith.constant 16 : i32
      %shift_left3A_295 = vector.broadcast %shift_left3A : i32 to vector<16xi32>
      %shift_left3A_296 = arith.shli %gather3A, %shift_left3A_295 : vector<16xi32>
      %bitcast3A = vector.bitcast %shift_left3A_296 : vector<16xi32> to vector<16xf32>
      %and3A = arith.constant -65536 : i32
      %and3A_297 = vector.broadcast %and3A : i32 to vector<16xi32>
      %and3A_298 = arith.andi %gather3A, %and3A_297 : vector<16xi32>
      %bitcast3A_299 = vector.bitcast %and3A_298 : vector<16xi32> to vector<16xf32>
      %mul3A_300 = vector.broadcast %scan3A : f32 to vector<16xf32>
      %mul3A_301 = arith.mulf %bitcast3A, %mul3A_300 : vector<16xf32>
      %exp3A = math.exp %mul3A_301 : vector<16xf32>
      %add3A_302 = arith.addf %scan3A_290, %exp3A : vector<16xf32>
      %mul3A_303 = vector.broadcast %scan3A : f32 to vector<16xf32>
      %mul3A_304 = arith.mulf %bitcast3A_299, %mul3A_303 : vector<16xf32>
      %exp3A_305 = math.exp %mul3A_304 : vector<16xf32>
      %add3A_306 = arith.addf %scan3A_291, %exp3A_305 : vector<16xf32>
      %scan3A_307 = arith.constant 1 : i32
      %scan3A_308 = arith.addi %scan3A_289, %scan3A_307 : i32
      %mul3A_309 = arith.constant 16 : i32
      %mul3A_310 = arith.muli %scan3A_308, %mul3A_309 : i32
      %multiple_of3A_311 = tpu.assume_multiple %mul3A_310, 16 : i32
      %get3A_312 = arith.index_cast %multiple_of3A_311 : i32 to index
      %get3A_313 = tpu.vector_load %arg6[%get3A_312] {strides = array<i32>} : memref<4096xi32, #tpu.memory_space<vmem>>, vector<16xi32>,
      %gather3A_314 = tpu.vector_load_idx %arg5[%get3A_313] : memref<102400xi32, #tpu.memory_space<vmem>>[vector<16xi32>], vector<16xi32>,
      %shift_left3A_315 = arith.constant 16 : i32
      %shift_left3A_316 = vector.broadcast %shift_left3A_315 : i32 to vector<16xi32>
      %shift_left3A_317 = arith.shli %gather3A_314, %shift_left3A_316 : vector<16xi32>
      %bitcast3A_318 = vector.bitcast %shift_left3A_317 : vector<16xi32> to vector<16xf32>
      %and3A_319 = arith.constant -65536 : i32
      %and3A_320 = vector.broadcast %and3A_319 : i32 to vector<16xi32>
      %and3A_321 = arith.andi %gather3A_314, %and3A_320 : vector<16xi32>
      %bitcast3A_322 = vector.bitcast %and3A_321 : vector<16xi32> to vector<16xf32>
      %mul3A_323 = vector.broadcast %scan3A : f32 to vector<16xf32>
      %mul3A_324 = arith.mulf %bitcast3A_318, %mul3A_323 : vector<16xf32>
      %exp3A_325 = math.exp %mul3A_324 : vector<16xf32>
      %add3A_326 = arith.addf %add3A_302, %exp3A_325 : vector<16xf32>
      %mul3A_327 = vector.broadcast %scan3A : f32 to vector<16xf32>
      %mul3A_328 = arith.mulf %bitcast3A_322, %mul3A_327 : vector<16xf32>
      %exp3A_329 = math.exp %mul3A_328 : vector<16xf32>
      %add3A_330 = arith.addf %add3A_306, %exp3A_329 : vector<16xf32>
      %scan3A_331 = arith.constant 2 : i32
      %scan3A_332 = arith.addi %scan3A_289, %scan3A_331 : i32
      %mul3A_333 = arith.constant 16 : i32
      %mul3A_334 = arith.muli %scan3A_332, %mul3A_333 : i32
      %multiple_of3A_335 = tpu.assume_multiple %mul3A_334, 16 : i32
      %get3A_336 = arith.index_cast %multiple_of3A_335 : i32 to index
      %get3A_337 = tpu.vector_load %arg6[%get3A_336] {strides = array<i32>} : memref<4096xi32, #tpu.memory_space<vmem>>, vector<16xi32>,
      %gather3A_338 = tpu.vector_load_idx %arg5[%get3A_337] : memref<102400xi32, #tpu.memory_space<vmem>>[vector<16xi32>], vector<16xi32>,
      %shift_left3A_339 = arith.constant 16 : i32
      %shift_left3A_340 = vector.broadcast %shift_left3A_339 : i32 to vector<16xi32>
      %shift_left3A_341 = arith.shli %gather3A_338, %shift_left3A_340 : vector<16xi32>
      %bitcast3A_342 = vector.bitcast %shift_left3A_341 : vector<16xi32> to vector<16xf32>
      %and3A_343 = arith.constant -65536 : i32
      %and3A_344 = vector.broadcast %and3A_343 : i32 to vector<16xi32>
      %and3A_345 = arith.andi %gather3A_338, %and3A_344 : vector<16xi32>
      %bitcast3A_346 = vector.bitcast %and3A_345 : vector<16xi32> to vector<16xf32>
      %mul3A_347 = vector.broadcast %scan3A : f32 to vector<16xf32>
      %mul3A_348 = arith.mulf %bitcast3A_342, %mul3A_347 : vector<16xf32>
      %exp3A_349 = math.exp %mul3A_348 : vector<16xf32>
      %add3A_350 = arith.addf %add3A_326, %exp3A_349 : vector<16xf32>
      %mul3A_351 = vector.broadcast %scan3A : f32 to vector<16xf32>
      %mul3A_352 = arith.mulf %bitcast3A_346, %mul3A_351 : vector<16xf32>
      %exp3A_353 = math.exp %mul3A_352 : vector<16xf32>
      %add3A_354 = arith.addf %add3A_330, %exp3A_353 : vector<16xf32>
      %scan3A_355 = arith.constant 3 : i32
      %scan3A_356 = arith.addi %scan3A_289, %scan3A_355 : i32
      %mul3A_357 = arith.constant 16 : i32
      %mul3A_358 = arith.muli %scan3A_356, %mul3A_357 : i32
      %multiple_of3A_359 = tpu.assume_multiple %mul3A_358, 16 : i32
      %get3A_360 = arith.index_cast %multiple_of3A_359 : i32 to index
      %get3A_361 = tpu.vector_load %arg6[%get3A_360] {strides = array<i32>} : memref<4096xi32, #tpu.memory_space<vmem>>, vector<16xi32>,
      %gather3A_362 = tpu.vector_load_idx %arg5[%get3A_361] : memref<102400xi32, #tpu.memory_space<vmem>>[vector<16xi32>], vector<16xi32>,
      %shift_left3A_363 = arith.constant 16 : i32
      %shift_left3A_364 = vector.broadcast %shift_left3A_363 : i32 to vector<16xi32>
      %shift_left3A_365 = arith.shli %gather3A_362, %shift_left3A_364 : vector<16xi32>
      %bitcast3A_366 = vector.bitcast %shift_left3A_365 : vector<16xi32> to vector<16xf32>
      %and3A_367 = arith.constant -65536 : i32
      %and3A_368 = vector.broadcast %and3A_367 : i32 to vector<16xi32>
      %and3A_369 = arith.andi %gather3A_362, %and3A_368 : vector<16xi32>
      %bitcast3A_370 = vector.bitcast %and3A_369 : vector<16xi32> to vector<16xf32>
      %mul3A_371 = vector.broadcast %scan3A : f32 to vector<16xf32>
      %mul3A_372 = arith.mulf %bitcast3A_366, %mul3A_371 : vector<16xf32>
      %exp3A_373 = math.exp %mul3A_372 : vector<16xf32>
      %add3A_374 = arith.addf %add3A_350, %exp3A_373 : vector<16xf32>
      %mul3A_375 = vector.broadcast %scan3A : f32 to vector<16xf32>
      %mul3A_376 = arith.mulf %bitcast3A_370, %mul3A_375 : vector<16xf32>
      %exp3A_377 = math.exp %mul3A_376 : vector<16xf32>
      %add3A_378 = arith.addf %add3A_354, %exp3A_377 : vector<16xf32>
      scf.yield %add3A_374, %add3A_378 : vector<16xf32>, vector<16xf32>
    }
    %scan3A_21 = arith.constant 256 : i32
    %add3A_22 = arith.constant 0 : i32
    %add3A_23 = arith.addi %mul3A_2, %add3A_22 : i32
    %add3A_24 = arith.constant 1 : i32
    %add3A_25 = arith.addi %add3A_23, %add3A_24 : i32
    %dma_start3A_26 = arith.constant 0 : i32
    %dma_start3A_27 = tpu.memref_slice %arg2[%add3A_25, %dma_start3A_26] : memref<256x102400xi32, #tpu.memory_space<hbm>> -> memref<1x102400xi32, #tpu.memory_space<hbm>>
    %dma_start3A_28 = tpu.memref_squeeze %dma_start3A_27 : memref<1x102400xi32, #tpu.memory_space<hbm>> -> memref<102400xi32, #tpu.memory_space<hbm>>
    %dma_start3A_29 = arith.constant 0 : i32
    %dma_start3A_30 = tpu.memref_slice %arg2[%add3A_25, %dma_start3A_29] : memref<256x102400xi32, #tpu.memory_space<hbm>> -> memref<1x102400xi32, #tpu.memory_space<hbm>>
    %dma_start3A_31 = tpu.memref_squeeze %dma_start3A_30 : memref<1x102400xi32, #tpu.memory_space<hbm>> -> memref<102400xi32, #tpu.memory_space<hbm>>
    tpu.enqueue_dma source(%dma_start3A_31 : memref<102400xi32, #tpu.memory_space<hbm>>) target(%arg5 : memref<102400xi32, #tpu.memory_space<vmem>>) target_semaphore(%arg9 : memref<!tpu.dma_semaphore, #tpu.memory_space<semaphore_mem>>)
    %swap3A = arith.constant 0 : index
    %swap3A_32 = tpu.vector_load %arg7[%swap3A] {strides = array<i32>} : memref<16xf32, #tpu.memory_space<vmem>>, vector<16xf32>,
    tpu.vector_store %arg7[%swap3A], %scan3A_20#0 {strides = array<i32>} : memref<16xf32, #tpu.memory_space<vmem>>, vector<16xf32>,
    %swap3A_33 = arith.constant 0 : index
    %swap3A_34 = tpu.vector_load %arg8[%swap3A_33] {strides = array<i32>} : memref<16xf32, #tpu.memory_space<vmem>>, vector<16xf32>,
    tpu.vector_store %arg8[%swap3A_33], %scan3A_20#1 {strides = array<i32>} : memref<16xf32, #tpu.memory_space<vmem>>, vector<16xf32>,
    %add3A_35 = arith.constant 0 : i32
    %add3A_36 = arith.addi %mul3A_2, %add3A_35 : i32
    %run_scoped3A = arith.constant 0 : i32
    "tpu.region"() ({
      %run_scoped3A_289 = tpu.sem_alloc : memref<!tpu.dma_semaphore, #tpu.memory_space<semaphore_mem>>
      %dma_start3A_290 = arith.constant 0 : i32
      %dma_start3A_291 = tpu.memref_slice %arg4[%run_scoped3A, %add3A_36, %dma_start3A_290] : memref<2x256x16xf32, #tpu.memory_space<hbm>> -> memref<1x1x16xf32, #tpu.memory_space<hbm>>
      %dma_start3A_292 = tpu.memref_squeeze %dma_start3A_291 : memref<1x1x16xf32, #tpu.memory_space<hbm>> -> memref<16xf32, #tpu.memory_space<hbm>>
      %dma_start3A_293 = arith.constant 0 : i32
      %dma_start3A_294 = tpu.memref_slice %arg4[%run_scoped3A, %add3A_36, %dma_start3A_293] : memref<2x256x16xf32, #tpu.memory_space<hbm>> -> memref<1x1x16xf32, #tpu.memory_space<hbm>>
      %dma_start3A_295 = tpu.memref_squeeze %dma_start3A_294 : memref<1x1x16xf32, #tpu.memory_space<hbm>> -> memref<16xf32, #tpu.memory_space<hbm>>
      tpu.enqueue_dma source(%arg7 : memref<16xf32, #tpu.memory_space<vmem>>) target(%dma_start3A_295 : memref<16xf32, #tpu.memory_space<hbm>>) target_semaphore(%run_scoped3A_289 : memref<!tpu.dma_semaphore, #tpu.memory_space<semaphore_mem>>)
      %dma_wait3A_296 = arith.constant 0 : i32
      %dma_wait3A_297 = tpu.memref_slice %arg4[%run_scoped3A, %add3A_36, %dma_wait3A_296] : memref<2x256x16xf32, #tpu.memory_space<hbm>> -> memref<1x1x16xf32, #tpu.memory_space<hbm>>
      %dma_wait3A_298 = tpu.memref_squeeze %dma_wait3A_297 : memref<1x1x16xf32, #tpu.memory_space<hbm>> -> memref<16xf32, #tpu.memory_space<hbm>>
      %dma_wait3A_299 = arith.constant 0 : i32
      %dma_wait3A_300 = tpu.memref_slice %arg4[%run_scoped3A, %add3A_36, %dma_wait3A_299] : memref<2x256x16xf32, #tpu.memory_space<hbm>> -> memref<1x1x16xf32, #tpu.memory_space<hbm>>
      %dma_wait3A_301 = tpu.memref_squeeze %dma_wait3A_300 : memref<1x1x16xf32, #tpu.memory_space<hbm>> -> memref<16xf32, #tpu.memory_space<hbm>>
      tpu.wait_dma2 semaphore(%run_scoped3A_289 : memref<!tpu.dma_semaphore, #tpu.memory_space<semaphore_mem>>) src(%arg7 : memref<16xf32, #tpu.memory_space<vmem>>) dst(%dma_wait3A_301 : memref<16xf32, #tpu.memory_space<hbm>>)
      tpu.yield
    }) : () -> ()
    %add3A_37 = arith.constant 0 : i32
    %add3A_38 = arith.addi %mul3A_2, %add3A_37 : i32
    %run_scoped3A_39 = arith.constant 1 : i32
    "tpu.region"() ({
      %run_scoped3A_289 = tpu.sem_alloc : memref<!tpu.dma_semaphore, #tpu.memory_space<semaphore_mem>>
      %dma_start3A_290 = arith.constant 0 : i32
      %dma_start3A_291 = tpu.memref_slice %arg4[%run_scoped3A_39, %add3A_38, %dma_start3A_290] : memref<2x256x16xf32, #tpu.memory_space<hbm>> -> memref<1x1x16xf32, #tpu.memory_space<hbm>>
      %dma_start3A_292 = tpu.memref_squeeze %dma_start3A_291 : memref<1x1x16xf32, #tpu.memory_space<hbm>> -> memref<16xf32, #tpu.memory_space<hbm>>
      %dma_start3A_293 = arith.constant 0 : i32
      %dma_start3A_294 = tpu.memref_slice %arg4[%run_scoped3A_39, %add3A_38, %dma_start3A_293] : memref<2x256x16xf32, #tpu.memory_space<hbm>> -> memref<1x1x16xf32, #tpu.memory_space<hbm>>
      %dma_start3A_295 = tpu.memref_squeeze %dma_start3A_294 : memref<1x1x16xf32, #tpu.memory_space<hbm>> -> memref<16xf32, #tpu.memory_space<hbm>>
      tpu.enqueue_dma source(%arg8 : memref<16xf32, #tpu.memory_space<vmem>>) target(%dma_start3A_295 : memref<16xf32, #tpu.memory_space<hbm>>) target_semaphore(%run_scoped3A_289 : memref<!tpu.dma_semaphore, #tpu.memory_space<semaphore_mem>>)
      %dma_wait3A_296 = arith.constant 0 : i32
      %dma_wait3A_297 = tpu.memref_slice %arg4[%run_scoped3A_39, %add3A_38, %dma_wait3A_296] : memref<2x256x16xf32, #tpu.memory_space<hbm>> -> memref<1x1x16xf32, #tpu.memory_space<hbm>>
      %dma_wait3A_298 = tpu.memref_squeeze %dma_wait3A_297 : memref<1x1x16xf32, #tpu.memory_space<hbm>> -> memref<16xf32, #tpu.memory_space<hbm>>
      %dma_wait3A_299 = arith.constant 0 : i32
      %dma_wait3A_300 = tpu.memref_slice %arg4[%run_scoped3A_39, %add3A_38, %dma_wait3A_299] : memref<2x256x16xf32, #tpu.memory_space<hbm>> -> memref<1x1x16xf32, #tpu.memory_space<hbm>>
      %dma_wait3A_301 = tpu.memref_squeeze %dma_wait3A_300 : memref<1x1x16xf32, #tpu.memory_space<hbm>> -> memref<16xf32, #tpu.memory_space<hbm>>
      tpu.wait_dma2 semaphore(%run_scoped3A_289 : memref<!tpu.dma_semaphore, #tpu.memory_space<semaphore_mem>>) src(%arg8 : memref<16xf32, #tpu.memory_space<vmem>>) dst(%dma_wait3A_301 : memref<16xf32, #tpu.memory_space<hbm>>)
      tpu.yield
    }) : () -> ()
    %add3A_40 = arith.constant 1 : i32
    %add3A_41 = arith.addi %mul3A_2, %add3A_40 : i32
    "tpu.region"() ({
      %run_scoped3A_289 = tpu.sem_alloc : memref<!tpu.dma_semaphore, #tpu.memory_space<semaphore_mem>>
      %dma_start3A_290 = arith.constant 0 : i32
      %dma_start3A_291 = tpu.memref_slice %arg3[%add3A_41, %dma_start3A_290] : memref<256x4096xi32, #tpu.memory_space<hbm>> -> memref<1x4096xi32, #tpu.memory_space<hbm>>
      %dma_start3A_292 = tpu.memref_squeeze %dma_start3A_291 : memref<1x4096xi32, #tpu.memory_space<hbm>> -> memref<4096xi32, #tpu.memory_space<hbm>>
      %dma_start3A_293 = arith.constant 0 : i32
      %dma_start3A_294 = tpu.memref_slice %arg3[%add3A_41, %dma_start3A_293] : memref<256x4096xi32, #tpu.memory_space<hbm>> -> memref<1x4096xi32, #tpu.memory_space<hbm>>
      %dma_start3A_295 = tpu.memref_squeeze %dma_start3A_294 : memref<1x4096xi32, #tpu.memory_space<hbm>> -> memref<4096xi32, #tpu.memory_space<hbm>>
      tpu.enqueue_dma source(%dma_start3A_295 : memref<4096xi32, #tpu.memory_space<hbm>>) target(%arg6 : memref<4096xi32, #tpu.memory_space<vmem>>) target_semaphore(%run_scoped3A_289 : memref<!tpu.dma_semaphore, #tpu.memory_space<semaphore_mem>>)
      %dma_wait3A_296 = arith.constant 0 : i32
      %dma_wait3A_297 = tpu.memref_slice %arg3[%add3A_41, %dma_wait3A_296] : memref<256x4096xi32, #tpu.memory_space<hbm>> -> memref<1x4096xi32, #tpu.memory_space<hbm>>
      %dma_wait3A_298 = tpu.memref_squeeze %dma_wait3A_297 : memref<1x4096xi32, #tpu.memory_space<hbm>> -> memref<4096xi32, #tpu.memory_space<hbm>>
      %dma_wait3A_299 = arith.constant 0 : i32
      %dma_wait3A_300 = tpu.memref_slice %arg3[%add3A_41, %dma_wait3A_299] : memref<256x4096xi32, #tpu.memory_space<hbm>> -> memref<1x4096xi32, #tpu.memory_space<hbm>>
      %dma_wait3A_301 = tpu.memref_squeeze %dma_wait3A_300 : memref<1x4096xi32, #tpu.memory_space<hbm>> -> memref<4096xi32, #tpu.memory_space<hbm>>
      tpu.wait_dma2 semaphore(%run_scoped3A_289 : memref<!tpu.dma_semaphore, #tpu.memory_space<semaphore_mem>>) src(%dma_wait3A_301 : memref<4096xi32, #tpu.memory_space<hbm>>) dst(%arg6 : memref<4096xi32, #tpu.memory_space<vmem>>)
      tpu.yield
    }) : () -> ()
    %dma_wait3A_42 = arith.constant 0 : i32
    %dma_wait3A_43 = tpu.memref_slice %arg2[%add3A_25, %dma_wait3A_42] : memref<256x102400xi32, #tpu.memory_space<hbm>> -> memref<1x102400xi32, #tpu.memory_space<hbm>>
    %dma_wait3A_44 = tpu.memref_squeeze %dma_wait3A_43 : memref<1x102400xi32, #tpu.memory_space<hbm>> -> memref<102400xi32, #tpu.memory_space<hbm>>
    %dma_wait3A_45 = arith.constant 0 : i32
    %dma_wait3A_46 = tpu.memref_slice %arg2[%add3A_25, %dma_wait3A_45] : memref<256x102400xi32, #tpu.memory_space<hbm>> -> memref<1x102400xi32, #tpu.memory_space<hbm>>
    %dma_wait3A_47 = tpu.memref_squeeze %dma_wait3A_46 : memref<1x102400xi32, #tpu.memory_space<hbm>> -> memref<102400xi32, #tpu.memory_space<hbm>>
    tpu.wait_dma2 semaphore(%arg9 : memref<!tpu.dma_semaphore, #tpu.memory_space<semaphore_mem>>) src(%dma_wait3A_47 : memref<102400xi32, #tpu.memory_space<hbm>>) dst(%arg5 : memref<102400xi32, #tpu.memory_space<vmem>>)
    %broadcast_in_dim3A_48 = arith.constant 0.000000e+00 : f32
    %broadcast_in_dim3A_49 = vector.broadcast %broadcast_in_dim3A_48 : f32 to vector<16xf32>
    %scan3A_50 = arith.constant 14.2857141 : f32
    %scan3A_51 = arith.constant 0 : i32
    %scan3A_52 = arith.constant 256 : i32
    %scan3A_53 = arith.addi %scan3A_51, %scan3A_52 : i32
    %scan3A_54 = arith.constant 4 : i32
    %scan3A_55:2 = scf.for %scan3A_289 = %scan3A_51 to %scan3A_53 step %scan3A_54 iter_args(%scan3A_290 = %broadcast_in_dim3A_49, %scan3A_291 = %broadcast_in_dim3A_49) -> (vector<16xf32>, vector<16xf32>)  : i32 {
      %mul3A_292 = arith.constant 16 : i32
      %mul3A_293 = arith.muli %scan3A_289, %mul3A_292 : i32
      %multiple_of3A = tpu.assume_multiple %mul3A_293, 16 : i32
      %get3A = arith.index_cast %multiple_of3A : i32 to index
      %get3A_294 = tpu.vector_load %arg6[%get3A] {strides = array<i32>} : memref<4096xi32, #tpu.memory_space<vmem>>, vector<16xi32>,
      %gather3A = tpu.vector_load_idx %arg5[%get3A_294] : memref<102400xi32, #tpu.memory_space<vmem>>[vector<16xi32>], vector<16xi32>,
      %shift_left3A = arith.constant 16 : i32
      %shift_left3A_295 = vector.broadcast %shift_left3A : i32 to vector<16xi32>
      %shift_left3A_296 = arith.shli %gather3A, %shift_left3A_295 : vector<16xi32>
      %bitcast3A = vector.bitcast %shift_left3A_296 : vector<16xi32> to vector<16xf32>
      %and3A = arith.constant -65536 : i32
      %and3A_297 = vector.broadcast %and3A : i32 to vector<16xi32>
      %and3A_298 = arith.andi %gather3A, %and3A_297 : vector<16xi32>
      %bitcast3A_299 = vector.bitcast %and3A_298 : vector<16xi32> to vector<16xf32>
      %mul3A_300 = vector.broadcast %scan3A_50 : f32 to vector<16xf32>
      %mul3A_301 = arith.mulf %bitcast3A, %mul3A_300 : vector<16xf32>
      %exp3A = math.exp %mul3A_301 : vector<16xf32>
      %add3A_302 = arith.addf %scan3A_290, %exp3A : vector<16xf32>
      %mul3A_303 = vector.broadcast %scan3A_50 : f32 to vector<16xf32>
      %mul3A_304 = arith.mulf %bitcast3A_299, %mul3A_303 : vector<16xf32>
      %exp3A_305 = math.exp %mul3A_304 : vector<16xf32>
      %add3A_306 = arith.addf %scan3A_291, %exp3A_305 : vector<16xf32>
      %scan3A_307 = arith.constant 1 : i32
      %scan3A_308 = arith.addi %scan3A_289, %scan3A_307 : i32
      %mul3A_309 = arith.constant 16 : i32
      %mul3A_310 = arith.muli %scan3A_308, %mul3A_309 : i32
      %multiple_of3A_311 = tpu.assume_multiple %mul3A_310, 16 : i32
      %get3A_312 = arith.index_cast %multiple_of3A_311 : i32 to index
      %get3A_313 = tpu.vector_load %arg6[%get3A_312] {strides = array<i32>} : memref<4096xi32, #tpu.memory_space<vmem>>, vector<16xi32>,
      %gather3A_314 = tpu.vector_load_idx %arg5[%get3A_313] : memref<102400xi32, #tpu.memory_space<vmem>>[vector<16xi32>], vector<16xi32>,
      %shift_left3A_315 = arith.constant 16 : i32
      %shift_left3A_316 = vector.broadcast %shift_left3A_315 : i32 to vector<16xi32>
      %shift_left3A_317 = arith.shli %gather3A_314, %shift_left3A_316 : vector<16xi32>
      %bitcast3A_318 = vector.bitcast %shift_left3A_317 : vector<16xi32> to vector<16xf32>
      %and3A_319 = arith.constant -65536 : i32
      %and3A_320 = vector.broadcast %and3A_319 : i32 to vector<16xi32>
      %and3A_321 = arith.andi %gather3A_314, %and3A_320 : vector<16xi32>
      %bitcast3A_322 = vector.bitcast %and3A_321 : vector<16xi32> to vector<16xf32>
      %mul3A_323 = vector.broadcast %scan3A_50 : f32 to vector<16xf32>
      %mul3A_324 = arith.mulf %bitcast3A_318, %mul3A_323 : vector<16xf32>
      %exp3A_325 = math.exp %mul3A_324 : vector<16xf32>
      %add3A_326 = arith.addf %add3A_302, %exp3A_325 : vector<16xf32>
      %mul3A_327 = vector.broadcast %scan3A_50 : f32 to vector<16xf32>
      %mul3A_328 = arith.mulf %bitcast3A_322, %mul3A_327 : vector<16xf32>
      %exp3A_329 = math.exp %mul3A_328 : vector<16xf32>
      %add3A_330 = arith.addf %add3A_306, %exp3A_329 : vector<16xf32>
      %scan3A_331 = arith.constant 2 : i32
      %scan3A_332 = arith.addi %scan3A_289, %scan3A_331 : i32
      %mul3A_333 = arith.constant 16 : i32
      %mul3A_334 = arith.muli %scan3A_332, %mul3A_333 : i32
      %multiple_of3A_335 = tpu.assume_multiple %mul3A_334, 16 : i32
      %get3A_336 = arith.index_cast %multiple_of3A_335 : i32 to index
      %get3A_337 = tpu.vector_load %arg6[%get3A_336] {strides = array<i32>} : memref<4096xi32, #tpu.memory_space<vmem>>, vector<16xi32>,
      %gather3A_338 = tpu.vector_load_idx %arg5[%get3A_337] : memref<102400xi32, #tpu.memory_space<vmem>>[vector<16xi32>], vector<16xi32>,
      %shift_left3A_339 = arith.constant 16 : i32
      %shift_left3A_340 = vector.broadcast %shift_left3A_339 : i32 to vector<16xi32>
      %shift_left3A_341 = arith.shli %gather3A_338, %shift_left3A_340 : vector<16xi32>
      %bitcast3A_342 = vector.bitcast %shift_left3A_341 : vector<16xi32> to vector<16xf32>
      %and3A_343 = arith.constant -65536 : i32
      %and3A_344 = vector.broadcast %and3A_343 : i32 to vector<16xi32>
      %and3A_345 = arith.andi %gather3A_338, %and3A_344 : vector<16xi32>
      %bitcast3A_346 = vector.bitcast %and3A_345 : vector<16xi32> to vector<16xf32>
      %mul3A_347 = vector.broadcast %scan3A_50 : f32 to vector<16xf32>
      %mul3A_348 = arith.mulf %bitcast3A_342, %mul3A_347 : vector<16xf32>
      %exp3A_349 = math.exp %mul3A_348 : vector<16xf32>
      %add3A_350 = arith.addf %add3A_326, %exp3A_349 : vector<16xf32>
      %mul3A_351 = vector.broadcast %scan3A_50 : f32 to vector<16xf32>
      %mul3A_352 = arith.mulf %bitcast3A_346, %mul3A_351 : vector<16xf32>
      %exp3A_353 = math.exp %mul3A_352 : vector<16xf32>
      %add3A_354 = arith.addf %add3A_330, %exp3A_353 : vector<16xf32>
      %scan3A_355 = arith.constant 3 : i32
      %scan3A_356 = arith.addi %scan3A_289, %scan3A_355 : i32
      %mul3A_357 = arith.constant 16 : i32
      %mul3A_358 = arith.muli %scan3A_356, %mul3A_357 : i32
      %multiple_of3A_359 = tpu.assume_multiple %mul3A_358, 16 : i32
      %get3A_360 = arith.index_cast %multiple_of3A_359 : i32 to index
      %get3A_361 = tpu.vector_load %arg6[%get3A_360] {strides = array<i32>} : memref<4096xi32, #tpu.memory_space<vmem>>, vector<16xi32>,
      %gather3A_362 = tpu.vector_load_idx %arg5[%get3A_361] : memref<102400xi32, #tpu.memory_space<vmem>>[vector<16xi32>], vector<16xi32>,
      %shift_left3A_363 = arith.constant 16 : i32
      %shift_left3A_364 = vector.broadcast %shift_left3A_363 : i32 to vector<16xi32>
      %shift_left3A_365 = arith.shli %gather3A_362, %shift_left3A_364 : vector<16xi32>
      %bitcast3A_366 = vector.bitcast %shift_left3A_365 : vector<16xi32> to vector<16xf32>
      %and3A_367 = arith.constant -65536 : i32
      %and3A_368 = vector.broadcast %and3A_367 : i32 to vector<16xi32>
      %and3A_369 = arith.andi %gather3A_362, %and3A_368 : vector<16xi32>
      %bitcast3A_370 = vector.bitcast %and3A_369 : vector<16xi32> to vector<16xf32>
      %mul3A_371 = vector.broadcast %scan3A_50 : f32 to vector<16xf32>
      %mul3A_372 = arith.mulf %bitcast3A_366, %mul3A_371 : vector<16xf32>
      %exp3A_373 = math.exp %mul3A_372 : vector<16xf32>
      %add3A_374 = arith.addf %add3A_350, %exp3A_373 : vector<16xf32>
      %mul3A_375 = vector.broadcast %scan3A_50 : f32 to vector<16xf32>
      %mul3A_376 = arith.mulf %bitcast3A_370, %mul3A_375 : vector<16xf32>
      %exp3A_377 = math.exp %mul3A_376 : vector<16xf32>
      %add3A_378 = arith.addf %add3A_354, %exp3A_377 : vector<16xf32>
      scf.yield %add3A_374, %add3A_378 : vector<16xf32>, vector<16xf32>
    }
    %scan3A_56 = arith.constant 256 : i32
    %add3A_57 = arith.constant 1 : i32
    %add3A_58 = arith.addi %mul3A_2, %add3A_57 : i32
    %add3A_59 = arith.constant 1 : i32
    %add3A_60 = arith.addi %add3A_58, %add3A_59 : i32
    %dma_start3A_61 = arith.constant 0 : i32
    %dma_start3A_62 = tpu.memref_slice %arg2[%add3A_60, %dma_start3A_61] : memref<256x102400xi32, #tpu.memory_space<hbm>> -> memref<1x102400xi32, #tpu.memory_space<hbm>>
    %dma_start3A_63 = tpu.memref_squeeze %dma_start3A_62 : memref<1x102400xi32, #tpu.memory_space<hbm>> -> memref<102400xi32, #tpu.memory_space<hbm>>
    %dma_start3A_64 = arith.constant 0 : i32
    %dma_start3A_65 = tpu.memref_slice %arg2[%add3A_60, %dma_start3A_64] : memref<256x102400xi32, #tpu.memory_space<hbm>> -> memref<1x102400xi32, #tpu.memory_space<hbm>>
    %dma_start3A_66 = tpu.memref_squeeze %dma_start3A_65 : memref<1x102400xi32, #tpu.memory_space<hbm>> -> memref<102400xi32, #tpu.memory_space<hbm>>
    tpu.enqueue_dma source(%dma_start3A_66 : memref<102400xi32, #tpu.memory_space<hbm>>) target(%arg5 : memref<102400xi32, #tpu.memory_space<vmem>>) target_semaphore(%arg9 : memref<!tpu.dma_semaphore, #tpu.memory_space<semaphore_mem>>)
    %swap3A_67 = arith.constant 0 : index
    %swap3A_68 = tpu.vector_load %arg7[%swap3A_67] {strides = array<i32>} : memref<16xf32, #tpu.memory_space<vmem>>, vector<16xf32>,
    tpu.vector_store %arg7[%swap3A_67], %scan3A_55#0 {strides = array<i32>} : memref<16xf32, #tpu.memory_space<vmem>>, vector<16xf32>,
    %swap3A_69 = arith.constant 0 : index
    %swap3A_70 = tpu.vector_load %arg8[%swap3A_69] {strides = array<i32>} : memref<16xf32, #tpu.memory_space<vmem>>, vector<16xf32>,
    tpu.vector_store %arg8[%swap3A_69], %scan3A_55#1 {strides = array<i32>} : memref<16xf32, #tpu.memory_space<vmem>>, vector<16xf32>,
    %add3A_71 = arith.constant 1 : i32
    %add3A_72 = arith.addi %mul3A_2, %add3A_71 : i32
    %run_scoped3A_73 = arith.constant 0 : i32
    "tpu.region"() ({
      %run_scoped3A_289 = tpu.sem_alloc : memref<!tpu.dma_semaphore, #tpu.memory_space<semaphore_mem>>
      %dma_start3A_290 = arith.constant 0 : i32
      %dma_start3A_291 = tpu.memref_slice %arg4[%run_scoped3A_73, %add3A_72, %dma_start3A_290] : memref<2x256x16xf32, #tpu.memory_space<hbm>> -> memref<1x1x16xf32, #tpu.memory_space<hbm>>
      %dma_start3A_292 = tpu.memref_squeeze %dma_start3A_291 : memref<1x1x16xf32, #tpu.memory_space<hbm>> -> memref<16xf32, #tpu.memory_space<hbm>>
      %dma_start3A_293 = arith.constant 0 : i32
      %dma_start3A_294 = tpu.memref_slice %arg4[%run_scoped3A_73, %add3A_72, %dma_start3A_293] : memref<2x256x16xf32, #tpu.memory_space<hbm>> -> memref<1x1x16xf32, #tpu.memory_space<hbm>>
      %dma_start3A_295 = tpu.memref_squeeze %dma_start3A_294 : memref<1x1x16xf32, #tpu.memory_space<hbm>> -> memref<16xf32, #tpu.memory_space<hbm>>
      tpu.enqueue_dma source(%arg7 : memref<16xf32, #tpu.memory_space<vmem>>) target(%dma_start3A_295 : memref<16xf32, #tpu.memory_space<hbm>>) target_semaphore(%run_scoped3A_289 : memref<!tpu.dma_semaphore, #tpu.memory_space<semaphore_mem>>)
      %dma_wait3A_296 = arith.constant 0 : i32
      %dma_wait3A_297 = tpu.memref_slice %arg4[%run_scoped3A_73, %add3A_72, %dma_wait3A_296] : memref<2x256x16xf32, #tpu.memory_space<hbm>> -> memref<1x1x16xf32, #tpu.memory_space<hbm>>
      %dma_wait3A_298 = tpu.memref_squeeze %dma_wait3A_297 : memref<1x1x16xf32, #tpu.memory_space<hbm>> -> memref<16xf32, #tpu.memory_space<hbm>>
      %dma_wait3A_299 = arith.constant 0 : i32
      %dma_wait3A_300 = tpu.memref_slice %arg4[%run_scoped3A_73, %add3A_72, %dma_wait3A_299] : memref<2x256x16xf32, #tpu.memory_space<hbm>> -> memref<1x1x16xf32, #tpu.memory_space<hbm>>
      %dma_wait3A_301 = tpu.memref_squeeze %dma_wait3A_300 : memref<1x1x16xf32, #tpu.memory_space<hbm>> -> memref<16xf32, #tpu.memory_space<hbm>>
      tpu.wait_dma2 semaphore(%run_scoped3A_289 : memref<!tpu.dma_semaphore, #tpu.memory_space<semaphore_mem>>) src(%arg7 : memref<16xf32, #tpu.memory_space<vmem>>) dst(%dma_wait3A_301 : memref<16xf32, #tpu.memory_space<hbm>>)
      tpu.yield
    }) : () -> ()
    %add3A_74 = arith.constant 1 : i32
    %add3A_75 = arith.addi %mul3A_2, %add3A_74 : i32
    %run_scoped3A_76 = arith.constant 1 : i32
    "tpu.region"() ({
      %run_scoped3A_289 = tpu.sem_alloc : memref<!tpu.dma_semaphore, #tpu.memory_space<semaphore_mem>>
      %dma_start3A_290 = arith.constant 0 : i32
      %dma_start3A_291 = tpu.memref_slice %arg4[%run_scoped3A_76, %add3A_75, %dma_start3A_290] : memref<2x256x16xf32, #tpu.memory_space<hbm>> -> memref<1x1x16xf32, #tpu.memory_space<hbm>>
      %dma_start3A_292 = tpu.memref_squeeze %dma_start3A_291 : memref<1x1x16xf32, #tpu.memory_space<hbm>> -> memref<16xf32, #tpu.memory_space<hbm>>
      %dma_start3A_293 = arith.constant 0 : i32
      %dma_start3A_294 = tpu.memref_slice %arg4[%run_scoped3A_76, %add3A_75, %dma_start3A_293] : memref<2x256x16xf32, #tpu.memory_space<hbm>> -> memref<1x1x16xf32, #tpu.memory_space<hbm>>
      %dma_start3A_295 = tpu.memref_squeeze %dma_start3A_294 : memref<1x1x16xf32, #tpu.memory_space<hbm>> -> memref<16xf32, #tpu.memory_space<hbm>>
      tpu.enqueue_dma source(%arg8 : memref<16xf32, #tpu.memory_space<vmem>>) target(%dma_start3A_295 : memref<16xf32, #tpu.memory_space<hbm>>) target_semaphore(%run_scoped3A_289 : memref<!tpu.dma_semaphore, #tpu.memory_space<semaphore_mem>>)
      %dma_wait3A_296 = arith.constant 0 : i32
      %dma_wait3A_297 = tpu.memref_slice %arg4[%run_scoped3A_76, %add3A_75, %dma_wait3A_296] : memref<2x256x16xf32, #tpu.memory_space<hbm>> -> memref<1x1x16xf32, #tpu.memory_space<hbm>>
      %dma_wait3A_298 = tpu.memref_squeeze %dma_wait3A_297 : memref<1x1x16xf32, #tpu.memory_space<hbm>> -> memref<16xf32, #tpu.memory_space<hbm>>
      %dma_wait3A_299 = arith.constant 0 : i32
      %dma_wait3A_300 = tpu.memref_slice %arg4[%run_scoped3A_76, %add3A_75, %dma_wait3A_299] : memref<2x256x16xf32, #tpu.memory_space<hbm>> -> memref<1x1x16xf32, #tpu.memory_space<hbm>>
      %dma_wait3A_301 = tpu.memref_squeeze %dma_wait3A_300 : memref<1x1x16xf32, #tpu.memory_space<hbm>> -> memref<16xf32, #tpu.memory_space<hbm>>
      tpu.wait_dma2 semaphore(%run_scoped3A_289 : memref<!tpu.dma_semaphore, #tpu.memory_space<semaphore_mem>>) src(%arg8 : memref<16xf32, #tpu.memory_space<vmem>>) dst(%dma_wait3A_301 : memref<16xf32, #tpu.memory_space<hbm>>)
      tpu.yield
    }) : () -> ()
    %add3A_77 = arith.constant 2 : i32
    %add3A_78 = arith.addi %mul3A_2, %add3A_77 : i32
    "tpu.region"() ({
      %run_scoped3A_289 = tpu.sem_alloc : memref<!tpu.dma_semaphore, #tpu.memory_space<semaphore_mem>>
      %dma_start3A_290 = arith.constant 0 : i32
      %dma_start3A_291 = tpu.memref_slice %arg3[%add3A_78, %dma_start3A_290] : memref<256x4096xi32, #tpu.memory_space<hbm>> -> memref<1x4096xi32, #tpu.memory_space<hbm>>
      %dma_start3A_292 = tpu.memref_squeeze %dma_start3A_291 : memref<1x4096xi32, #tpu.memory_space<hbm>> -> memref<4096xi32, #tpu.memory_space<hbm>>
      %dma_start3A_293 = arith.constant 0 : i32
      %dma_start3A_294 = tpu.memref_slice %arg3[%add3A_78, %dma_start3A_293] : memref<256x4096xi32, #tpu.memory_space<hbm>> -> memref<1x4096xi32, #tpu.memory_space<hbm>>
      %dma_start3A_295 = tpu.memref_squeeze %dma_start3A_294 : memref<1x4096xi32, #tpu.memory_space<hbm>> -> memref<4096xi32, #tpu.memory_space<hbm>>
      tpu.enqueue_dma source(%dma_start3A_295 : memref<4096xi32, #tpu.memory_space<hbm>>) target(%arg6 : memref<4096xi32, #tpu.memory_space<vmem>>) target_semaphore(%run_scoped3A_289 : memref<!tpu.dma_semaphore, #tpu.memory_space<semaphore_mem>>)
      %dma_wait3A_296 = arith.constant 0 : i32
      %dma_wait3A_297 = tpu.memref_slice %arg3[%add3A_78, %dma_wait3A_296] : memref<256x4096xi32, #tpu.memory_space<hbm>> -> memref<1x4096xi32, #tpu.memory_space<hbm>>
      %dma_wait3A_298 = tpu.memref_squeeze %dma_wait3A_297 : memref<1x4096xi32, #tpu.memory_space<hbm>> -> memref<4096xi32, #tpu.memory_space<hbm>>
      %dma_wait3A_299 = arith.constant 0 : i32
      %dma_wait3A_300 = tpu.memref_slice %arg3[%add3A_78, %dma_wait3A_299] : memref<256x4096xi32, #tpu.memory_space<hbm>> -> memref<1x4096xi32, #tpu.memory_space<hbm>>
      %dma_wait3A_301 = tpu.memref_squeeze %dma_wait3A_300 : memref<1x4096xi32, #tpu.memory_space<hbm>> -> memref<4096xi32, #tpu.memory_space<hbm>>
      tpu.wait_dma2 semaphore(%run_scoped3A_289 : memref<!tpu.dma_semaphore, #tpu.memory_space<semaphore_mem>>) src(%dma_wait3A_301 : memref<4096xi32, #tpu.memory_space<hbm>>) dst(%arg6 : memref<4096xi32, #tpu.memory_space<vmem>>)
      tpu.yield
    }) : () -> ()
    %dma_wait3A_79 = arith.constant 0 : i32
    %dma_wait3A_80 = tpu.memref_slice %arg2[%add3A_60, %dma_wait3A_79] : memref<256x102400xi32, #tpu.memory_space<hbm>> -> memref<1x102400xi32, #tpu.memory_space<hbm>>
    %dma_wait3A_81 = tpu.memref_squeeze %dma_wait3A_80 : memref<1x102400xi32, #tpu.memory_space<hbm>> -> memref<102400xi32, #tpu.memory_space<hbm>>
    %dma_wait3A_82 = arith.constant 0 : i32
    %dma_wait3A_83 = tpu.memref_slice %arg2[%add3A_60, %dma_wait3A_82] : memref<256x102400xi32, #tpu.memory_space<hbm>> -> memref<1x102400xi32, #tpu.memory_space<hbm>>
    %dma_wait3A_84 = tpu.memref_squeeze %dma_wait3A_83 : memref<1x102400xi32, #tpu.memory_space<hbm>> -> memref<102400xi32, #tpu.memory_space<hbm>>
    tpu.wait_dma2 semaphore(%arg9 : memref<!tpu.dma_semaphore, #tpu.memory_space<semaphore_mem>>) src(%dma_wait3A_84 : memref<102400xi32, #tpu.memory_space<hbm>>) dst(%arg5 : memref<102400xi32, #tpu.memory_space<vmem>>)
    %broadcast_in_dim3A_85 = arith.constant 0.000000e+00 : f32
    %broadcast_in_dim3A_86 = vector.broadcast %broadcast_in_dim3A_85 : f32 to vector<16xf32>
    %scan3A_87 = arith.constant 14.2857141 : f32
    %scan3A_88 = arith.constant 0 : i32
    %scan3A_89 = arith.constant 256 : i32
    %scan3A_90 = arith.addi %scan3A_88, %scan3A_89 : i32
    %scan3A_91 = arith.constant 4 : i32
    %scan3A_92:2 = scf.for %scan3A_289 = %scan3A_88 to %scan3A_90 step %scan3A_91 iter_args(%scan3A_290 = %broadcast_in_dim3A_86, %scan3A_291 = %broadcast_in_dim3A_86) -> (vector<16xf32>, vector<16xf32>)  : i32 {
      %mul3A_292 = arith.constant 16 : i32
      %mul3A_293 = arith.muli %scan3A_289, %mul3A_292 : i32
      %multiple_of3A = tpu.assume_multiple %mul3A_293, 16 : i32
      %get3A = arith.index_cast %multiple_of3A : i32 to index
      %get3A_294 = tpu.vector_load %arg6[%get3A] {strides = array<i32>} : memref<4096xi32, #tpu.memory_space<vmem>>, vector<16xi32>,
      %gather3A = tpu.vector_load_idx %arg5[%get3A_294] : memref<102400xi32, #tpu.memory_space<vmem>>[vector<16xi32>], vector<16xi32>,
      %shift_left3A = arith.constant 16 : i32
      %shift_left3A_295 = vector.broadcast %shift_left3A : i32 to vector<16xi32>
      %shift_left3A_296 = arith.shli %gather3A, %shift_left3A_295 : vector<16xi32>
      %bitcast3A = vector.bitcast %shift_left3A_296 : vector<16xi32> to vector<16xf32>
      %and3A = arith.constant -65536 : i32
      %and3A_297 = vector.broadcast %and3A : i32 to vector<16xi32>
      %and3A_298 = arith.andi %gather3A, %and3A_297 : vector<16xi32>
      %bitcast3A_299 = vector.bitcast %and3A_298 : vector<16xi32> to vector<16xf32>
      %mul3A_300 = vector.broadcast %scan3A_87 : f32 to vector<16xf32>
      %mul3A_301 = arith.mulf %bitcast3A, %mul3A_300 : vector<16xf32>
      %exp3A = math.exp %mul3A_301 : vector<16xf32>
      %add3A_302 = arith.addf %scan3A_290, %exp3A : vector<16xf32>
      %mul3A_303 = vector.broadcast %scan3A_87 : f32 to vector<16xf32>
      %mul3A_304 = arith.mulf %bitcast3A_299, %mul3A_303 : vector<16xf32>
      %exp3A_305 = math.exp %mul3A_304 : vector<16xf32>
      %add3A_306 = arith.addf %scan3A_291, %exp3A_305 : vector<16xf32>
      %scan3A_307 = arith.constant 1 : i32
      %scan3A_308 = arith.addi %scan3A_289, %scan3A_307 : i32
      %mul3A_309 = arith.constant 16 : i32
      %mul3A_310 = arith.muli %scan3A_308, %mul3A_309 : i32
      %multiple_of3A_311 = tpu.assume_multiple %mul3A_310, 16 : i32
      %get3A_312 = arith.index_cast %multiple_of3A_311 : i32 to index
      %get3A_313 = tpu.vector_load %arg6[%get3A_312] {strides = array<i32>} : memref<4096xi32, #tpu.memory_space<vmem>>, vector<16xi32>,
      %gather3A_314 = tpu.vector_load_idx %arg5[%get3A_313] : memref<102400xi32, #tpu.memory_space<vmem>>[vector<16xi32>], vector<16xi32>,
      %shift_left3A_315 = arith.constant 16 : i32
      %shift_left3A_316 = vector.broadcast %shift_left3A_315 : i32 to vector<16xi32>
      %shift_left3A_317 = arith.shli %gather3A_314, %shift_left3A_316 : vector<16xi32>
      %bitcast3A_318 = vector.bitcast %shift_left3A_317 : vector<16xi32> to vector<16xf32>
      %and3A_319 = arith.constant -65536 : i32
      %and3A_320 = vector.broadcast %and3A_319 : i32 to vector<16xi32>
      %and3A_321 = arith.andi %gather3A_314, %and3A_320 : vector<16xi32>
      %bitcast3A_322 = vector.bitcast %and3A_321 : vector<16xi32> to vector<16xf32>
      %mul3A_323 = vector.broadcast %scan3A_87 : f32 to vector<16xf32>
      %mul3A_324 = arith.mulf %bitcast3A_318, %mul3A_323 : vector<16xf32>
      %exp3A_325 = math.exp %mul3A_324 : vector<16xf32>
      %add3A_326 = arith.addf %add3A_302, %exp3A_325 : vector<16xf32>
      %mul3A_327 = vector.broadcast %scan3A_87 : f32 to vector<16xf32>
      %mul3A_328 = arith.mulf %bitcast3A_322, %mul3A_327 : vector<16xf32>
      %exp3A_329 = math.exp %mul3A_328 : vector<16xf32>
      %add3A_330 = arith.addf %add3A_306, %exp3A_329 : vector<16xf32>
      %scan3A_331 = arith.constant 2 : i32
      %scan3A_332 = arith.addi %scan3A_289, %scan3A_331 : i32
      %mul3A_333 = arith.constant 16 : i32
      %mul3A_334 = arith.muli %scan3A_332, %mul3A_333 : i32
      %multiple_of3A_335 = tpu.assume_multiple %mul3A_334, 16 : i32
      %get3A_336 = arith.index_cast %multiple_of3A_335 : i32 to index
      %get3A_337 = tpu.vector_load %arg6[%get3A_336] {strides = array<i32>} : memref<4096xi32, #tpu.memory_space<vmem>>, vector<16xi32>,
      %gather3A_338 = tpu.vector_load_idx %arg5[%get3A_337] : memref<102400xi32, #tpu.memory_space<vmem>>[vector<16xi32>], vector<16xi32>,
      %shift_left3A_339 = arith.constant 16 : i32
      %shift_left3A_340 = vector.broadcast %shift_left3A_339 : i32 to vector<16xi32>
      %shift_left3A_341 = arith.shli %gather3A_338, %shift_left3A_340 : vector<16xi32>
      %bitcast3A_342 = vector.bitcast %shift_left3A_341 : vector<16xi32> to vector<16xf32>
      %and3A_343 = arith.constant -65536 : i32
      %and3A_344 = vector.broadcast %and3A_343 : i32 to vector<16xi32>
      %and3A_345 = arith.andi %gather3A_338, %and3A_344 : vector<16xi32>
      %bitcast3A_346 = vector.bitcast %and3A_345 : vector<16xi32> to vector<16xf32>
      %mul3A_347 = vector.broadcast %scan3A_87 : f32 to vector<16xf32>
      %mul3A_348 = arith.mulf %bitcast3A_342, %mul3A_347 : vector<16xf32>
      %exp3A_349 = math.exp %mul3A_348 : vector<16xf32>
      %add3A_350 = arith.addf %add3A_326, %exp3A_349 : vector<16xf32>
      %mul3A_351 = vector.broadcast %scan3A_87 : f32 to vector<16xf32>
      %mul3A_352 = arith.mulf %bitcast3A_346, %mul3A_351 : vector<16xf32>
      %exp3A_353 = math.exp %mul3A_352 : vector<16xf32>
      %add3A_354 = arith.addf %add3A_330, %exp3A_353 : vector<16xf32>
      %scan3A_355 = arith.constant 3 : i32
      %scan3A_356 = arith.addi %scan3A_289, %scan3A_355 : i32
      %mul3A_357 = arith.constant 16 : i32
      %mul3A_358 = arith.muli %scan3A_356, %mul3A_357 : i32
      %multiple_of3A_359 = tpu.assume_multiple %mul3A_358, 16 : i32
      %get3A_360 = arith.index_cast %multiple_of3A_359 : i32 to index
      %get3A_361 = tpu.vector_load %arg6[%get3A_360] {strides = array<i32>} : memref<4096xi32, #tpu.memory_space<vmem>>, vector<16xi32>,
      %gather3A_362 = tpu.vector_load_idx %arg5[%get3A_361] : memref<102400xi32, #tpu.memory_space<vmem>>[vector<16xi32>], vector<16xi32>,
      %shift_left3A_363 = arith.constant 16 : i32
      %shift_left3A_364 = vector.broadcast %shift_left3A_363 : i32 to vector<16xi32>
      %shift_left3A_365 = arith.shli %gather3A_362, %shift_left3A_364 : vector<16xi32>
      %bitcast3A_366 = vector.bitcast %shift_left3A_365 : vector<16xi32> to vector<16xf32>
      %and3A_367 = arith.constant -65536 : i32
      %and3A_368 = vector.broadcast %and3A_367 : i32 to vector<16xi32>
      %and3A_369 = arith.andi %gather3A_362, %and3A_368 : vector<16xi32>
      %bitcast3A_370 = vector.bitcast %and3A_369 : vector<16xi32> to vector<16xf32>
      %mul3A_371 = vector.broadcast %scan3A_87 : f32 to vector<16xf32>
      %mul3A_372 = arith.mulf %bitcast3A_366, %mul3A_371 : vector<16xf32>
      %exp3A_373 = math.exp %mul3A_372 : vector<16xf32>
      %add3A_374 = arith.addf %add3A_350, %exp3A_373 : vector<16xf32>
      %mul3A_375 = vector.broadcast %scan3A_87 : f32 to vector<16xf32>
      %mul3A_376 = arith.mulf %bitcast3A_370, %mul3A_375 : vector<16xf32>
      %exp3A_377 = math.exp %mul3A_376 : vector<16xf32>
      %add3A_378 = arith.addf %add3A_354, %exp3A_377 : vector<16xf32>
      scf.yield %add3A_374, %add3A_378 : vector<16xf32>, vector<16xf32>
    }
    %scan3A_93 = arith.constant 256 : i32
    %add3A_94 = arith.constant 2 : i32
    %add3A_95 = arith.addi %mul3A_2, %add3A_94 : i32
    %add3A_96 = arith.constant 1 : i32
    %add3A_97 = arith.addi %add3A_95, %add3A_96 : i32
    %dma_start3A_98 = arith.constant 0 : i32
    %dma_start3A_99 = tpu.memref_slice %arg2[%add3A_97, %dma_start3A_98] : memref<256x102400xi32, #tpu.memory_space<hbm>> -> memref<1x102400xi32, #tpu.memory_space<hbm>>
    %dma_start3A_100 = tpu.memref_squeeze %dma_start3A_99 : memref<1x102400xi32, #tpu.memory_space<hbm>> -> memref<102400xi32, #tpu.memory_space<hbm>>
    %dma_start3A_101 = arith.constant 0 : i32
    %dma_start3A_102 = tpu.memref_slice %arg2[%add3A_97, %dma_start3A_101] : memref<256x102400xi32, #tpu.memory_space<hbm>> -> memref<1x102400xi32, #tpu.memory_space<hbm>>
    %dma_start3A_103 = tpu.memref_squeeze %dma_start3A_102 : memref<1x102400xi32, #tpu.memory_space<hbm>> -> memref<102400xi32, #tpu.memory_space<hbm>>
    tpu.enqueue_dma source(%dma_start3A_103 : memref<102400xi32, #tpu.memory_space<hbm>>) target(%arg5 : memref<102400xi32, #tpu.memory_space<vmem>>) target_semaphore(%arg9 : memref<!tpu.dma_semaphore, #tpu.memory_space<semaphore_mem>>)
    %swap3A_104 = arith.constant 0 : index
    %swap3A_105 = tpu.vector_load %arg7[%swap3A_104] {strides = array<i32>} : memref<16xf32, #tpu.memory_space<vmem>>, vector<16xf32>,
    tpu.vector_store %arg7[%swap3A_104], %scan3A_92#0 {strides = array<i32>} : memref<16xf32, #tpu.memory_space<vmem>>, vector<16xf32>,
    %swap3A_106 = arith.constant 0 : index
    %swap3A_107 = tpu.vector_load %arg8[%swap3A_106] {strides = array<i32>} : memref<16xf32, #tpu.memory_space<vmem>>, vector<16xf32>,
    tpu.vector_store %arg8[%swap3A_106], %scan3A_92#1 {strides = array<i32>} : memref<16xf32, #tpu.memory_space<vmem>>, vector<16xf32>,
    %add3A_108 = arith.constant 2 : i32
    %add3A_109 = arith.addi %mul3A_2, %add3A_108 : i32
    %run_scoped3A_110 = arith.constant 0 : i32
    "tpu.region"() ({
      %run_scoped3A_289 = tpu.sem_alloc : memref<!tpu.dma_semaphore, #tpu.memory_space<semaphore_mem>>
      %dma_start3A_290 = arith.constant 0 : i32
      %dma_start3A_291 = tpu.memref_slice %arg4[%run_scoped3A_110, %add3A_109, %dma_start3A_290] : memref<2x256x16xf32, #tpu.memory_space<hbm>> -> memref<1x1x16xf32, #tpu.memory_space<hbm>>
      %dma_start3A_292 = tpu.memref_squeeze %dma_start3A_291 : memref<1x1x16xf32, #tpu.memory_space<hbm>> -> memref<16xf32, #tpu.memory_space<hbm>>
      %dma_start3A_293 = arith.constant 0 : i32
      %dma_start3A_294 = tpu.memref_slice %arg4[%run_scoped3A_110, %add3A_109, %dma_start3A_293] : memref<2x256x16xf32, #tpu.memory_space<hbm>> -> memref<1x1x16xf32, #tpu.memory_space<hbm>>
      %dma_start3A_295 = tpu.memref_squeeze %dma_start3A_294 : memref<1x1x16xf32, #tpu.memory_space<hbm>> -> memref<16xf32, #tpu.memory_space<hbm>>
      tpu.enqueue_dma source(%arg7 : memref<16xf32, #tpu.memory_space<vmem>>) target(%dma_start3A_295 : memref<16xf32, #tpu.memory_space<hbm>>) target_semaphore(%run_scoped3A_289 : memref<!tpu.dma_semaphore, #tpu.memory_space<semaphore_mem>>)
      %dma_wait3A_296 = arith.constant 0 : i32
      %dma_wait3A_297 = tpu.memref_slice %arg4[%run_scoped3A_110, %add3A_109, %dma_wait3A_296] : memref<2x256x16xf32, #tpu.memory_space<hbm>> -> memref<1x1x16xf32, #tpu.memory_space<hbm>>
      %dma_wait3A_298 = tpu.memref_squeeze %dma_wait3A_297 : memref<1x1x16xf32, #tpu.memory_space<hbm>> -> memref<16xf32, #tpu.memory_space<hbm>>
      %dma_wait3A_299 = arith.constant 0 : i32
      %dma_wait3A_300 = tpu.memref_slice %arg4[%run_scoped3A_110, %add3A_109, %dma_wait3A_299] : memref<2x256x16xf32, #tpu.memory_space<hbm>> -> memref<1x1x16xf32, #tpu.memory_space<hbm>>
      %dma_wait3A_301 = tpu.memref_squeeze %dma_wait3A_300 : memref<1x1x16xf32, #tpu.memory_space<hbm>> -> memref<16xf32, #tpu.memory_space<hbm>>
      tpu.wait_dma2 semaphore(%run_scoped3A_289 : memref<!tpu.dma_semaphore, #tpu.memory_space<semaphore_mem>>) src(%arg7 : memref<16xf32, #tpu.memory_space<vmem>>) dst(%dma_wait3A_301 : memref<16xf32, #tpu.memory_space<hbm>>)
      tpu.yield
    }) : () -> ()
    %add3A_111 = arith.constant 2 : i32
    %add3A_112 = arith.addi %mul3A_2, %add3A_111 : i32
    %run_scoped3A_113 = arith.constant 1 : i32
    "tpu.region"() ({
      %run_scoped3A_289 = tpu.sem_alloc : memref<!tpu.dma_semaphore, #tpu.memory_space<semaphore_mem>>
      %dma_start3A_290 = arith.constant 0 : i32
      %dma_start3A_291 = tpu.memref_slice %arg4[%run_scoped3A_113, %add3A_112, %dma_start3A_290] : memref<2x256x16xf32, #tpu.memory_space<hbm>> -> memref<1x1x16xf32, #tpu.memory_space<hbm>>
      %dma_start3A_292 = tpu.memref_squeeze %dma_start3A_291 : memref<1x1x16xf32, #tpu.memory_space<hbm>> -> memref<16xf32, #tpu.memory_space<hbm>>
      %dma_start3A_293 = arith.constant 0 : i32
      %dma_start3A_294 = tpu.memref_slice %arg4[%run_scoped3A_113, %add3A_112, %dma_start3A_293] : memref<2x256x16xf32, #tpu.memory_space<hbm>> -> memref<1x1x16xf32, #tpu.memory_space<hbm>>
      %dma_start3A_295 = tpu.memref_squeeze %dma_start3A_294 : memref<1x1x16xf32, #tpu.memory_space<hbm>> -> memref<16xf32, #tpu.memory_space<hbm>>
      tpu.enqueue_dma source(%arg8 : memref<16xf32, #tpu.memory_space<vmem>>) target(%dma_start3A_295 : memref<16xf32, #tpu.memory_space<hbm>>) target_semaphore(%run_scoped3A_289 : memref<!tpu.dma_semaphore, #tpu.memory_space<semaphore_mem>>)
      %dma_wait3A_296 = arith.constant 0 : i32
      %dma_wait3A_297 = tpu.memref_slice %arg4[%run_scoped3A_113, %add3A_112, %dma_wait3A_296] : memref<2x256x16xf32, #tpu.memory_space<hbm>> -> memref<1x1x16xf32, #tpu.memory_space<hbm>>
      %dma_wait3A_298 = tpu.memref_squeeze %dma_wait3A_297 : memref<1x1x16xf32, #tpu.memory_space<hbm>> -> memref<16xf32, #tpu.memory_space<hbm>>
      %dma_wait3A_299 = arith.constant 0 : i32
      %dma_wait3A_300 = tpu.memref_slice %arg4[%run_scoped3A_113, %add3A_112, %dma_wait3A_299] : memref<2x256x16xf32, #tpu.memory_space<hbm>> -> memref<1x1x16xf32, #tpu.memory_space<hbm>>
      %dma_wait3A_301 = tpu.memref_squeeze %dma_wait3A_300 : memref<1x1x16xf32, #tpu.memory_space<hbm>> -> memref<16xf32, #tpu.memory_space<hbm>>
      tpu.wait_dma2 semaphore(%run_scoped3A_289 : memref<!tpu.dma_semaphore, #tpu.memory_space<semaphore_mem>>) src(%arg8 : memref<16xf32, #tpu.memory_space<vmem>>) dst(%dma_wait3A_301 : memref<16xf32, #tpu.memory_space<hbm>>)
      tpu.yield
    }) : () -> ()
    %add3A_114 = arith.constant 3 : i32
    %add3A_115 = arith.addi %mul3A_2, %add3A_114 : i32
    "tpu.region"() ({
      %run_scoped3A_289 = tpu.sem_alloc : memref<!tpu.dma_semaphore, #tpu.memory_space<semaphore_mem>>
      %dma_start3A_290 = arith.constant 0 : i32
      %dma_start3A_291 = tpu.memref_slice %arg3[%add3A_115, %dma_start3A_290] : memref<256x4096xi32, #tpu.memory_space<hbm>> -> memref<1x4096xi32, #tpu.memory_space<hbm>>
      %dma_start3A_292 = tpu.memref_squeeze %dma_start3A_291 : memref<1x4096xi32, #tpu.memory_space<hbm>> -> memref<4096xi32, #tpu.memory_space<hbm>>
      %dma_start3A_293 = arith.constant 0 : i32
      %dma_start3A_294 = tpu.memref_slice %arg3[%add3A_115, %dma_start3A_293] : memref<256x4096xi32, #tpu.memory_space<hbm>> -> memref<1x4096xi32, #tpu.memory_space<hbm>>
      %dma_start3A_295 = tpu.memref_squeeze %dma_start3A_294 : memref<1x4096xi32, #tpu.memory_space<hbm>> -> memref<4096xi32, #tpu.memory_space<hbm>>
      tpu.enqueue_dma source(%dma_start3A_295 : memref<4096xi32, #tpu.memory_space<hbm>>) target(%arg6 : memref<4096xi32, #tpu.memory_space<vmem>>) target_semaphore(%run_scoped3A_289 : memref<!tpu.dma_semaphore, #tpu.memory_space<semaphore_mem>>)
      %dma_wait3A_296 = arith.constant 0 : i32
      %dma_wait3A_297 = tpu.memref_slice %arg3[%add3A_115, %dma_wait3A_296] : memref<256x4096xi32, #tpu.memory_space<hbm>> -> memref<1x4096xi32, #tpu.memory_space<hbm>>
      %dma_wait3A_298 = tpu.memref_squeeze %dma_wait3A_297 : memref<1x4096xi32, #tpu.memory_space<hbm>> -> memref<4096xi32, #tpu.memory_space<hbm>>
      %dma_wait3A_299 = arith.constant 0 : i32
      %dma_wait3A_300 = tpu.memref_slice %arg3[%add3A_115, %dma_wait3A_299] : memref<256x4096xi32, #tpu.memory_space<hbm>> -> memref<1x4096xi32, #tpu.memory_space<hbm>>
      %dma_wait3A_301 = tpu.memref_squeeze %dma_wait3A_300 : memref<1x4096xi32, #tpu.memory_space<hbm>> -> memref<4096xi32, #tpu.memory_space<hbm>>
      tpu.wait_dma2 semaphore(%run_scoped3A_289 : memref<!tpu.dma_semaphore, #tpu.memory_space<semaphore_mem>>) src(%dma_wait3A_301 : memref<4096xi32, #tpu.memory_space<hbm>>) dst(%arg6 : memref<4096xi32, #tpu.memory_space<vmem>>)
      tpu.yield
    }) : () -> ()
    %dma_wait3A_116 = arith.constant 0 : i32
    %dma_wait3A_117 = tpu.memref_slice %arg2[%add3A_97, %dma_wait3A_116] : memref<256x102400xi32, #tpu.memory_space<hbm>> -> memref<1x102400xi32, #tpu.memory_space<hbm>>
    %dma_wait3A_118 = tpu.memref_squeeze %dma_wait3A_117 : memref<1x102400xi32, #tpu.memory_space<hbm>> -> memref<102400xi32, #tpu.memory_space<hbm>>
    %dma_wait3A_119 = arith.constant 0 : i32
    %dma_wait3A_120 = tpu.memref_slice %arg2[%add3A_97, %dma_wait3A_119] : memref<256x102400xi32, #tpu.memory_space<hbm>> -> memref<1x102400xi32, #tpu.memory_space<hbm>>
    %dma_wait3A_121 = tpu.memref_squeeze %dma_wait3A_120 : memref<1x102400xi32, #tpu.memory_space<hbm>> -> memref<102400xi32, #tpu.memory_space<hbm>>
    tpu.wait_dma2 semaphore(%arg9 : memref<!tpu.dma_semaphore, #tpu.memory_space<semaphore_mem>>) src(%dma_wait3A_121 : memref<102400xi32, #tpu.memory_space<hbm>>) dst(%arg5 : memref<102400xi32, #tpu.memory_space<vmem>>)
    %broadcast_in_dim3A_122 = arith.constant 0.000000e+00 : f32
    %broadcast_in_dim3A_123 = vector.broadcast %broadcast_in_dim3A_122 : f32 to vector<16xf32>
    %scan3A_124 = arith.constant 14.2857141 : f32
    %scan3A_125 = arith.constant 0 : i32
    %scan3A_126 = arith.constant 256 : i32
    %scan3A_127 = arith.addi %scan3A_125, %scan3A_126 : i32
    %scan3A_128 = arith.constant 4 : i32
    %scan3A_129:2 = scf.for %scan3A_289 = %scan3A_125 to %scan3A_127 step %scan3A_128 iter_args(%scan3A_290 = %broadcast_in_dim3A_123, %scan3A_291 = %broadcast_in_dim3A_123) -> (vector<16xf32>, vector<16xf32>)  : i32 {
      %mul3A_292 = arith.constant 16 : i32
      %mul3A_293 = arith.muli %scan3A_289, %mul3A_292 : i32
      %multiple_of3A = tpu.assume_multiple %mul3A_293, 16 : i32
      %get3A = arith.index_cast %multiple_of3A : i32 to index
      %get3A_294 = tpu.vector_load %arg6[%get3A] {strides = array<i32>} : memref<4096xi32, #tpu.memory_space<vmem>>, vector<16xi32>,
      %gather3A = tpu.vector_load_idx %arg5[%get3A_294] : memref<102400xi32, #tpu.memory_space<vmem>>[vector<16xi32>], vector<16xi32>,
      %shift_left3A = arith.constant 16 : i32
      %shift_left3A_295 = vector.broadcast %shift_left3A : i32 to vector<16xi32>
      %shift_left3A_296 = arith.shli %gather3A, %shift_left3A_295 : vector<16xi32>
      %bitcast3A = vector.bitcast %shift_left3A_296 : vector<16xi32> to vector<16xf32>
      %and3A = arith.constant -65536 : i32
      %and3A_297 = vector.broadcast %and3A : i32 to vector<16xi32>
      %and3A_298 = arith.andi %gather3A, %and3A_297 : vector<16xi32>
      %bitcast3A_299 = vector.bitcast %and3A_298 : vector<16xi32> to vector<16xf32>
      %mul3A_300 = vector.broadcast %scan3A_124 : f32 to vector<16xf32>
      %mul3A_301 = arith.mulf %bitcast3A, %mul3A_300 : vector<16xf32>
      %exp3A = math.exp %mul3A_301 : vector<16xf32>
      %add3A_302 = arith.addf %scan3A_290, %exp3A : vector<16xf32>
      %mul3A_303 = vector.broadcast %scan3A_124 : f32 to vector<16xf32>
      %mul3A_304 = arith.mulf %bitcast3A_299, %mul3A_303 : vector<16xf32>
      %exp3A_305 = math.exp %mul3A_304 : vector<16xf32>
      %add3A_306 = arith.addf %scan3A_291, %exp3A_305 : vector<16xf32>
      %scan3A_307 = arith.constant 1 : i32
      %scan3A_308 = arith.addi %scan3A_289, %scan3A_307 : i32
      %mul3A_309 = arith.constant 16 : i32
      %mul3A_310 = arith.muli %scan3A_308, %mul3A_309 : i32
      %multiple_of3A_311 = tpu.assume_multiple %mul3A_310, 16 : i32
      %get3A_312 = arith.index_cast %multiple_of3A_311 : i32 to index
      %get3A_313 = tpu.vector_load %arg6[%get3A_312] {strides = array<i32>} : memref<4096xi32, #tpu.memory_space<vmem>>, vector<16xi32>,
      %gather3A_314 = tpu.vector_load_idx %arg5[%get3A_313] : memref<102400xi32, #tpu.memory_space<vmem>>[vector<16xi32>], vector<16xi32>,
      %shift_left3A_315 = arith.constant 16 : i32
      %shift_left3A_316 = vector.broadcast %shift_left3A_315 : i32 to vector<16xi32>
      %shift_left3A_317 = arith.shli %gather3A_314, %shift_left3A_316 : vector<16xi32>
      %bitcast3A_318 = vector.bitcast %shift_left3A_317 : vector<16xi32> to vector<16xf32>
      %and3A_319 = arith.constant -65536 : i32
      %and3A_320 = vector.broadcast %and3A_319 : i32 to vector<16xi32>
      %and3A_321 = arith.andi %gather3A_314, %and3A_320 : vector<16xi32>
      %bitcast3A_322 = vector.bitcast %and3A_321 : vector<16xi32> to vector<16xf32>
      %mul3A_323 = vector.broadcast %scan3A_124 : f32 to vector<16xf32>
      %mul3A_324 = arith.mulf %bitcast3A_318, %mul3A_323 : vector<16xf32>
      %exp3A_325 = math.exp %mul3A_324 : vector<16xf32>
      %add3A_326 = arith.addf %add3A_302, %exp3A_325 : vector<16xf32>
      %mul3A_327 = vector.broadcast %scan3A_124 : f32 to vector<16xf32>
      %mul3A_328 = arith.mulf %bitcast3A_322, %mul3A_327 : vector<16xf32>
      %exp3A_329 = math.exp %mul3A_328 : vector<16xf32>
      %add3A_330 = arith.addf %add3A_306, %exp3A_329 : vector<16xf32>
      %scan3A_331 = arith.constant 2 : i32
      %scan3A_332 = arith.addi %scan3A_289, %scan3A_331 : i32
      %mul3A_333 = arith.constant 16 : i32
      %mul3A_334 = arith.muli %scan3A_332, %mul3A_333 : i32
      %multiple_of3A_335 = tpu.assume_multiple %mul3A_334, 16 : i32
      %get3A_336 = arith.index_cast %multiple_of3A_335 : i32 to index
      %get3A_337 = tpu.vector_load %arg6[%get3A_336] {strides = array<i32>} : memref<4096xi32, #tpu.memory_space<vmem>>, vector<16xi32>,
      %gather3A_338 = tpu.vector_load_idx %arg5[%get3A_337] : memref<102400xi32, #tpu.memory_space<vmem>>[vector<16xi32>], vector<16xi32>,
      %shift_left3A_339 = arith.constant 16 : i32
      %shift_left3A_340 = vector.broadcast %shift_left3A_339 : i32 to vector<16xi32>
      %shift_left3A_341 = arith.shli %gather3A_338, %shift_left3A_340 : vector<16xi32>
      %bitcast3A_342 = vector.bitcast %shift_left3A_341 : vector<16xi32> to vector<16xf32>
      %and3A_343 = arith.constant -65536 : i32
      %and3A_344 = vector.broadcast %and3A_343 : i32 to vector<16xi32>
      %and3A_345 = arith.andi %gather3A_338, %and3A_344 : vector<16xi32>
      %bitcast3A_346 = vector.bitcast %and3A_345 : vector<16xi32> to vector<16xf32>
      %mul3A_347 = vector.broadcast %scan3A_124 : f32 to vector<16xf32>
      %mul3A_348 = arith.mulf %bitcast3A_342, %mul3A_347 : vector<16xf32>
      %exp3A_349 = math.exp %mul3A_348 : vector<16xf32>
      %add3A_350 = arith.addf %add3A_326, %exp3A_349 : vector<16xf32>
      %mul3A_351 = vector.broadcast %scan3A_124 : f32 to vector<16xf32>
      %mul3A_352 = arith.mulf %bitcast3A_346, %mul3A_351 : vector<16xf32>
      %exp3A_353 = math.exp %mul3A_352 : vector<16xf32>
      %add3A_354 = arith.addf %add3A_330, %exp3A_353 : vector<16xf32>
      %scan3A_355 = arith.constant 3 : i32
      %scan3A_356 = arith.addi %scan3A_289, %scan3A_355 : i32
      %mul3A_357 = arith.constant 16 : i32
      %mul3A_358 = arith.muli %scan3A_356, %mul3A_357 : i32
      %multiple_of3A_359 = tpu.assume_multiple %mul3A_358, 16 : i32
      %get3A_360 = arith.index_cast %multiple_of3A_359 : i32 to index
      %get3A_361 = tpu.vector_load %arg6[%get3A_360] {strides = array<i32>} : memref<4096xi32, #tpu.memory_space<vmem>>, vector<16xi32>,
      %gather3A_362 = tpu.vector_load_idx %arg5[%get3A_361] : memref<102400xi32, #tpu.memory_space<vmem>>[vector<16xi32>], vector<16xi32>,
      %shift_left3A_363 = arith.constant 16 : i32
      %shift_left3A_364 = vector.broadcast %shift_left3A_363 : i32 to vector<16xi32>
      %shift_left3A_365 = arith.shli %gather3A_362, %shift_left3A_364 : vector<16xi32>
      %bitcast3A_366 = vector.bitcast %shift_left3A_365 : vector<16xi32> to vector<16xf32>
      %and3A_367 = arith.constant -65536 : i32
      %and3A_368 = vector.broadcast %and3A_367 : i32 to vector<16xi32>
      %and3A_369 = arith.andi %gather3A_362, %and3A_368 : vector<16xi32>
      %bitcast3A_370 = vector.bitcast %and3A_369 : vector<16xi32> to vector<16xf32>
      %mul3A_371 = vector.broadcast %scan3A_124 : f32 to vector<16xf32>
      %mul3A_372 = arith.mulf %bitcast3A_366, %mul3A_371 : vector<16xf32>
      %exp3A_373 = math.exp %mul3A_372 : vector<16xf32>
      %add3A_374 = arith.addf %add3A_350, %exp3A_373 : vector<16xf32>
      %mul3A_375 = vector.broadcast %scan3A_124 : f32 to vector<16xf32>
      %mul3A_376 = arith.mulf %bitcast3A_370, %mul3A_375 : vector<16xf32>
      %exp3A_377 = math.exp %mul3A_376 : vector<16xf32>
      %add3A_378 = arith.addf %add3A_354, %exp3A_377 : vector<16xf32>
      scf.yield %add3A_374, %add3A_378 : vector<16xf32>, vector<16xf32>
    }
    %scan3A_130 = arith.constant 256 : i32
    %add3A_131 = arith.constant 3 : i32
    %add3A_132 = arith.addi %mul3A_2, %add3A_131 : i32
    %add3A_133 = arith.constant 1 : i32
    %add3A_134 = arith.addi %add3A_132, %add3A_133 : i32
    %dma_start3A_135 = arith.constant 0 : i32
    %dma_start3A_136 = tpu.memref_slice %arg2[%add3A_134, %dma_start3A_135] : memref<256x102400xi32, #tpu.memory_space<hbm>> -> memref<1x102400xi32, #tpu.memory_space<hbm>>
    %dma_start3A_137 = tpu.memref_squeeze %dma_start3A_136 : memref<1x102400xi32, #tpu.memory_space<hbm>> -> memref<102400xi32, #tpu.memory_space<hbm>>
    %dma_start3A_138 = arith.constant 0 : i32
    %dma_start3A_139 = tpu.memref_slice %arg2[%add3A_134, %dma_start3A_138] : memref<256x102400xi32, #tpu.memory_space<hbm>> -> memref<1x102400xi32, #tpu.memory_space<hbm>>
    %dma_start3A_140 = tpu.memref_squeeze %dma_start3A_139 : memref<1x102400xi32, #tpu.memory_space<hbm>> -> memref<102400xi32, #tpu.memory_space<hbm>>
    tpu.enqueue_dma source(%dma_start3A_140 : memref<102400xi32, #tpu.memory_space<hbm>>) target(%arg5 : memref<102400xi32, #tpu.memory_space<vmem>>) target_semaphore(%arg9 : memref<!tpu.dma_semaphore, #tpu.memory_space<semaphore_mem>>)
    %swap3A_141 = arith.constant 0 : index
    %swap3A_142 = tpu.vector_load %arg7[%swap3A_141] {strides = array<i32>} : memref<16xf32, #tpu.memory_space<vmem>>, vector<16xf32>,
    tpu.vector_store %arg7[%swap3A_141], %scan3A_129#0 {strides = array<i32>} : memref<16xf32, #tpu.memory_space<vmem>>, vector<16xf32>,
    %swap3A_143 = arith.constant 0 : index
    %swap3A_144 = tpu.vector_load %arg8[%swap3A_143] {strides = array<i32>} : memref<16xf32, #tpu.memory_space<vmem>>, vector<16xf32>,
    tpu.vector_store %arg8[%swap3A_143], %scan3A_129#1 {strides = array<i32>} : memref<16xf32, #tpu.memory_space<vmem>>, vector<16xf32>,
    %add3A_145 = arith.constant 3 : i32
    %add3A_146 = arith.addi %mul3A_2, %add3A_145 : i32
    %run_scoped3A_147 = arith.constant 0 : i32
    "tpu.region"() ({
      %run_scoped3A_289 = tpu.sem_alloc : memref<!tpu.dma_semaphore, #tpu.memory_space<semaphore_mem>>
      %dma_start3A_290 = arith.constant 0 : i32
      %dma_start3A_291 = tpu.memref_slice %arg4[%run_scoped3A_147, %add3A_146, %dma_start3A_290] : memref<2x256x16xf32, #tpu.memory_space<hbm>> -> memref<1x1x16xf32, #tpu.memory_space<hbm>>
      %dma_start3A_292 = tpu.memref_squeeze %dma_start3A_291 : memref<1x1x16xf32, #tpu.memory_space<hbm>> -> memref<16xf32, #tpu.memory_space<hbm>>
      %dma_start3A_293 = arith.constant 0 : i32
      %dma_start3A_294 = tpu.memref_slice %arg4[%run_scoped3A_147, %add3A_146, %dma_start3A_293] : memref<2x256x16xf32, #tpu.memory_space<hbm>> -> memref<1x1x16xf32, #tpu.memory_space<hbm>>
      %dma_start3A_295 = tpu.memref_squeeze %dma_start3A_294 : memref<1x1x16xf32, #tpu.memory_space<hbm>> -> memref<16xf32, #tpu.memory_space<hbm>>
      tpu.enqueue_dma source(%arg7 : memref<16xf32, #tpu.memory_space<vmem>>) target(%dma_start3A_295 : memref<16xf32, #tpu.memory_space<hbm>>) target_semaphore(%run_scoped3A_289 : memref<!tpu.dma_semaphore, #tpu.memory_space<semaphore_mem>>)
      %dma_wait3A_296 = arith.constant 0 : i32
      %dma_wait3A_297 = tpu.memref_slice %arg4[%run_scoped3A_147, %add3A_146, %dma_wait3A_296] : memref<2x256x16xf32, #tpu.memory_space<hbm>> -> memref<1x1x16xf32, #tpu.memory_space<hbm>>
      %dma_wait3A_298 = tpu.memref_squeeze %dma_wait3A_297 : memref<1x1x16xf32, #tpu.memory_space<hbm>> -> memref<16xf32, #tpu.memory_space<hbm>>
      %dma_wait3A_299 = arith.constant 0 : i32
      %dma_wait3A_300 = tpu.memref_slice %arg4[%run_scoped3A_147, %add3A_146, %dma_wait3A_299] : memref<2x256x16xf32, #tpu.memory_space<hbm>> -> memref<1x1x16xf32, #tpu.memory_space<hbm>>
      %dma_wait3A_301 = tpu.memref_squeeze %dma_wait3A_300 : memref<1x1x16xf32, #tpu.memory_space<hbm>> -> memref<16xf32, #tpu.memory_space<hbm>>
      tpu.wait_dma2 semaphore(%run_scoped3A_289 : memref<!tpu.dma_semaphore, #tpu.memory_space<semaphore_mem>>) src(%arg7 : memref<16xf32, #tpu.memory_space<vmem>>) dst(%dma_wait3A_301 : memref<16xf32, #tpu.memory_space<hbm>>)
      tpu.yield
    }) : () -> ()
    %add3A_148 = arith.constant 3 : i32
    %add3A_149 = arith.addi %mul3A_2, %add3A_148 : i32
    %run_scoped3A_150 = arith.constant 1 : i32
    "tpu.region"() ({
      %run_scoped3A_289 = tpu.sem_alloc : memref<!tpu.dma_semaphore, #tpu.memory_space<semaphore_mem>>
      %dma_start3A_290 = arith.constant 0 : i32
      %dma_start3A_291 = tpu.memref_slice %arg4[%run_scoped3A_150, %add3A_149, %dma_start3A_290] : memref<2x256x16xf32, #tpu.memory_space<hbm>> -> memref<1x1x16xf32, #tpu.memory_space<hbm>>
      %dma_start3A_292 = tpu.memref_squeeze %dma_start3A_291 : memref<1x1x16xf32, #tpu.memory_space<hbm>> -> memref<16xf32, #tpu.memory_space<hbm>>
      %dma_start3A_293 = arith.constant 0 : i32
      %dma_start3A_294 = tpu.memref_slice %arg4[%run_scoped3A_150, %add3A_149, %dma_start3A_293] : memref<2x256x16xf32, #tpu.memory_space<hbm>> -> memref<1x1x16xf32, #tpu.memory_space<hbm>>
      %dma_start3A_295 = tpu.memref_squeeze %dma_start3A_294 : memref<1x1x16xf32, #tpu.memory_space<hbm>> -> memref<16xf32, #tpu.memory_space<hbm>>
      tpu.enqueue_dma source(%arg8 : memref<16xf32, #tpu.memory_space<vmem>>) target(%dma_start3A_295 : memref<16xf32, #tpu.memory_space<hbm>>) target_semaphore(%run_scoped3A_289 : memref<!tpu.dma_semaphore, #tpu.memory_space<semaphore_mem>>)
      %dma_wait3A_296 = arith.constant 0 : i32
      %dma_wait3A_297 = tpu.memref_slice %arg4[%run_scoped3A_150, %add3A_149, %dma_wait3A_296] : memref<2x256x16xf32, #tpu.memory_space<hbm>> -> memref<1x1x16xf32, #tpu.memory_space<hbm>>
      %dma_wait3A_298 = tpu.memref_squeeze %dma_wait3A_297 : memref<1x1x16xf32, #tpu.memory_space<hbm>> -> memref<16xf32, #tpu.memory_space<hbm>>
      %dma_wait3A_299 = arith.constant 0 : i32
      %dma_wait3A_300 = tpu.memref_slice %arg4[%run_scoped3A_150, %add3A_149, %dma_wait3A_299] : memref<2x256x16xf32, #tpu.memory_space<hbm>> -> memref<1x1x16xf32, #tpu.memory_space<hbm>>
      %dma_wait3A_301 = tpu.memref_squeeze %dma_wait3A_300 : memref<1x1x16xf32, #tpu.memory_space<hbm>> -> memref<16xf32, #tpu.memory_space<hbm>>
      tpu.wait_dma2 semaphore(%run_scoped3A_289 : memref<!tpu.dma_semaphore, #tpu.memory_space<semaphore_mem>>) src(%arg8 : memref<16xf32, #tpu.memory_space<vmem>>) dst(%dma_wait3A_301 : memref<16xf32, #tpu.memory_space<hbm>>)
      tpu.yield
    }) : () -> ()
    %add3A_151 = arith.constant 4 : i32
    %add3A_152 = arith.addi %mul3A_2, %add3A_151 : i32
    "tpu.region"() ({
      %run_scoped3A_289 = tpu.sem_alloc : memref<!tpu.dma_semaphore, #tpu.memory_space<semaphore_mem>>
      %dma_start3A_290 = arith.constant 0 : i32
      %dma_start3A_291 = tpu.memref_slice %arg3[%add3A_152, %dma_start3A_290] : memref<256x4096xi32, #tpu.memory_space<hbm>> -> memref<1x4096xi32, #tpu.memory_space<hbm>>
      %dma_start3A_292 = tpu.memref_squeeze %dma_start3A_291 : memref<1x4096xi32, #tpu.memory_space<hbm>> -> memref<4096xi32, #tpu.memory_space<hbm>>
      %dma_start3A_293 = arith.constant 0 : i32
      %dma_start3A_294 = tpu.memref_slice %arg3[%add3A_152, %dma_start3A_293] : memref<256x4096xi32, #tpu.memory_space<hbm>> -> memref<1x4096xi32, #tpu.memory_space<hbm>>
      %dma_start3A_295 = tpu.memref_squeeze %dma_start3A_294 : memref<1x4096xi32, #tpu.memory_space<hbm>> -> memref<4096xi32, #tpu.memory_space<hbm>>
      tpu.enqueue_dma source(%dma_start3A_295 : memref<4096xi32, #tpu.memory_space<hbm>>) target(%arg6 : memref<4096xi32, #tpu.memory_space<vmem>>) target_semaphore(%run_scoped3A_289 : memref<!tpu.dma_semaphore, #tpu.memory_space<semaphore_mem>>)
      %dma_wait3A_296 = arith.constant 0 : i32
      %dma_wait3A_297 = tpu.memref_slice %arg3[%add3A_152, %dma_wait3A_296] : memref<256x4096xi32, #tpu.memory_space<hbm>> -> memref<1x4096xi32, #tpu.memory_space<hbm>>
      %dma_wait3A_298 = tpu.memref_squeeze %dma_wait3A_297 : memref<1x4096xi32, #tpu.memory_space<hbm>> -> memref<4096xi32, #tpu.memory_space<hbm>>
      %dma_wait3A_299 = arith.constant 0 : i32
      %dma_wait3A_300 = tpu.memref_slice %arg3[%add3A_152, %dma_wait3A_299] : memref<256x4096xi32, #tpu.memory_space<hbm>> -> memref<1x4096xi32, #tpu.memory_space<hbm>>
      %dma_wait3A_301 = tpu.memref_squeeze %dma_wait3A_300 : memref<1x4096xi32, #tpu.memory_space<hbm>> -> memref<4096xi32, #tpu.memory_space<hbm>>
      tpu.wait_dma2 semaphore(%run_scoped3A_289 : memref<!tpu.dma_semaphore, #tpu.memory_space<semaphore_mem>>) src(%dma_wait3A_301 : memref<4096xi32, #tpu.memory_space<hbm>>) dst(%arg6 : memref<4096xi32, #tpu.memory_space<vmem>>)
      tpu.yield
    }) : () -> ()
    %dma_wait3A_153 = arith.constant 0 : i32
    %dma_wait3A_154 = tpu.memref_slice %arg2[%add3A_134, %dma_wait3A_153] : memref<256x102400xi32, #tpu.memory_space<hbm>> -> memref<1x102400xi32, #tpu.memory_space<hbm>>
    %dma_wait3A_155 = tpu.memref_squeeze %dma_wait3A_154 : memref<1x102400xi32, #tpu.memory_space<hbm>> -> memref<102400xi32, #tpu.memory_space<hbm>>
    %dma_wait3A_156 = arith.constant 0 : i32
    %dma_wait3A_157 = tpu.memref_slice %arg2[%add3A_134, %dma_wait3A_156] : memref<256x102400xi32, #tpu.memory_space<hbm>> -> memref<1x102400xi32, #tpu.memory_space<hbm>>
    %dma_wait3A_158 = tpu.memref_squeeze %dma_wait3A_157 : memref<1x102400xi32, #tpu.memory_space<hbm>> -> memref<102400xi32, #tpu.memory_space<hbm>>
    tpu.wait_dma2 semaphore(%arg9 : memref<!tpu.dma_semaphore, #tpu.memory_space<semaphore_mem>>) src(%dma_wait3A_158 : memref<102400xi32, #tpu.memory_space<hbm>>) dst(%arg5 : memref<102400xi32, #tpu.memory_space<vmem>>)
    %broadcast_in_dim3A_159 = arith.constant 0.000000e+00 : f32
    %broadcast_in_dim3A_160 = vector.broadcast %broadcast_in_dim3A_159 : f32 to vector<16xf32>
    %scan3A_161 = arith.constant 14.2857141 : f32
    %scan3A_162 = arith.constant 0 : i32
    %scan3A_163 = arith.constant 256 : i32
    %scan3A_164 = arith.addi %scan3A_162, %scan3A_163 : i32
    %scan3A_165 = arith.constant 4 : i32
    %scan3A_166:2 = scf.for %scan3A_289 = %scan3A_162 to %scan3A_164 step %scan3A_165 iter_args(%scan3A_290 = %broadcast_in_dim3A_160, %scan3A_291 = %broadcast_in_dim3A_160) -> (vector<16xf32>, vector<16xf32>)  : i32 {
      %mul3A_292 = arith.constant 16 : i32
      %mul3A_293 = arith.muli %scan3A_289, %mul3A_292 : i32
      %multiple_of3A = tpu.assume_multiple %mul3A_293, 16 : i32
      %get3A = arith.index_cast %multiple_of3A : i32 to index
      %get3A_294 = tpu.vector_load %arg6[%get3A] {strides = array<i32>} : memref<4096xi32, #tpu.memory_space<vmem>>, vector<16xi32>,
      %gather3A = tpu.vector_load_idx %arg5[%get3A_294] : memref<102400xi32, #tpu.memory_space<vmem>>[vector<16xi32>], vector<16xi32>,
      %shift_left3A = arith.constant 16 : i32
      %shift_left3A_295 = vector.broadcast %shift_left3A : i32 to vector<16xi32>
      %shift_left3A_296 = arith.shli %gather3A, %shift_left3A_295 : vector<16xi32>
      %bitcast3A = vector.bitcast %shift_left3A_296 : vector<16xi32> to vector<16xf32>
      %and3A = arith.constant -65536 : i32
      %and3A_297 = vector.broadcast %and3A : i32 to vector<16xi32>
      %and3A_298 = arith.andi %gather3A, %and3A_297 : vector<16xi32>
      %bitcast3A_299 = vector.bitcast %and3A_298 : vector<16xi32> to vector<16xf32>
      %mul3A_300 = vector.broadcast %scan3A_161 : f32 to vector<16xf32>
      %mul3A_301 = arith.mulf %bitcast3A, %mul3A_300 : vector<16xf32>
      %exp3A = math.exp %mul3A_301 : vector<16xf32>
      %add3A_302 = arith.addf %scan3A_290, %exp3A : vector<16xf32>
      %mul3A_303 = vector.broadcast %scan3A_161 : f32 to vector<16xf32>
      %mul3A_304 = arith.mulf %bitcast3A_299, %mul3A_303 : vector<16xf32>
      %exp3A_305 = math.exp %mul3A_304 : vector<16xf32>
      %add3A_306 = arith.addf %scan3A_291, %exp3A_305 : vector<16xf32>
      %scan3A_307 = arith.constant 1 : i32
      %scan3A_308 = arith.addi %scan3A_289, %scan3A_307 : i32
      %mul3A_309 = arith.constant 16 : i32
      %mul3A_310 = arith.muli %scan3A_308, %mul3A_309 : i32
      %multiple_of3A_311 = tpu.assume_multiple %mul3A_310, 16 : i32
      %get3A_312 = arith.index_cast %multiple_of3A_311 : i32 to index
      %get3A_313 = tpu.vector_load %arg6[%get3A_312] {strides = array<i32>} : memref<4096xi32, #tpu.memory_space<vmem>>, vector<16xi32>,
      %gather3A_314 = tpu.vector_load_idx %arg5[%get3A_313] : memref<102400xi32, #tpu.memory_space<vmem>>[vector<16xi32>], vector<16xi32>,
      %shift_left3A_315 = arith.constant 16 : i32
      %shift_left3A_316 = vector.broadcast %shift_left3A_315 : i32 to vector<16xi32>
      %shift_left3A_317 = arith.shli %gather3A_314, %shift_left3A_316 : vector<16xi32>
      %bitcast3A_318 = vector.bitcast %shift_left3A_317 : vector<16xi32> to vector<16xf32>
      %and3A_319 = arith.constant -65536 : i32
      %and3A_320 = vector.broadcast %and3A_319 : i32 to vector<16xi32>
      %and3A_321 = arith.andi %gather3A_314, %and3A_320 : vector<16xi32>
      %bitcast3A_322 = vector.bitcast %and3A_321 : vector<16xi32> to vector<16xf32>
      %mul3A_323 = vector.broadcast %scan3A_161 : f32 to vector<16xf32>
      %mul3A_324 = arith.mulf %bitcast3A_318, %mul3A_323 : vector<16xf32>
      %exp3A_325 = math.exp %mul3A_324 : vector<16xf32>
      %add3A_326 = arith.addf %add3A_302, %exp3A_325 : vector<16xf32>
      %mul3A_327 = vector.broadcast %scan3A_161 : f32 to vector<16xf32>
      %mul3A_328 = arith.mulf %bitcast3A_322, %mul3A_327 : vector<16xf32>
      %exp3A_329 = math.exp %mul3A_328 : vector<16xf32>
      %add3A_330 = arith.addf %add3A_306, %exp3A_329 : vector<16xf32>
      %scan3A_331 = arith.constant 2 : i32
      %scan3A_332 = arith.addi %scan3A_289, %scan3A_331 : i32
      %mul3A_333 = arith.constant 16 : i32
      %mul3A_334 = arith.muli %scan3A_332, %mul3A_333 : i32
      %multiple_of3A_335 = tpu.assume_multiple %mul3A_334, 16 : i32
      %get3A_336 = arith.index_cast %multiple_of3A_335 : i32 to index
      %get3A_337 = tpu.vector_load %arg6[%get3A_336] {strides = array<i32>} : memref<4096xi32, #tpu.memory_space<vmem>>, vector<16xi32>,
      %gather3A_338 = tpu.vector_load_idx %arg5[%get3A_337] : memref<102400xi32, #tpu.memory_space<vmem>>[vector<16xi32>], vector<16xi32>,
      %shift_left3A_339 = arith.constant 16 : i32
      %shift_left3A_340 = vector.broadcast %shift_left3A_339 : i32 to vector<16xi32>
      %shift_left3A_341 = arith.shli %gather3A_338, %shift_left3A_340 : vector<16xi32>
      %bitcast3A_342 = vector.bitcast %shift_left3A_341 : vector<16xi32> to vector<16xf32>
      %and3A_343 = arith.constant -65536 : i32
      %and3A_344 = vector.broadcast %and3A_343 : i32 to vector<16xi32>
      %and3A_345 = arith.andi %gather3A_338, %and3A_344 : vector<16xi32>
      %bitcast3A_346 = vector.bitcast %and3A_345 : vector<16xi32> to vector<16xf32>
      %mul3A_347 = vector.broadcast %scan3A_161 : f32 to vector<16xf32>
      %mul3A_348 = arith.mulf %bitcast3A_342, %mul3A_347 : vector<16xf32>
      %exp3A_349 = math.exp %mul3A_348 : vector<16xf32>
      %add3A_350 = arith.addf %add3A_326, %exp3A_349 : vector<16xf32>
      %mul3A_351 = vector.broadcast %scan3A_161 : f32 to vector<16xf32>
      %mul3A_352 = arith.mulf %bitcast3A_346, %mul3A_351 : vector<16xf32>
      %exp3A_353 = math.exp %mul3A_352 : vector<16xf32>
      %add3A_354 = arith.addf %add3A_330, %exp3A_353 : vector<16xf32>
      %scan3A_355 = arith.constant 3 : i32
      %scan3A_356 = arith.addi %scan3A_289, %scan3A_355 : i32
      %mul3A_357 = arith.constant 16 : i32
      %mul3A_358 = arith.muli %scan3A_356, %mul3A_357 : i32
      %multiple_of3A_359 = tpu.assume_multiple %mul3A_358, 16 : i32
      %get3A_360 = arith.index_cast %multiple_of3A_359 : i32 to index
      %get3A_361 = tpu.vector_load %arg6[%get3A_360] {strides = array<i32>} : memref<4096xi32, #tpu.memory_space<vmem>>, vector<16xi32>,
      %gather3A_362 = tpu.vector_load_idx %arg5[%get3A_361] : memref<102400xi32, #tpu.memory_space<vmem>>[vector<16xi32>], vector<16xi32>,
      %shift_left3A_363 = arith.constant 16 : i32
      %shift_left3A_364 = vector.broadcast %shift_left3A_363 : i32 to vector<16xi32>
      %shift_left3A_365 = arith.shli %gather3A_362, %shift_left3A_364 : vector<16xi32>
      %bitcast3A_366 = vector.bitcast %shift_left3A_365 : vector<16xi32> to vector<16xf32>
      %and3A_367 = arith.constant -65536 : i32
      %and3A_368 = vector.broadcast %and3A_367 : i32 to vector<16xi32>
      %and3A_369 = arith.andi %gather3A_362, %and3A_368 : vector<16xi32>
      %bitcast3A_370 = vector.bitcast %and3A_369 : vector<16xi32> to vector<16xf32>
      %mul3A_371 = vector.broadcast %scan3A_161 : f32 to vector<16xf32>
      %mul3A_372 = arith.mulf %bitcast3A_366, %mul3A_371 : vector<16xf32>
      %exp3A_373 = math.exp %mul3A_372 : vector<16xf32>
      %add3A_374 = arith.addf %add3A_350, %exp3A_373 : vector<16xf32>
      %mul3A_375 = vector.broadcast %scan3A_161 : f32 to vector<16xf32>
      %mul3A_376 = arith.mulf %bitcast3A_370, %mul3A_375 : vector<16xf32>
      %exp3A_377 = math.exp %mul3A_376 : vector<16xf32>
      %add3A_378 = arith.addf %add3A_354, %exp3A_377 : vector<16xf32>
      scf.yield %add3A_374, %add3A_378 : vector<16xf32>, vector<16xf32>
    }
    %scan3A_167 = arith.constant 256 : i32
    %add3A_168 = arith.constant 4 : i32
    %add3A_169 = arith.addi %mul3A_2, %add3A_168 : i32
    %add3A_170 = arith.constant 1 : i32
    %add3A_171 = arith.addi %add3A_169, %add3A_170 : i32
    %dma_start3A_172 = arith.constant 0 : i32
    %dma_start3A_173 = tpu.memref_slice %arg2[%add3A_171, %dma_start3A_172] : memref<256x102400xi32, #tpu.memory_space<hbm>> -> memref<1x102400xi32, #tpu.memory_space<hbm>>
    %dma_start3A_174 = tpu.memref_squeeze %dma_start3A_173 : memref<1x102400xi32, #tpu.memory_space<hbm>> -> memref<102400xi32, #tpu.memory_space<hbm>>
    %dma_start3A_175 = arith.constant 0 : i32
    %dma_start3A_176 = tpu.memref_slice %arg2[%add3A_171, %dma_start3A_175] : memref<256x102400xi32, #tpu.memory_space<hbm>> -> memref<1x102400xi32, #tpu.memory_space<hbm>>
    %dma_start3A_177 = tpu.memref_squeeze %dma_start3A_176 : memref<1x102400xi32, #tpu.memory_space<hbm>> -> memref<102400xi32, #tpu.memory_space<hbm>>
    tpu.enqueue_dma source(%dma_start3A_177 : memref<102400xi32, #tpu.memory_space<hbm>>) target(%arg5 : memref<102400xi32, #tpu.memory_space<vmem>>) target_semaphore(%arg9 : memref<!tpu.dma_semaphore, #tpu.memory_space<semaphore_mem>>)
    %swap3A_178 = arith.constant 0 : index
    %swap3A_179 = tpu.vector_load %arg7[%swap3A_178] {strides = array<i32>} : memref<16xf32, #tpu.memory_space<vmem>>, vector<16xf32>,
    tpu.vector_store %arg7[%swap3A_178], %scan3A_166#0 {strides = array<i32>} : memref<16xf32, #tpu.memory_space<vmem>>, vector<16xf32>,
    %swap3A_180 = arith.constant 0 : index
    %swap3A_181 = tpu.vector_load %arg8[%swap3A_180] {strides = array<i32>} : memref<16xf32, #tpu.memory_space<vmem>>, vector<16xf32>,
    tpu.vector_store %arg8[%swap3A_180], %scan3A_166#1 {strides = array<i32>} : memref<16xf32, #tpu.memory_space<vmem>>, vector<16xf32>,
    %add3A_182 = arith.constant 4 : i32
    %add3A_183 = arith.addi %mul3A_2, %add3A_182 : i32
    %run_scoped3A_184 = arith.constant 0 : i32
    "tpu.region"() ({
      %run_scoped3A_289 = tpu.sem_alloc : memref<!tpu.dma_semaphore, #tpu.memory_space<semaphore_mem>>
      %dma_start3A_290 = arith.constant 0 : i32
      %dma_start3A_291 = tpu.memref_slice %arg4[%run_scoped3A_184, %add3A_183, %dma_start3A_290] : memref<2x256x16xf32, #tpu.memory_space<hbm>> -> memref<1x1x16xf32, #tpu.memory_space<hbm>>
      %dma_start3A_292 = tpu.memref_squeeze %dma_start3A_291 : memref<1x1x16xf32, #tpu.memory_space<hbm>> -> memref<16xf32, #tpu.memory_space<hbm>>
      %dma_start3A_293 = arith.constant 0 : i32
      %dma_start3A_294 = tpu.memref_slice %arg4[%run_scoped3A_184, %add3A_183, %dma_start3A_293] : memref<2x256x16xf32, #tpu.memory_space<hbm>> -> memref<1x1x16xf32, #tpu.memory_space<hbm>>
      %dma_start3A_295 = tpu.memref_squeeze %dma_start3A_294 : memref<1x1x16xf32, #tpu.memory_space<hbm>> -> memref<16xf32, #tpu.memory_space<hbm>>
      tpu.enqueue_dma source(%arg7 : memref<16xf32, #tpu.memory_space<vmem>>) target(%dma_start3A_295 : memref<16xf32, #tpu.memory_space<hbm>>) target_semaphore(%run_scoped3A_289 : memref<!tpu.dma_semaphore, #tpu.memory_space<semaphore_mem>>)
      %dma_wait3A_296 = arith.constant 0 : i32
      %dma_wait3A_297 = tpu.memref_slice %arg4[%run_scoped3A_184, %add3A_183, %dma_wait3A_296] : memref<2x256x16xf32, #tpu.memory_space<hbm>> -> memref<1x1x16xf32, #tpu.memory_space<hbm>>
      %dma_wait3A_298 = tpu.memref_squeeze %dma_wait3A_297 : memref<1x1x16xf32, #tpu.memory_space<hbm>> -> memref<16xf32, #tpu.memory_space<hbm>>
      %dma_wait3A_299 = arith.constant 0 : i32
      %dma_wait3A_300 = tpu.memref_slice %arg4[%run_scoped3A_184, %add3A_183, %dma_wait3A_299] : memref<2x256x16xf32, #tpu.memory_space<hbm>> -> memref<1x1x16xf32, #tpu.memory_space<hbm>>
      %dma_wait3A_301 = tpu.memref_squeeze %dma_wait3A_300 : memref<1x1x16xf32, #tpu.memory_space<hbm>> -> memref<16xf32, #tpu.memory_space<hbm>>
      tpu.wait_dma2 semaphore(%run_scoped3A_289 : memref<!tpu.dma_semaphore, #tpu.memory_space<semaphore_mem>>) src(%arg7 : memref<16xf32, #tpu.memory_space<vmem>>) dst(%dma_wait3A_301 : memref<16xf32, #tpu.memory_space<hbm>>)
      tpu.yield
    }) : () -> ()
    %add3A_185 = arith.constant 4 : i32
    %add3A_186 = arith.addi %mul3A_2, %add3A_185 : i32
    %run_scoped3A_187 = arith.constant 1 : i32
    "tpu.region"() ({
      %run_scoped3A_289 = tpu.sem_alloc : memref<!tpu.dma_semaphore, #tpu.memory_space<semaphore_mem>>
      %dma_start3A_290 = arith.constant 0 : i32
      %dma_start3A_291 = tpu.memref_slice %arg4[%run_scoped3A_187, %add3A_186, %dma_start3A_290] : memref<2x256x16xf32, #tpu.memory_space<hbm>> -> memref<1x1x16xf32, #tpu.memory_space<hbm>>
      %dma_start3A_292 = tpu.memref_squeeze %dma_start3A_291 : memref<1x1x16xf32, #tpu.memory_space<hbm>> -> memref<16xf32, #tpu.memory_space<hbm>>
      %dma_start3A_293 = arith.constant 0 : i32
      %dma_start3A_294 = tpu.memref_slice %arg4[%run_scoped3A_187, %add3A_186, %dma_start3A_293] : memref<2x256x16xf32, #tpu.memory_space<hbm>> -> memref<1x1x16xf32, #tpu.memory_space<hbm>>
      %dma_start3A_295 = tpu.memref_squeeze %dma_start3A_294 : memref<1x1x16xf32, #tpu.memory_space<hbm>> -> memref<16xf32, #tpu.memory_space<hbm>>
      tpu.enqueue_dma source(%arg8 : memref<16xf32, #tpu.memory_space<vmem>>) target(%dma_start3A_295 : memref<16xf32, #tpu.memory_space<hbm>>) target_semaphore(%run_scoped3A_289 : memref<!tpu.dma_semaphore, #tpu.memory_space<semaphore_mem>>)
      %dma_wait3A_296 = arith.constant 0 : i32
      %dma_wait3A_297 = tpu.memref_slice %arg4[%run_scoped3A_187, %add3A_186, %dma_wait3A_296] : memref<2x256x16xf32, #tpu.memory_space<hbm>> -> memref<1x1x16xf32, #tpu.memory_space<hbm>>
      %dma_wait3A_298 = tpu.memref_squeeze %dma_wait3A_297 : memref<1x1x16xf32, #tpu.memory_space<hbm>> -> memref<16xf32, #tpu.memory_space<hbm>>
      %dma_wait3A_299 = arith.constant 0 : i32
      %dma_wait3A_300 = tpu.memref_slice %arg4[%run_scoped3A_187, %add3A_186, %dma_wait3A_299] : memref<2x256x16xf32, #tpu.memory_space<hbm>> -> memref<1x1x16xf32, #tpu.memory_space<hbm>>
      %dma_wait3A_301 = tpu.memref_squeeze %dma_wait3A_300 : memref<1x1x16xf32, #tpu.memory_space<hbm>> -> memref<16xf32, #tpu.memory_space<hbm>>
      tpu.wait_dma2 semaphore(%run_scoped3A_289 : memref<!tpu.dma_semaphore, #tpu.memory_space<semaphore_mem>>) src(%arg8 : memref<16xf32, #tpu.memory_space<vmem>>) dst(%dma_wait3A_301 : memref<16xf32, #tpu.memory_space<hbm>>)
      tpu.yield
    }) : () -> ()
    %add3A_188 = arith.constant 5 : i32
    %add3A_189 = arith.addi %mul3A_2, %add3A_188 : i32
    "tpu.region"() ({
      %run_scoped3A_289 = tpu.sem_alloc : memref<!tpu.dma_semaphore, #tpu.memory_space<semaphore_mem>>
      %dma_start3A_290 = arith.constant 0 : i32
      %dma_start3A_291 = tpu.memref_slice %arg3[%add3A_189, %dma_start3A_290] : memref<256x4096xi32, #tpu.memory_space<hbm>> -> memref<1x4096xi32, #tpu.memory_space<hbm>>
      %dma_start3A_292 = tpu.memref_squeeze %dma_start3A_291 : memref<1x4096xi32, #tpu.memory_space<hbm>> -> memref<4096xi32, #tpu.memory_space<hbm>>
      %dma_start3A_293 = arith.constant 0 : i32
      %dma_start3A_294 = tpu.memref_slice %arg3[%add3A_189, %dma_start3A_293] : memref<256x4096xi32, #tpu.memory_space<hbm>> -> memref<1x4096xi32, #tpu.memory_space<hbm>>
      %dma_start3A_295 = tpu.memref_squeeze %dma_start3A_294 : memref<1x4096xi32, #tpu.memory_space<hbm>> -> memref<4096xi32, #tpu.memory_space<hbm>>
      tpu.enqueue_dma source(%dma_start3A_295 : memref<4096xi32, #tpu.memory_space<hbm>>) target(%arg6 : memref<4096xi32, #tpu.memory_space<vmem>>) target_semaphore(%run_scoped3A_289 : memref<!tpu.dma_semaphore, #tpu.memory_space<semaphore_mem>>)
      %dma_wait3A_296 = arith.constant 0 : i32
      %dma_wait3A_297 = tpu.memref_slice %arg3[%add3A_189, %dma_wait3A_296] : memref<256x4096xi32, #tpu.memory_space<hbm>> -> memref<1x4096xi32, #tpu.memory_space<hbm>>
      %dma_wait3A_298 = tpu.memref_squeeze %dma_wait3A_297 : memref<1x4096xi32, #tpu.memory_space<hbm>> -> memref<4096xi32, #tpu.memory_space<hbm>>
      %dma_wait3A_299 = arith.constant 0 : i32
      %dma_wait3A_300 = tpu.memref_slice %arg3[%add3A_189, %dma_wait3A_299] : memref<256x4096xi32, #tpu.memory_space<hbm>> -> memref<1x4096xi32, #tpu.memory_space<hbm>>
      %dma_wait3A_301 = tpu.memref_squeeze %dma_wait3A_300 : memref<1x4096xi32, #tpu.memory_space<hbm>> -> memref<4096xi32, #tpu.memory_space<hbm>>
      tpu.wait_dma2 semaphore(%run_scoped3A_289 : memref<!tpu.dma_semaphore, #tpu.memory_space<semaphore_mem>>) src(%dma_wait3A_301 : memref<4096xi32, #tpu.memory_space<hbm>>) dst(%arg6 : memref<4096xi32, #tpu.memory_space<vmem>>)
      tpu.yield
    }) : () -> ()
    %dma_wait3A_190 = arith.constant 0 : i32
    %dma_wait3A_191 = tpu.memref_slice %arg2[%add3A_171, %dma_wait3A_190] : memref<256x102400xi32, #tpu.memory_space<hbm>> -> memref<1x102400xi32, #tpu.memory_space<hbm>>
    %dma_wait3A_192 = tpu.memref_squeeze %dma_wait3A_191 : memref<1x102400xi32, #tpu.memory_space<hbm>> -> memref<102400xi32, #tpu.memory_space<hbm>>
    %dma_wait3A_193 = arith.constant 0 : i32
    %dma_wait3A_194 = tpu.memref_slice %arg2[%add3A_171, %dma_wait3A_193] : memref<256x102400xi32, #tpu.memory_space<hbm>> -> memref<1x102400xi32, #tpu.memory_space<hbm>>
    %dma_wait3A_195 = tpu.memref_squeeze %dma_wait3A_194 : memref<1x102400xi32, #tpu.memory_space<hbm>> -> memref<102400xi32, #tpu.memory_space<hbm>>
    tpu.wait_dma2 semaphore(%arg9 : memref<!tpu.dma_semaphore, #tpu.memory_space<semaphore_mem>>) src(%dma_wait3A_195 : memref<102400xi32, #tpu.memory_space<hbm>>) dst(%arg5 : memref<102400xi32, #tpu.memory_space<vmem>>)
    %broadcast_in_dim3A_196 = arith.constant 0.000000e+00 : f32
    %broadcast_in_dim3A_197 = vector.broadcast %broadcast_in_dim3A_196 : f32 to vector<16xf32>
    %scan3A_198 = arith.constant 14.2857141 : f32
    %scan3A_199 = arith.constant 0 : i32
    %scan3A_200 = arith.constant 256 : i32
    %scan3A_201 = arith.addi %scan3A_199, %scan3A_200 : i32
    %scan3A_202 = arith.constant 4 : i32
    %scan3A_203:2 = scf.for %scan3A_289 = %scan3A_199 to %scan3A_201 step %scan3A_202 iter_args(%scan3A_290 = %broadcast_in_dim3A_197, %scan3A_291 = %broadcast_in_dim3A_197) -> (vector<16xf32>, vector<16xf32>)  : i32 {
      %mul3A_292 = arith.constant 16 : i32
      %mul3A_293 = arith.muli %scan3A_289, %mul3A_292 : i32
      %multiple_of3A = tpu.assume_multiple %mul3A_293, 16 : i32
      %get3A = arith.index_cast %multiple_of3A : i32 to index
      %get3A_294 = tpu.vector_load %arg6[%get3A] {strides = array<i32>} : memref<4096xi32, #tpu.memory_space<vmem>>, vector<16xi32>,
      %gather3A = tpu.vector_load_idx %arg5[%get3A_294] : memref<102400xi32, #tpu.memory_space<vmem>>[vector<16xi32>], vector<16xi32>,
      %shift_left3A = arith.constant 16 : i32
      %shift_left3A_295 = vector.broadcast %shift_left3A : i32 to vector<16xi32>
      %shift_left3A_296 = arith.shli %gather3A, %shift_left3A_295 : vector<16xi32>
      %bitcast3A = vector.bitcast %shift_left3A_296 : vector<16xi32> to vector<16xf32>
      %and3A = arith.constant -65536 : i32
      %and3A_297 = vector.broadcast %and3A : i32 to vector<16xi32>
      %and3A_298 = arith.andi %gather3A, %and3A_297 : vector<16xi32>
      %bitcast3A_299 = vector.bitcast %and3A_298 : vector<16xi32> to vector<16xf32>
      %mul3A_300 = vector.broadcast %scan3A_198 : f32 to vector<16xf32>
      %mul3A_301 = arith.mulf %bitcast3A, %mul3A_300 : vector<16xf32>
      %exp3A = math.exp %mul3A_301 : vector<16xf32>
      %add3A_302 = arith.addf %scan3A_290, %exp3A : vector<16xf32>
      %mul3A_303 = vector.broadcast %scan3A_198 : f32 to vector<16xf32>
      %mul3A_304 = arith.mulf %bitcast3A_299, %mul3A_303 : vector<16xf32>
      %exp3A_305 = math.exp %mul3A_304 : vector<16xf32>
      %add3A_306 = arith.addf %scan3A_291, %exp3A_305 : vector<16xf32>
      %scan3A_307 = arith.constant 1 : i32
      %scan3A_308 = arith.addi %scan3A_289, %scan3A_307 : i32
      %mul3A_309 = arith.constant 16 : i32
      %mul3A_310 = arith.muli %scan3A_308, %mul3A_309 : i32
      %multiple_of3A_311 = tpu.assume_multiple %mul3A_310, 16 : i32
      %get3A_312 = arith.index_cast %multiple_of3A_311 : i32 to index
      %get3A_313 = tpu.vector_load %arg6[%get3A_312] {strides = array<i32>} : memref<4096xi32, #tpu.memory_space<vmem>>, vector<16xi32>,
      %gather3A_314 = tpu.vector_load_idx %arg5[%get3A_313] : memref<102400xi32, #tpu.memory_space<vmem>>[vector<16xi32>], vector<16xi32>,
      %shift_left3A_315 = arith.constant 16 : i32
      %shift_left3A_316 = vector.broadcast %shift_left3A_315 : i32 to vector<16xi32>
      %shift_left3A_317 = arith.shli %gather3A_314, %shift_left3A_316 : vector<16xi32>
      %bitcast3A_318 = vector.bitcast %shift_left3A_317 : vector<16xi32> to vector<16xf32>
      %and3A_319 = arith.constant -65536 : i32
      %and3A_320 = vector.broadcast %and3A_319 : i32 to vector<16xi32>
      %and3A_321 = arith.andi %gather3A_314, %and3A_320 : vector<16xi32>
      %bitcast3A_322 = vector.bitcast %and3A_321 : vector<16xi32> to vector<16xf32>
      %mul3A_323 = vector.broadcast %scan3A_198 : f32 to vector<16xf32>
      %mul3A_324 = arith.mulf %bitcast3A_318, %mul3A_323 : vector<16xf32>
      %exp3A_325 = math.exp %mul3A_324 : vector<16xf32>
      %add3A_326 = arith.addf %add3A_302, %exp3A_325 : vector<16xf32>
      %mul3A_327 = vector.broadcast %scan3A_198 : f32 to vector<16xf32>
      %mul3A_328 = arith.mulf %bitcast3A_322, %mul3A_327 : vector<16xf32>
      %exp3A_329 = math.exp %mul3A_328 : vector<16xf32>
      %add3A_330 = arith.addf %add3A_306, %exp3A_329 : vector<16xf32>
      %scan3A_331 = arith.constant 2 : i32
      %scan3A_332 = arith.addi %scan3A_289, %scan3A_331 : i32
      %mul3A_333 = arith.constant 16 : i32
      %mul3A_334 = arith.muli %scan3A_332, %mul3A_333 : i32
      %multiple_of3A_335 = tpu.assume_multiple %mul3A_334, 16 : i32
      %get3A_336 = arith.index_cast %multiple_of3A_335 : i32 to index
      %get3A_337 = tpu.vector_load %arg6[%get3A_336] {strides = array<i32>} : memref<4096xi32, #tpu.memory_space<vmem>>, vector<16xi32>,
      %gather3A_338 = tpu.vector_load_idx %arg5[%get3A_337] : memref<102400xi32, #tpu.memory_space<vmem>>[vector<16xi32>], vector<16xi32>,
      %shift_left3A_339 = arith.constant 16 : i32
      %shift_left3A_340 = vector.broadcast %shift_left3A_339 : i32 to vector<16xi32>
      %shift_left3A_341 = arith.shli %gather3A_338, %shift_left3A_340 : vector<16xi32>
      %bitcast3A_342 = vector.bitcast %shift_left3A_341 : vector<16xi32> to vector<16xf32>
      %and3A_343 = arith.constant -65536 : i32
      %and3A_344 = vector.broadcast %and3A_343 : i32 to vector<16xi32>
      %and3A_345 = arith.andi %gather3A_338, %and3A_344 : vector<16xi32>
      %bitcast3A_346 = vector.bitcast %and3A_345 : vector<16xi32> to vector<16xf32>
      %mul3A_347 = vector.broadcast %scan3A_198 : f32 to vector<16xf32>
      %mul3A_348 = arith.mulf %bitcast3A_342, %mul3A_347 : vector<16xf32>
      %exp3A_349 = math.exp %mul3A_348 : vector<16xf32>
      %add3A_350 = arith.addf %add3A_326, %exp3A_349 : vector<16xf32>
      %mul3A_351 = vector.broadcast %scan3A_198 : f32 to vector<16xf32>
      %mul3A_352 = arith.mulf %bitcast3A_346, %mul3A_351 : vector<16xf32>
      %exp3A_353 = math.exp %mul3A_352 : vector<16xf32>
      %add3A_354 = arith.addf %add3A_330, %exp3A_353 : vector<16xf32>
      %scan3A_355 = arith.constant 3 : i32
      %scan3A_356 = arith.addi %scan3A_289, %scan3A_355 : i32
      %mul3A_357 = arith.constant 16 : i32
      %mul3A_358 = arith.muli %scan3A_356, %mul3A_357 : i32
      %multiple_of3A_359 = tpu.assume_multiple %mul3A_358, 16 : i32
      %get3A_360 = arith.index_cast %multiple_of3A_359 : i32 to index
      %get3A_361 = tpu.vector_load %arg6[%get3A_360] {strides = array<i32>} : memref<4096xi32, #tpu.memory_space<vmem>>, vector<16xi32>,
      %gather3A_362 = tpu.vector_load_idx %arg5[%get3A_361] : memref<102400xi32, #tpu.memory_space<vmem>>[vector<16xi32>], vector<16xi32>,
      %shift_left3A_363 = arith.constant 16 : i32
      %shift_left3A_364 = vector.broadcast %shift_left3A_363 : i32 to vector<16xi32>
      %shift_left3A_365 = arith.shli %gather3A_362, %shift_left3A_364 : vector<16xi32>
      %bitcast3A_366 = vector.bitcast %shift_left3A_365 : vector<16xi32> to vector<16xf32>
      %and3A_367 = arith.constant -65536 : i32
      %and3A_368 = vector.broadcast %and3A_367 : i32 to vector<16xi32>
      %and3A_369 = arith.andi %gather3A_362, %and3A_368 : vector<16xi32>
      %bitcast3A_370 = vector.bitcast %and3A_369 : vector<16xi32> to vector<16xf32>
      %mul3A_371 = vector.broadcast %scan3A_198 : f32 to vector<16xf32>
      %mul3A_372 = arith.mulf %bitcast3A_366, %mul3A_371 : vector<16xf32>
      %exp3A_373 = math.exp %mul3A_372 : vector<16xf32>
      %add3A_374 = arith.addf %add3A_350, %exp3A_373 : vector<16xf32>
      %mul3A_375 = vector.broadcast %scan3A_198 : f32 to vector<16xf32>
      %mul3A_376 = arith.mulf %bitcast3A_370, %mul3A_375 : vector<16xf32>
      %exp3A_377 = math.exp %mul3A_376 : vector<16xf32>
      %add3A_378 = arith.addf %add3A_354, %exp3A_377 : vector<16xf32>
      scf.yield %add3A_374, %add3A_378 : vector<16xf32>, vector<16xf32>
    }
    %scan3A_204 = arith.constant 256 : i32
    %add3A_205 = arith.constant 5 : i32
    %add3A_206 = arith.addi %mul3A_2, %add3A_205 : i32
    %add3A_207 = arith.constant 1 : i32
    %add3A_208 = arith.addi %add3A_206, %add3A_207 : i32
    %dma_start3A_209 = arith.constant 0 : i32
    %dma_start3A_210 = tpu.memref_slice %arg2[%add3A_208, %dma_start3A_209] : memref<256x102400xi32, #tpu.memory_space<hbm>> -> memref<1x102400xi32, #tpu.memory_space<hbm>>
    %dma_start3A_211 = tpu.memref_squeeze %dma_start3A_210 : memref<1x102400xi32, #tpu.memory_space<hbm>> -> memref<102400xi32, #tpu.memory_space<hbm>>
    %dma_start3A_212 = arith.constant 0 : i32
    %dma_start3A_213 = tpu.memref_slice %arg2[%add3A_208, %dma_start3A_212] : memref<256x102400xi32, #tpu.memory_space<hbm>> -> memref<1x102400xi32, #tpu.memory_space<hbm>>
    %dma_start3A_214 = tpu.memref_squeeze %dma_start3A_213 : memref<1x102400xi32, #tpu.memory_space<hbm>> -> memref<102400xi32, #tpu.memory_space<hbm>>
    tpu.enqueue_dma source(%dma_start3A_214 : memref<102400xi32, #tpu.memory_space<hbm>>) target(%arg5 : memref<102400xi32, #tpu.memory_space<vmem>>) target_semaphore(%arg9 : memref<!tpu.dma_semaphore, #tpu.memory_space<semaphore_mem>>)
    %swap3A_215 = arith.constant 0 : index
    %swap3A_216 = tpu.vector_load %arg7[%swap3A_215] {strides = array<i32>} : memref<16xf32, #tpu.memory_space<vmem>>, vector<16xf32>,
    tpu.vector_store %arg7[%swap3A_215], %scan3A_203#0 {strides = array<i32>} : memref<16xf32, #tpu.memory_space<vmem>>, vector<16xf32>,
    %swap3A_217 = arith.constant 0 : index
    %swap3A_218 = tpu.vector_load %arg8[%swap3A_217] {strides = array<i32>} : memref<16xf32, #tpu.memory_space<vmem>>, vector<16xf32>,
    tpu.vector_store %arg8[%swap3A_217], %scan3A_203#1 {strides = array<i32>} : memref<16xf32, #tpu.memory_space<vmem>>, vector<16xf32>,
    %add3A_219 = arith.constant 5 : i32
    %add3A_220 = arith.addi %mul3A_2, %add3A_219 : i32
    %run_scoped3A_221 = arith.constant 0 : i32
    "tpu.region"() ({
      %run_scoped3A_289 = tpu.sem_alloc : memref<!tpu.dma_semaphore, #tpu.memory_space<semaphore_mem>>
      %dma_start3A_290 = arith.constant 0 : i32
      %dma_start3A_291 = tpu.memref_slice %arg4[%run_scoped3A_221, %add3A_220, %dma_start3A_290] : memref<2x256x16xf32, #tpu.memory_space<hbm>> -> memref<1x1x16xf32, #tpu.memory_space<hbm>>
      %dma_start3A_292 = tpu.memref_squeeze %dma_start3A_291 : memref<1x1x16xf32, #tpu.memory_space<hbm>> -> memref<16xf32, #tpu.memory_space<hbm>>
      %dma_start3A_293 = arith.constant 0 : i32
      %dma_start3A_294 = tpu.memref_slice %arg4[%run_scoped3A_221, %add3A_220, %dma_start3A_293] : memref<2x256x16xf32, #tpu.memory_space<hbm>> -> memref<1x1x16xf32, #tpu.memory_space<hbm>>
      %dma_start3A_295 = tpu.memref_squeeze %dma_start3A_294 : memref<1x1x16xf32, #tpu.memory_space<hbm>> -> memref<16xf32, #tpu.memory_space<hbm>>
      tpu.enqueue_dma source(%arg7 : memref<16xf32, #tpu.memory_space<vmem>>) target(%dma_start3A_295 : memref<16xf32, #tpu.memory_space<hbm>>) target_semaphore(%run_scoped3A_289 : memref<!tpu.dma_semaphore, #tpu.memory_space<semaphore_mem>>)
      %dma_wait3A_296 = arith.constant 0 : i32
      %dma_wait3A_297 = tpu.memref_slice %arg4[%run_scoped3A_221, %add3A_220, %dma_wait3A_296] : memref<2x256x16xf32, #tpu.memory_space<hbm>> -> memref<1x1x16xf32, #tpu.memory_space<hbm>>
      %dma_wait3A_298 = tpu.memref_squeeze %dma_wait3A_297 : memref<1x1x16xf32, #tpu.memory_space<hbm>> -> memref<16xf32, #tpu.memory_space<hbm>>
      %dma_wait3A_299 = arith.constant 0 : i32
      %dma_wait3A_300 = tpu.memref_slice %arg4[%run_scoped3A_221, %add3A_220, %dma_wait3A_299] : memref<2x256x16xf32, #tpu.memory_space<hbm>> -> memref<1x1x16xf32, #tpu.memory_space<hbm>>
      %dma_wait3A_301 = tpu.memref_squeeze %dma_wait3A_300 : memref<1x1x16xf32, #tpu.memory_space<hbm>> -> memref<16xf32, #tpu.memory_space<hbm>>
      tpu.wait_dma2 semaphore(%run_scoped3A_289 : memref<!tpu.dma_semaphore, #tpu.memory_space<semaphore_mem>>) src(%arg7 : memref<16xf32, #tpu.memory_space<vmem>>) dst(%dma_wait3A_301 : memref<16xf32, #tpu.memory_space<hbm>>)
      tpu.yield
    }) : () -> ()
    %add3A_222 = arith.constant 5 : i32
    %add3A_223 = arith.addi %mul3A_2, %add3A_222 : i32
    %run_scoped3A_224 = arith.constant 1 : i32
    "tpu.region"() ({
      %run_scoped3A_289 = tpu.sem_alloc : memref<!tpu.dma_semaphore, #tpu.memory_space<semaphore_mem>>
      %dma_start3A_290 = arith.constant 0 : i32
      %dma_start3A_291 = tpu.memref_slice %arg4[%run_scoped3A_224, %add3A_223, %dma_start3A_290] : memref<2x256x16xf32, #tpu.memory_space<hbm>> -> memref<1x1x16xf32, #tpu.memory_space<hbm>>
      %dma_start3A_292 = tpu.memref_squeeze %dma_start3A_291 : memref<1x1x16xf32, #tpu.memory_space<hbm>> -> memref<16xf32, #tpu.memory_space<hbm>>
      %dma_start3A_293 = arith.constant 0 : i32
      %dma_start3A_294 = tpu.memref_slice %arg4[%run_scoped3A_224, %add3A_223, %dma_start3A_293] : memref<2x256x16xf32, #tpu.memory_space<hbm>> -> memref<1x1x16xf32, #tpu.memory_space<hbm>>
      %dma_start3A_295 = tpu.memref_squeeze %dma_start3A_294 : memref<1x1x16xf32, #tpu.memory_space<hbm>> -> memref<16xf32, #tpu.memory_space<hbm>>
      tpu.enqueue_dma source(%arg8 : memref<16xf32, #tpu.memory_space<vmem>>) target(%dma_start3A_295 : memref<16xf32, #tpu.memory_space<hbm>>) target_semaphore(%run_scoped3A_289 : memref<!tpu.dma_semaphore, #tpu.memory_space<semaphore_mem>>)
      %dma_wait3A_296 = arith.constant 0 : i32
      %dma_wait3A_297 = tpu.memref_slice %arg4[%run_scoped3A_224, %add3A_223, %dma_wait3A_296] : memref<2x256x16xf32, #tpu.memory_space<hbm>> -> memref<1x1x16xf32, #tpu.memory_space<hbm>>
      %dma_wait3A_298 = tpu.memref_squeeze %dma_wait3A_297 : memref<1x1x16xf32, #tpu.memory_space<hbm>> -> memref<16xf32, #tpu.memory_space<hbm>>
      %dma_wait3A_299 = arith.constant 0 : i32
      %dma_wait3A_300 = tpu.memref_slice %arg4[%run_scoped3A_224, %add3A_223, %dma_wait3A_299] : memref<2x256x16xf32, #tpu.memory_space<hbm>> -> memref<1x1x16xf32, #tpu.memory_space<hbm>>
      %dma_wait3A_301 = tpu.memref_squeeze %dma_wait3A_300 : memref<1x1x16xf32, #tpu.memory_space<hbm>> -> memref<16xf32, #tpu.memory_space<hbm>>
      tpu.wait_dma2 semaphore(%run_scoped3A_289 : memref<!tpu.dma_semaphore, #tpu.memory_space<semaphore_mem>>) src(%arg8 : memref<16xf32, #tpu.memory_space<vmem>>) dst(%dma_wait3A_301 : memref<16xf32, #tpu.memory_space<hbm>>)
      tpu.yield
    }) : () -> ()
    %add3A_225 = arith.constant 6 : i32
    %add3A_226 = arith.addi %mul3A_2, %add3A_225 : i32
    "tpu.region"() ({
      %run_scoped3A_289 = tpu.sem_alloc : memref<!tpu.dma_semaphore, #tpu.memory_space<semaphore_mem>>
      %dma_start3A_290 = arith.constant 0 : i32
      %dma_start3A_291 = tpu.memref_slice %arg3[%add3A_226, %dma_start3A_290] : memref<256x4096xi32, #tpu.memory_space<hbm>> -> memref<1x4096xi32, #tpu.memory_space<hbm>>
      %dma_start3A_292 = tpu.memref_squeeze %dma_start3A_291 : memref<1x4096xi32, #tpu.memory_space<hbm>> -> memref<4096xi32, #tpu.memory_space<hbm>>
      %dma_start3A_293 = arith.constant 0 : i32
      %dma_start3A_294 = tpu.memref_slice %arg3[%add3A_226, %dma_start3A_293] : memref<256x4096xi32, #tpu.memory_space<hbm>> -> memref<1x4096xi32, #tpu.memory_space<hbm>>
      %dma_start3A_295 = tpu.memref_squeeze %dma_start3A_294 : memref<1x4096xi32, #tpu.memory_space<hbm>> -> memref<4096xi32, #tpu.memory_space<hbm>>
      tpu.enqueue_dma source(%dma_start3A_295 : memref<4096xi32, #tpu.memory_space<hbm>>) target(%arg6 : memref<4096xi32, #tpu.memory_space<vmem>>) target_semaphore(%run_scoped3A_289 : memref<!tpu.dma_semaphore, #tpu.memory_space<semaphore_mem>>)
      %dma_wait3A_296 = arith.constant 0 : i32
      %dma_wait3A_297 = tpu.memref_slice %arg3[%add3A_226, %dma_wait3A_296] : memref<256x4096xi32, #tpu.memory_space<hbm>> -> memref<1x4096xi32, #tpu.memory_space<hbm>>
      %dma_wait3A_298 = tpu.memref_squeeze %dma_wait3A_297 : memref<1x4096xi32, #tpu.memory_space<hbm>> -> memref<4096xi32, #tpu.memory_space<hbm>>
      %dma_wait3A_299 = arith.constant 0 : i32
      %dma_wait3A_300 = tpu.memref_slice %arg3[%add3A_226, %dma_wait3A_299] : memref<256x4096xi32, #tpu.memory_space<hbm>> -> memref<1x4096xi32, #tpu.memory_space<hbm>>
      %dma_wait3A_301 = tpu.memref_squeeze %dma_wait3A_300 : memref<1x4096xi32, #tpu.memory_space<hbm>> -> memref<4096xi32, #tpu.memory_space<hbm>>
      tpu.wait_dma2 semaphore(%run_scoped3A_289 : memref<!tpu.dma_semaphore, #tpu.memory_space<semaphore_mem>>) src(%dma_wait3A_301 : memref<4096xi32, #tpu.memory_space<hbm>>) dst(%arg6 : memref<4096xi32, #tpu.memory_space<vmem>>)
      tpu.yield
    }) : () -> ()
    %dma_wait3A_227 = arith.constant 0 : i32
    %dma_wait3A_228 = tpu.memref_slice %arg2[%add3A_208, %dma_wait3A_227] : memref<256x102400xi32, #tpu.memory_space<hbm>> -> memref<1x102400xi32, #tpu.memory_space<hbm>>
    %dma_wait3A_229 = tpu.memref_squeeze %dma_wait3A_228 : memref<1x102400xi32, #tpu.memory_space<hbm>> -> memref<102400xi32, #tpu.memory_space<hbm>>
    %dma_wait3A_230 = arith.constant 0 : i32
    %dma_wait3A_231 = tpu.memref_slice %arg2[%add3A_208, %dma_wait3A_230] : memref<256x102400xi32, #tpu.memory_space<hbm>> -> memref<1x102400xi32, #tpu.memory_space<hbm>>
    %dma_wait3A_232 = tpu.memref_squeeze %dma_wait3A_231 : memref<1x102400xi32, #tpu.memory_space<hbm>> -> memref<102400xi32, #tpu.memory_space<hbm>>
    tpu.wait_dma2 semaphore(%arg9 : memref<!tpu.dma_semaphore, #tpu.memory_space<semaphore_mem>>) src(%dma_wait3A_232 : memref<102400xi32, #tpu.memory_space<hbm>>) dst(%arg5 : memref<102400xi32, #tpu.memory_space<vmem>>)
    %broadcast_in_dim3A_233 = arith.constant 0.000000e+00 : f32
    %broadcast_in_dim3A_234 = vector.broadcast %broadcast_in_dim3A_233 : f32 to vector<16xf32>
    %scan3A_235 = arith.constant 14.2857141 : f32
    %scan3A_236 = arith.constant 0 : i32
    %scan3A_237 = arith.constant 256 : i32
    %scan3A_238 = arith.addi %scan3A_236, %scan3A_237 : i32
    %scan3A_239 = arith.constant 4 : i32
    %scan3A_240:2 = scf.for %scan3A_289 = %scan3A_236 to %scan3A_238 step %scan3A_239 iter_args(%scan3A_290 = %broadcast_in_dim3A_234, %scan3A_291 = %broadcast_in_dim3A_234) -> (vector<16xf32>, vector<16xf32>)  : i32 {
      %mul3A_292 = arith.constant 16 : i32
      %mul3A_293 = arith.muli %scan3A_289, %mul3A_292 : i32
      %multiple_of3A = tpu.assume_multiple %mul3A_293, 16 : i32
      %get3A = arith.index_cast %multiple_of3A : i32 to index
      %get3A_294 = tpu.vector_load %arg6[%get3A] {strides = array<i32>} : memref<4096xi32, #tpu.memory_space<vmem>>, vector<16xi32>,
      %gather3A = tpu.vector_load_idx %arg5[%get3A_294] : memref<102400xi32, #tpu.memory_space<vmem>>[vector<16xi32>], vector<16xi32>,
      %shift_left3A = arith.constant 16 : i32
      %shift_left3A_295 = vector.broadcast %shift_left3A : i32 to vector<16xi32>
      %shift_left3A_296 = arith.shli %gather3A, %shift_left3A_295 : vector<16xi32>
      %bitcast3A = vector.bitcast %shift_left3A_296 : vector<16xi32> to vector<16xf32>
      %and3A = arith.constant -65536 : i32
      %and3A_297 = vector.broadcast %and3A : i32 to vector<16xi32>
      %and3A_298 = arith.andi %gather3A, %and3A_297 : vector<16xi32>
      %bitcast3A_299 = vector.bitcast %and3A_298 : vector<16xi32> to vector<16xf32>
      %mul3A_300 = vector.broadcast %scan3A_235 : f32 to vector<16xf32>
      %mul3A_301 = arith.mulf %bitcast3A, %mul3A_300 : vector<16xf32>
      %exp3A = math.exp %mul3A_301 : vector<16xf32>
      %add3A_302 = arith.addf %scan3A_290, %exp3A : vector<16xf32>
      %mul3A_303 = vector.broadcast %scan3A_235 : f32 to vector<16xf32>
      %mul3A_304 = arith.mulf %bitcast3A_299, %mul3A_303 : vector<16xf32>
      %exp3A_305 = math.exp %mul3A_304 : vector<16xf32>
      %add3A_306 = arith.addf %scan3A_291, %exp3A_305 : vector<16xf32>
      %scan3A_307 = arith.constant 1 : i32
      %scan3A_308 = arith.addi %scan3A_289, %scan3A_307 : i32
      %mul3A_309 = arith.constant 16 : i32
      %mul3A_310 = arith.muli %scan3A_308, %mul3A_309 : i32
      %multiple_of3A_311 = tpu.assume_multiple %mul3A_310, 16 : i32
      %get3A_312 = arith.index_cast %multiple_of3A_311 : i32 to index
      %get3A_313 = tpu.vector_load %arg6[%get3A_312] {strides = array<i32>} : memref<4096xi32, #tpu.memory_space<vmem>>, vector<16xi32>,
      %gather3A_314 = tpu.vector_load_idx %arg5[%get3A_313] : memref<102400xi32, #tpu.memory_space<vmem>>[vector<16xi32>], vector<16xi32>,
      %shift_left3A_315 = arith.constant 16 : i32
      %shift_left3A_316 = vector.broadcast %shift_left3A_315 : i32 to vector<16xi32>
      %shift_left3A_317 = arith.shli %gather3A_314, %shift_left3A_316 : vector<16xi32>
      %bitcast3A_318 = vector.bitcast %shift_left3A_317 : vector<16xi32> to vector<16xf32>
      %and3A_319 = arith.constant -65536 : i32
      %and3A_320 = vector.broadcast %and3A_319 : i32 to vector<16xi32>
      %and3A_321 = arith.andi %gather3A_314, %and3A_320 : vector<16xi32>
      %bitcast3A_322 = vector.bitcast %and3A_321 : vector<16xi32> to vector<16xf32>
      %mul3A_323 = vector.broadcast %scan3A_235 : f32 to vector<16xf32>
      %mul3A_324 = arith.mulf %bitcast3A_318, %mul3A_323 : vector<16xf32>
      %exp3A_325 = math.exp %mul3A_324 : vector<16xf32>
      %add3A_326 = arith.addf %add3A_302, %exp3A_325 : vector<16xf32>
      %mul3A_327 = vector.broadcast %scan3A_235 : f32 to vector<16xf32>
      %mul3A_328 = arith.mulf %bitcast3A_322, %mul3A_327 : vector<16xf32>
      %exp3A_329 = math.exp %mul3A_328 : vector<16xf32>
      %add3A_330 = arith.addf %add3A_306, %exp3A_329 : vector<16xf32>
      %scan3A_331 = arith.constant 2 : i32
      %scan3A_332 = arith.addi %scan3A_289, %scan3A_331 : i32
      %mul3A_333 = arith.constant 16 : i32
      %mul3A_334 = arith.muli %scan3A_332, %mul3A_333 : i32
      %multiple_of3A_335 = tpu.assume_multiple %mul3A_334, 16 : i32
      %get3A_336 = arith.index_cast %multiple_of3A_335 : i32 to index
      %get3A_337 = tpu.vector_load %arg6[%get3A_336] {strides = array<i32>} : memref<4096xi32, #tpu.memory_space<vmem>>, vector<16xi32>,
      %gather3A_338 = tpu.vector_load_idx %arg5[%get3A_337] : memref<102400xi32, #tpu.memory_space<vmem>>[vector<16xi32>], vector<16xi32>,
      %shift_left3A_339 = arith.constant 16 : i32
      %shift_left3A_340 = vector.broadcast %shift_left3A_339 : i32 to vector<16xi32>
      %shift_left3A_341 = arith.shli %gather3A_338, %shift_left3A_340 : vector<16xi32>
      %bitcast3A_342 = vector.bitcast %shift_left3A_341 : vector<16xi32> to vector<16xf32>
      %and3A_343 = arith.constant -65536 : i32
      %and3A_344 = vector.broadcast %and3A_343 : i32 to vector<16xi32>
      %and3A_345 = arith.andi %gather3A_338, %and3A_344 : vector<16xi32>
      %bitcast3A_346 = vector.bitcast %and3A_345 : vector<16xi32> to vector<16xf32>
      %mul3A_347 = vector.broadcast %scan3A_235 : f32 to vector<16xf32>
      %mul3A_348 = arith.mulf %bitcast3A_342, %mul3A_347 : vector<16xf32>
      %exp3A_349 = math.exp %mul3A_348 : vector<16xf32>
      %add3A_350 = arith.addf %add3A_326, %exp3A_349 : vector<16xf32>
      %mul3A_351 = vector.broadcast %scan3A_235 : f32 to vector<16xf32>
      %mul3A_352 = arith.mulf %bitcast3A_346, %mul3A_351 : vector<16xf32>
      %exp3A_353 = math.exp %mul3A_352 : vector<16xf32>
      %add3A_354 = arith.addf %add3A_330, %exp3A_353 : vector<16xf32>
      %scan3A_355 = arith.constant 3 : i32
      %scan3A_356 = arith.addi %scan3A_289, %scan3A_355 : i32
      %mul3A_357 = arith.constant 16 : i32
      %mul3A_358 = arith.muli %scan3A_356, %mul3A_357 : i32
      %multiple_of3A_359 = tpu.assume_multiple %mul3A_358, 16 : i32
      %get3A_360 = arith.index_cast %multiple_of3A_359 : i32 to index
      %get3A_361 = tpu.vector_load %arg6[%get3A_360] {strides = array<i32>} : memref<4096xi32, #tpu.memory_space<vmem>>, vector<16xi32>,
      %gather3A_362 = tpu.vector_load_idx %arg5[%get3A_361] : memref<102400xi32, #tpu.memory_space<vmem>>[vector<16xi32>], vector<16xi32>,
      %shift_left3A_363 = arith.constant 16 : i32
      %shift_left3A_364 = vector.broadcast %shift_left3A_363 : i32 to vector<16xi32>
      %shift_left3A_365 = arith.shli %gather3A_362, %shift_left3A_364 : vector<16xi32>
      %bitcast3A_366 = vector.bitcast %shift_left3A_365 : vector<16xi32> to vector<16xf32>
      %and3A_367 = arith.constant -65536 : i32
      %and3A_368 = vector.broadcast %and3A_367 : i32 to vector<16xi32>
      %and3A_369 = arith.andi %gather3A_362, %and3A_368 : vector<16xi32>
      %bitcast3A_370 = vector.bitcast %and3A_369 : vector<16xi32> to vector<16xf32>
      %mul3A_371 = vector.broadcast %scan3A_235 : f32 to vector<16xf32>
      %mul3A_372 = arith.mulf %bitcast3A_366, %mul3A_371 : vector<16xf32>
      %exp3A_373 = math.exp %mul3A_372 : vector<16xf32>
      %add3A_374 = arith.addf %add3A_350, %exp3A_373 : vector<16xf32>
      %mul3A_375 = vector.broadcast %scan3A_235 : f32 to vector<16xf32>
      %mul3A_376 = arith.mulf %bitcast3A_370, %mul3A_375 : vector<16xf32>
      %exp3A_377 = math.exp %mul3A_376 : vector<16xf32>
      %add3A_378 = arith.addf %add3A_354, %exp3A_377 : vector<16xf32>
      scf.yield %add3A_374, %add3A_378 : vector<16xf32>, vector<16xf32>
    }
    %scan3A_241 = arith.constant 256 : i32
    %add3A_242 = arith.constant 6 : i32
    %add3A_243 = arith.addi %mul3A_2, %add3A_242 : i32
    %add3A_244 = arith.constant 1 : i32
    %add3A_245 = arith.addi %add3A_243, %add3A_244 : i32
    %dma_start3A_246 = arith.constant 0 : i32
    %dma_start3A_247 = tpu.memref_slice %arg2[%add3A_245, %dma_start3A_246] : memref<256x102400xi32, #tpu.memory_space<hbm>> -> memref<1x102400xi32, #tpu.memory_space<hbm>>
    %dma_start3A_248 = tpu.memref_squeeze %dma_start3A_247 : memref<1x102400xi32, #tpu.memory_space<hbm>> -> memref<102400xi32, #tpu.memory_space<hbm>>
    %dma_start3A_249 = arith.constant 0 : i32
    %dma_start3A_250 = tpu.memref_slice %arg2[%add3A_245, %dma_start3A_249] : memref<256x102400xi32, #tpu.memory_space<hbm>> -> memref<1x102400xi32, #tpu.memory_space<hbm>>
    %dma_start3A_251 = tpu.memref_squeeze %dma_start3A_250 : memref<1x102400xi32, #tpu.memory_space<hbm>> -> memref<102400xi32, #tpu.memory_space<hbm>>
    tpu.enqueue_dma source(%dma_start3A_251 : memref<102400xi32, #tpu.memory_space<hbm>>) target(%arg5 : memref<102400xi32, #tpu.memory_space<vmem>>) target_semaphore(%arg9 : memref<!tpu.dma_semaphore, #tpu.memory_space<semaphore_mem>>)
    %swap3A_252 = arith.constant 0 : index
    %swap3A_253 = tpu.vector_load %arg7[%swap3A_252] {strides = array<i32>} : memref<16xf32, #tpu.memory_space<vmem>>, vector<16xf32>,
    tpu.vector_store %arg7[%swap3A_252], %scan3A_240#0 {strides = array<i32>} : memref<16xf32, #tpu.memory_space<vmem>>, vector<16xf32>,
    %swap3A_254 = arith.constant 0 : index
    %swap3A_255 = tpu.vector_load %arg8[%swap3A_254] {strides = array<i32>} : memref<16xf32, #tpu.memory_space<vmem>>, vector<16xf32>,
    tpu.vector_store %arg8[%swap3A_254], %scan3A_240#1 {strides = array<i32>} : memref<16xf32, #tpu.memory_space<vmem>>, vector<16xf32>,
    %add3A_256 = arith.constant 6 : i32
    %add3A_257 = arith.addi %mul3A_2, %add3A_256 : i32
    %run_scoped3A_258 = arith.constant 0 : i32
    "tpu.region"() ({
      %run_scoped3A_289 = tpu.sem_alloc : memref<!tpu.dma_semaphore, #tpu.memory_space<semaphore_mem>>
      %dma_start3A_290 = arith.constant 0 : i32
      %dma_start3A_291 = tpu.memref_slice %arg4[%run_scoped3A_258, %add3A_257, %dma_start3A_290] : memref<2x256x16xf32, #tpu.memory_space<hbm>> -> memref<1x1x16xf32, #tpu.memory_space<hbm>>
      %dma_start3A_292 = tpu.memref_squeeze %dma_start3A_291 : memref<1x1x16xf32, #tpu.memory_space<hbm>> -> memref<16xf32, #tpu.memory_space<hbm>>
      %dma_start3A_293 = arith.constant 0 : i32
      %dma_start3A_294 = tpu.memref_slice %arg4[%run_scoped3A_258, %add3A_257, %dma_start3A_293] : memref<2x256x16xf32, #tpu.memory_space<hbm>> -> memref<1x1x16xf32, #tpu.memory_space<hbm>>
      %dma_start3A_295 = tpu.memref_squeeze %dma_start3A_294 : memref<1x1x16xf32, #tpu.memory_space<hbm>> -> memref<16xf32, #tpu.memory_space<hbm>>
      tpu.enqueue_dma source(%arg7 : memref<16xf32, #tpu.memory_space<vmem>>) target(%dma_start3A_295 : memref<16xf32, #tpu.memory_space<hbm>>) target_semaphore(%run_scoped3A_289 : memref<!tpu.dma_semaphore, #tpu.memory_space<semaphore_mem>>)
      %dma_wait3A_296 = arith.constant 0 : i32
      %dma_wait3A_297 = tpu.memref_slice %arg4[%run_scoped3A_258, %add3A_257, %dma_wait3A_296] : memref<2x256x16xf32, #tpu.memory_space<hbm>> -> memref<1x1x16xf32, #tpu.memory_space<hbm>>
      %dma_wait3A_298 = tpu.memref_squeeze %dma_wait3A_297 : memref<1x1x16xf32, #tpu.memory_space<hbm>> -> memref<16xf32, #tpu.memory_space<hbm>>
      %dma_wait3A_299 = arith.constant 0 : i32
      %dma_wait3A_300 = tpu.memref_slice %arg4[%run_scoped3A_258, %add3A_257, %dma_wait3A_299] : memref<2x256x16xf32, #tpu.memory_space<hbm>> -> memref<1x1x16xf32, #tpu.memory_space<hbm>>
      %dma_wait3A_301 = tpu.memref_squeeze %dma_wait3A_300 : memref<1x1x16xf32, #tpu.memory_space<hbm>> -> memref<16xf32, #tpu.memory_space<hbm>>
      tpu.wait_dma2 semaphore(%run_scoped3A_289 : memref<!tpu.dma_semaphore, #tpu.memory_space<semaphore_mem>>) src(%arg7 : memref<16xf32, #tpu.memory_space<vmem>>) dst(%dma_wait3A_301 : memref<16xf32, #tpu.memory_space<hbm>>)
      tpu.yield
    }) : () -> ()
    %add3A_259 = arith.constant 6 : i32
    %add3A_260 = arith.addi %mul3A_2, %add3A_259 : i32
    %run_scoped3A_261 = arith.constant 1 : i32
    "tpu.region"() ({
      %run_scoped3A_289 = tpu.sem_alloc : memref<!tpu.dma_semaphore, #tpu.memory_space<semaphore_mem>>
      %dma_start3A_290 = arith.constant 0 : i32
      %dma_start3A_291 = tpu.memref_slice %arg4[%run_scoped3A_261, %add3A_260, %dma_start3A_290] : memref<2x256x16xf32, #tpu.memory_space<hbm>> -> memref<1x1x16xf32, #tpu.memory_space<hbm>>
      %dma_start3A_292 = tpu.memref_squeeze %dma_start3A_291 : memref<1x1x16xf32, #tpu.memory_space<hbm>> -> memref<16xf32, #tpu.memory_space<hbm>>
      %dma_start3A_293 = arith.constant 0 : i32
      %dma_start3A_294 = tpu.memref_slice %arg4[%run_scoped3A_261, %add3A_260, %dma_start3A_293] : memref<2x256x16xf32, #tpu.memory_space<hbm>> -> memref<1x1x16xf32, #tpu.memory_space<hbm>>
      %dma_start3A_295 = tpu.memref_squeeze %dma_start3A_294 : memref<1x1x16xf32, #tpu.memory_space<hbm>> -> memref<16xf32, #tpu.memory_space<hbm>>
      tpu.enqueue_dma source(%arg8 : memref<16xf32, #tpu.memory_space<vmem>>) target(%dma_start3A_295 : memref<16xf32, #tpu.memory_space<hbm>>) target_semaphore(%run_scoped3A_289 : memref<!tpu.dma_semaphore, #tpu.memory_space<semaphore_mem>>)
      %dma_wait3A_296 = arith.constant 0 : i32
      %dma_wait3A_297 = tpu.memref_slice %arg4[%run_scoped3A_261, %add3A_260, %dma_wait3A_296] : memref<2x256x16xf32, #tpu.memory_space<hbm>> -> memref<1x1x16xf32, #tpu.memory_space<hbm>>
      %dma_wait3A_298 = tpu.memref_squeeze %dma_wait3A_297 : memref<1x1x16xf32, #tpu.memory_space<hbm>> -> memref<16xf32, #tpu.memory_space<hbm>>
      %dma_wait3A_299 = arith.constant 0 : i32
      %dma_wait3A_300 = tpu.memref_slice %arg4[%run_scoped3A_261, %add3A_260, %dma_wait3A_299] : memref<2x256x16xf32, #tpu.memory_space<hbm>> -> memref<1x1x16xf32, #tpu.memory_space<hbm>>
      %dma_wait3A_301 = tpu.memref_squeeze %dma_wait3A_300 : memref<1x1x16xf32, #tpu.memory_space<hbm>> -> memref<16xf32, #tpu.memory_space<hbm>>
      tpu.wait_dma2 semaphore(%run_scoped3A_289 : memref<!tpu.dma_semaphore, #tpu.memory_space<semaphore_mem>>) src(%arg8 : memref<16xf32, #tpu.memory_space<vmem>>) dst(%dma_wait3A_301 : memref<16xf32, #tpu.memory_space<hbm>>)
      tpu.yield
    }) : () -> ()
    %add3A_262 = arith.constant 7 : i32
    %add3A_263 = arith.addi %mul3A_2, %add3A_262 : i32
    "tpu.region"() ({
      %run_scoped3A_289 = tpu.sem_alloc : memref<!tpu.dma_semaphore, #tpu.memory_space<semaphore_mem>>
      %dma_start3A_290 = arith.constant 0 : i32
      %dma_start3A_291 = tpu.memref_slice %arg3[%add3A_263, %dma_start3A_290] : memref<256x4096xi32, #tpu.memory_space<hbm>> -> memref<1x4096xi32, #tpu.memory_space<hbm>>
      %dma_start3A_292 = tpu.memref_squeeze %dma_start3A_291 : memref<1x4096xi32, #tpu.memory_space<hbm>> -> memref<4096xi32, #tpu.memory_space<hbm>>
      %dma_start3A_293 = arith.constant 0 : i32
      %dma_start3A_294 = tpu.memref_slice %arg3[%add3A_263, %dma_start3A_293] : memref<256x4096xi32, #tpu.memory_space<hbm>> -> memref<1x4096xi32, #tpu.memory_space<hbm>>
      %dma_start3A_295 = tpu.memref_squeeze %dma_start3A_294 : memref<1x4096xi32, #tpu.memory_space<hbm>> -> memref<4096xi32, #tpu.memory_space<hbm>>
      tpu.enqueue_dma source(%dma_start3A_295 : memref<4096xi32, #tpu.memory_space<hbm>>) target(%arg6 : memref<4096xi32, #tpu.memory_space<vmem>>) target_semaphore(%run_scoped3A_289 : memref<!tpu.dma_semaphore, #tpu.memory_space<semaphore_mem>>)
      %dma_wait3A_296 = arith.constant 0 : i32
      %dma_wait3A_297 = tpu.memref_slice %arg3[%add3A_263, %dma_wait3A_296] : memref<256x4096xi32, #tpu.memory_space<hbm>> -> memref<1x4096xi32, #tpu.memory_space<hbm>>
      %dma_wait3A_298 = tpu.memref_squeeze %dma_wait3A_297 : memref<1x4096xi32, #tpu.memory_space<hbm>> -> memref<4096xi32, #tpu.memory_space<hbm>>
      %dma_wait3A_299 = arith.constant 0 : i32
      %dma_wait3A_300 = tpu.memref_slice %arg3[%add3A_263, %dma_wait3A_299] : memref<256x4096xi32, #tpu.memory_space<hbm>> -> memref<1x4096xi32, #tpu.memory_space<hbm>>
      %dma_wait3A_301 = tpu.memref_squeeze %dma_wait3A_300 : memref<1x4096xi32, #tpu.memory_space<hbm>> -> memref<4096xi32, #tpu.memory_space<hbm>>
      tpu.wait_dma2 semaphore(%run_scoped3A_289 : memref<!tpu.dma_semaphore, #tpu.memory_space<semaphore_mem>>) src(%dma_wait3A_301 : memref<4096xi32, #tpu.memory_space<hbm>>) dst(%arg6 : memref<4096xi32, #tpu.memory_space<vmem>>)
      tpu.yield
    }) : () -> ()
    %dma_wait3A_264 = arith.constant 0 : i32
    %dma_wait3A_265 = tpu.memref_slice %arg2[%add3A_245, %dma_wait3A_264] : memref<256x102400xi32, #tpu.memory_space<hbm>> -> memref<1x102400xi32, #tpu.memory_space<hbm>>
    %dma_wait3A_266 = tpu.memref_squeeze %dma_wait3A_265 : memref<1x102400xi32, #tpu.memory_space<hbm>> -> memref<102400xi32, #tpu.memory_space<hbm>>
    %dma_wait3A_267 = arith.constant 0 : i32
    %dma_wait3A_268 = tpu.memref_slice %arg2[%add3A_245, %dma_wait3A_267] : memref<256x102400xi32, #tpu.memory_space<hbm>> -> memref<1x102400xi32, #tpu.memory_space<hbm>>
    %dma_wait3A_269 = tpu.memref_squeeze %dma_wait3A_268 : memref<1x102400xi32, #tpu.memory_space<hbm>> -> memref<102400xi32, #tpu.memory_space<hbm>>
    tpu.wait_dma2 semaphore(%arg9 : memref<!tpu.dma_semaphore, #tpu.memory_space<semaphore_mem>>) src(%dma_wait3A_269 : memref<102400xi32, #tpu.memory_space<hbm>>) dst(%arg5 : memref<102400xi32, #tpu.memory_space<vmem>>)
    %broadcast_in_dim3A_270 = arith.constant 0.000000e+00 : f32
    %broadcast_in_dim3A_271 = vector.broadcast %broadcast_in_dim3A_270 : f32 to vector<16xf32>
    %scan3A_272 = arith.constant 14.2857141 : f32
    %scan3A_273 = arith.constant 0 : i32
    %scan3A_274 = arith.constant 256 : i32
    %scan3A_275 = arith.addi %scan3A_273, %scan3A_274 : i32
    %scan3A_276 = arith.constant 4 : i32
    %scan3A_277:2 = scf.for %scan3A_289 = %scan3A_273 to %scan3A_275 step %scan3A_276 iter_args(%scan3A_290 = %broadcast_in_dim3A_271, %scan3A_291 = %broadcast_in_dim3A_271) -> (vector<16xf32>, vector<16xf32>)  : i32 {
      %mul3A_292 = arith.constant 16 : i32
      %mul3A_293 = arith.muli %scan3A_289, %mul3A_292 : i32
      %multiple_of3A = tpu.assume_multiple %mul3A_293, 16 : i32
      %get3A = arith.index_cast %multiple_of3A : i32 to index
      %get3A_294 = tpu.vector_load %arg6[%get3A] {strides = array<i32>} : memref<4096xi32, #tpu.memory_space<vmem>>, vector<16xi32>,
      %gather3A = tpu.vector_load_idx %arg5[%get3A_294] : memref<102400xi32, #tpu.memory_space<vmem>>[vector<16xi32>], vector<16xi32>,
      %shift_left3A = arith.constant 16 : i32
      %shift_left3A_295 = vector.broadcast %shift_left3A : i32 to vector<16xi32>
      %shift_left3A_296 = arith.shli %gather3A, %shift_left3A_295 : vector<16xi32>
      %bitcast3A = vector.bitcast %shift_left3A_296 : vector<16xi32> to vector<16xf32>
      %and3A = arith.constant -65536 : i32
      %and3A_297 = vector.broadcast %and3A : i32 to vector<16xi32>
      %and3A_298 = arith.andi %gather3A, %and3A_297 : vector<16xi32>
      %bitcast3A_299 = vector.bitcast %and3A_298 : vector<16xi32> to vector<16xf32>
      %mul3A_300 = vector.broadcast %scan3A_272 : f32 to vector<16xf32>
      %mul3A_301 = arith.mulf %bitcast3A, %mul3A_300 : vector<16xf32>
      %exp3A = math.exp %mul3A_301 : vector<16xf32>
      %add3A_302 = arith.addf %scan3A_290, %exp3A : vector<16xf32>
      %mul3A_303 = vector.broadcast %scan3A_272 : f32 to vector<16xf32>
      %mul3A_304 = arith.mulf %bitcast3A_299, %mul3A_303 : vector<16xf32>
      %exp3A_305 = math.exp %mul3A_304 : vector<16xf32>
      %add3A_306 = arith.addf %scan3A_291, %exp3A_305 : vector<16xf32>
      %scan3A_307 = arith.constant 1 : i32
      %scan3A_308 = arith.addi %scan3A_289, %scan3A_307 : i32
      %mul3A_309 = arith.constant 16 : i32
      %mul3A_310 = arith.muli %scan3A_308, %mul3A_309 : i32
      %multiple_of3A_311 = tpu.assume_multiple %mul3A_310, 16 : i32
      %get3A_312 = arith.index_cast %multiple_of3A_311 : i32 to index
      %get3A_313 = tpu.vector_load %arg6[%get3A_312] {strides = array<i32>} : memref<4096xi32, #tpu.memory_space<vmem>>, vector<16xi32>,
      %gather3A_314 = tpu.vector_load_idx %arg5[%get3A_313] : memref<102400xi32, #tpu.memory_space<vmem>>[vector<16xi32>], vector<16xi32>,
      %shift_left3A_315 = arith.constant 16 : i32
      %shift_left3A_316 = vector.broadcast %shift_left3A_315 : i32 to vector<16xi32>
      %shift_left3A_317 = arith.shli %gather3A_314, %shift_left3A_316 : vector<16xi32>
      %bitcast3A_318 = vector.bitcast %shift_left3A_317 : vector<16xi32> to vector<16xf32>
      %and3A_319 = arith.constant -65536 : i32
      %and3A_320 = vector.broadcast %and3A_319 : i32 to vector<16xi32>
      %and3A_321 = arith.andi %gather3A_314, %and3A_320 : vector<16xi32>
      %bitcast3A_322 = vector.bitcast %and3A_321 : vector<16xi32> to vector<16xf32>
      %mul3A_323 = vector.broadcast %scan3A_272 : f32 to vector<16xf32>
      %mul3A_324 = arith.mulf %bitcast3A_318, %mul3A_323 : vector<16xf32>
      %exp3A_325 = math.exp %mul3A_324 : vector<16xf32>
      %add3A_326 = arith.addf %add3A_302, %exp3A_325 : vector<16xf32>
      %mul3A_327 = vector.broadcast %scan3A_272 : f32 to vector<16xf32>
      %mul3A_328 = arith.mulf %bitcast3A_322, %mul3A_327 : vector<16xf32>
      %exp3A_329 = math.exp %mul3A_328 : vector<16xf32>
      %add3A_330 = arith.addf %add3A_306, %exp3A_329 : vector<16xf32>
      %scan3A_331 = arith.constant 2 : i32
      %scan3A_332 = arith.addi %scan3A_289, %scan3A_331 : i32
      %mul3A_333 = arith.constant 16 : i32
      %mul3A_334 = arith.muli %scan3A_332, %mul3A_333 : i32
      %multiple_of3A_335 = tpu.assume_multiple %mul3A_334, 16 : i32
      %get3A_336 = arith.index_cast %multiple_of3A_335 : i32 to index
      %get3A_337 = tpu.vector_load %arg6[%get3A_336] {strides = array<i32>} : memref<4096xi32, #tpu.memory_space<vmem>>, vector<16xi32>,
      %gather3A_338 = tpu.vector_load_idx %arg5[%get3A_337] : memref<102400xi32, #tpu.memory_space<vmem>>[vector<16xi32>], vector<16xi32>,
      %shift_left3A_339 = arith.constant 16 : i32
      %shift_left3A_340 = vector.broadcast %shift_left3A_339 : i32 to vector<16xi32>
      %shift_left3A_341 = arith.shli %gather3A_338, %shift_left3A_340 : vector<16xi32>
      %bitcast3A_342 = vector.bitcast %shift_left3A_341 : vector<16xi32> to vector<16xf32>
      %and3A_343 = arith.constant -65536 : i32
      %and3A_344 = vector.broadcast %and3A_343 : i32 to vector<16xi32>
      %and3A_345 = arith.andi %gather3A_338, %and3A_344 : vector<16xi32>
      %bitcast3A_346 = vector.bitcast %and3A_345 : vector<16xi32> to vector<16xf32>
      %mul3A_347 = vector.broadcast %scan3A_272 : f32 to vector<16xf32>
      %mul3A_348 = arith.mulf %bitcast3A_342, %mul3A_347 : vector<16xf32>
      %exp3A_349 = math.exp %mul3A_348 : vector<16xf32>
      %add3A_350 = arith.addf %add3A_326, %exp3A_349 : vector<16xf32>
      %mul3A_351 = vector.broadcast %scan3A_272 : f32 to vector<16xf32>
      %mul3A_352 = arith.mulf %bitcast3A_346, %mul3A_351 : vector<16xf32>
      %exp3A_353 = math.exp %mul3A_352 : vector<16xf32>
      %add3A_354 = arith.addf %add3A_330, %exp3A_353 : vector<16xf32>
      %scan3A_355 = arith.constant 3 : i32
      %scan3A_356 = arith.addi %scan3A_289, %scan3A_355 : i32
      %mul3A_357 = arith.constant 16 : i32
      %mul3A_358 = arith.muli %scan3A_356, %mul3A_357 : i32
      %multiple_of3A_359 = tpu.assume_multiple %mul3A_358, 16 : i32
      %get3A_360 = arith.index_cast %multiple_of3A_359 : i32 to index
      %get3A_361 = tpu.vector_load %arg6[%get3A_360] {strides = array<i32>} : memref<4096xi32, #tpu.memory_space<vmem>>, vector<16xi32>,
      %gather3A_362 = tpu.vector_load_idx %arg5[%get3A_361] : memref<102400xi32, #tpu.memory_space<vmem>>[vector<16xi32>], vector<16xi32>,
      %shift_left3A_363 = arith.constant 16 : i32
      %shift_left3A_364 = vector.broadcast %shift_left3A_363 : i32 to vector<16xi32>
      %shift_left3A_365 = arith.shli %gather3A_362, %shift_left3A_364 : vector<16xi32>
      %bitcast3A_366 = vector.bitcast %shift_left3A_365 : vector<16xi32> to vector<16xf32>
      %and3A_367 = arith.constant -65536 : i32
      %and3A_368 = vector.broadcast %and3A_367 : i32 to vector<16xi32>
      %and3A_369 = arith.andi %gather3A_362, %and3A_368 : vector<16xi32>
      %bitcast3A_370 = vector.bitcast %and3A_369 : vector<16xi32> to vector<16xf32>
      %mul3A_371 = vector.broadcast %scan3A_272 : f32 to vector<16xf32>
      %mul3A_372 = arith.mulf %bitcast3A_366, %mul3A_371 : vector<16xf32>
      %exp3A_373 = math.exp %mul3A_372 : vector<16xf32>
      %add3A_374 = arith.addf %add3A_350, %exp3A_373 : vector<16xf32>
      %mul3A_375 = vector.broadcast %scan3A_272 : f32 to vector<16xf32>
      %mul3A_376 = arith.mulf %bitcast3A_370, %mul3A_375 : vector<16xf32>
      %exp3A_377 = math.exp %mul3A_376 : vector<16xf32>
      %add3A_378 = arith.addf %add3A_354, %exp3A_377 : vector<16xf32>
      scf.yield %add3A_374, %add3A_378 : vector<16xf32>, vector<16xf32>
    }
    %scan3A_278 = arith.constant 256 : i32
    %swap3A_279 = arith.constant 0 : index
    %swap3A_280 = tpu.vector_load %arg7[%swap3A_279] {strides = array<i32>} : memref<16xf32, #tpu.memory_space<vmem>>, vector<16xf32>,
    tpu.vector_store %arg7[%swap3A_279], %scan3A_277#0 {strides = array<i32>} : memref<16xf32, #tpu.memory_space<vmem>>, vector<16xf32>,
    %swap3A_281 = arith.constant 0 : index
    %swap3A_282 = tpu.vector_load %arg8[%swap3A_281] {strides = array<i32>} : memref<16xf32, #tpu.memory_space<vmem>>, vector<16xf32>,
    tpu.vector_store %arg8[%swap3A_281], %scan3A_277#1 {strides = array<i32>} : memref<16xf32, #tpu.memory_space<vmem>>, vector<16xf32>,
    %add3A_283 = arith.constant 7 : i32
    %add3A_284 = arith.addi %mul3A_2, %add3A_283 : i32
    %run_scoped3A_285 = arith.constant 0 : i32
    "tpu.region"() ({
      %run_scoped3A_289 = tpu.sem_alloc : memref<!tpu.dma_semaphore, #tpu.memory_space<semaphore_mem>>
      %dma_start3A_290 = arith.constant 0 : i32
      %dma_start3A_291 = tpu.memref_slice %arg4[%run_scoped3A_285, %add3A_284, %dma_start3A_290] : memref<2x256x16xf32, #tpu.memory_space<hbm>> -> memref<1x1x16xf32, #tpu.memory_space<hbm>>
      %dma_start3A_292 = tpu.memref_squeeze %dma_start3A_291 : memref<1x1x16xf32, #tpu.memory_space<hbm>> -> memref<16xf32, #tpu.memory_space<hbm>>
      %dma_start3A_293 = arith.constant 0 : i32
      %dma_start3A_294 = tpu.memref_slice %arg4[%run_scoped3A_285, %add3A_284, %dma_start3A_293] : memref<2x256x16xf32, #tpu.memory_space<hbm>> -> memref<1x1x16xf32, #tpu.memory_space<hbm>>
      %dma_start3A_295 = tpu.memref_squeeze %dma_start3A_294 : memref<1x1x16xf32, #tpu.memory_space<hbm>> -> memref<16xf32, #tpu.memory_space<hbm>>
      tpu.enqueue_dma source(%arg7 : memref<16xf32, #tpu.memory_space<vmem>>) target(%dma_start3A_295 : memref<16xf32, #tpu.memory_space<hbm>>) target_semaphore(%run_scoped3A_289 : memref<!tpu.dma_semaphore, #tpu.memory_space<semaphore_mem>>)
      %dma_wait3A_296 = arith.constant 0 : i32
      %dma_wait3A_297 = tpu.memref_slice %arg4[%run_scoped3A_285, %add3A_284, %dma_wait3A_296] : memref<2x256x16xf32, #tpu.memory_space<hbm>> -> memref<1x1x16xf32, #tpu.memory_space<hbm>>
      %dma_wait3A_298 = tpu.memref_squeeze %dma_wait3A_297 : memref<1x1x16xf32, #tpu.memory_space<hbm>> -> memref<16xf32, #tpu.memory_space<hbm>>
      %dma_wait3A_299 = arith.constant 0 : i32
      %dma_wait3A_300 = tpu.memref_slice %arg4[%run_scoped3A_285, %add3A_284, %dma_wait3A_299] : memref<2x256x16xf32, #tpu.memory_space<hbm>> -> memref<1x1x16xf32, #tpu.memory_space<hbm>>
      %dma_wait3A_301 = tpu.memref_squeeze %dma_wait3A_300 : memref<1x1x16xf32, #tpu.memory_space<hbm>> -> memref<16xf32, #tpu.memory_space<hbm>>
      tpu.wait_dma2 semaphore(%run_scoped3A_289 : memref<!tpu.dma_semaphore, #tpu.memory_space<semaphore_mem>>) src(%arg7 : memref<16xf32, #tpu.memory_space<vmem>>) dst(%dma_wait3A_301 : memref<16xf32, #tpu.memory_space<hbm>>)
      tpu.yield
    }) : () -> ()
    %add3A_286 = arith.constant 7 : i32
    %add3A_287 = arith.addi %mul3A_2, %add3A_286 : i32
    %run_scoped3A_288 = arith.constant 1 : i32
    "tpu.region"() ({
      %run_scoped3A_289 = tpu.sem_alloc : memref<!tpu.dma_semaphore, #tpu.memory_space<semaphore_mem>>
      %dma_start3A_290 = arith.constant 0 : i32
      %dma_start3A_291 = tpu.memref_slice %arg4[%run_scoped3A_288, %add3A_287, %dma_start3A_290] : memref<2x256x16xf32, #tpu.memory_space<hbm>> -> memref<1x1x16xf32, #tpu.memory_space<hbm>>
      %dma_start3A_292 = tpu.memref_squeeze %dma_start3A_291 : memref<1x1x16xf32, #tpu.memory_space<hbm>> -> memref<16xf32, #tpu.memory_space<hbm>>
      %dma_start3A_293 = arith.constant 0 : i32
      %dma_start3A_294 = tpu.memref_slice %arg4[%run_scoped3A_288, %add3A_287, %dma_start3A_293] : memref<2x256x16xf32, #tpu.memory_space<hbm>> -> memref<1x1x16xf32, #tpu.memory_space<hbm>>
      %dma_start3A_295 = tpu.memref_squeeze %dma_start3A_294 : memref<1x1x16xf32, #tpu.memory_space<hbm>> -> memref<16xf32, #tpu.memory_space<hbm>>
      tpu.enqueue_dma source(%arg8 : memref<16xf32, #tpu.memory_space<vmem>>) target(%dma_start3A_295 : memref<16xf32, #tpu.memory_space<hbm>>) target_semaphore(%run_scoped3A_289 : memref<!tpu.dma_semaphore, #tpu.memory_space<semaphore_mem>>)
      %dma_wait3A_296 = arith.constant 0 : i32
      %dma_wait3A_297 = tpu.memref_slice %arg4[%run_scoped3A_288, %add3A_287, %dma_wait3A_296] : memref<2x256x16xf32, #tpu.memory_space<hbm>> -> memref<1x1x16xf32, #tpu.memory_space<hbm>>
      %dma_wait3A_298 = tpu.memref_squeeze %dma_wait3A_297 : memref<1x1x16xf32, #tpu.memory_space<hbm>> -> memref<16xf32, #tpu.memory_space<hbm>>
      %dma_wait3A_299 = arith.constant 0 : i32
      %dma_wait3A_300 = tpu.memref_slice %arg4[%run_scoped3A_288, %add3A_287, %dma_wait3A_299] : memref<2x256x16xf32, #tpu.memory_space<hbm>> -> memref<1x1x16xf32, #tpu.memory_space<hbm>>
      %dma_wait3A_301 = tpu.memref_squeeze %dma_wait3A_300 : memref<1x1x16xf32, #tpu.memory_space<hbm>> -> memref<16xf32, #tpu.memory_space<hbm>>
      tpu.wait_dma2 semaphore(%run_scoped3A_289 : memref<!tpu.dma_semaphore, #tpu.memory_space<semaphore_mem>>) src(%arg8 : memref<16xf32, #tpu.memory_space<vmem>>) dst(%dma_wait3A_301 : memref<16xf32, #tpu.memory_space<hbm>>)
      tpu.yield
    }) : () -> ()
    return
  }
}

module attributes {stable_mosaic.version = 14 : i64} {
  func.func @_k1_body(%arg0: i32, %arg1: memref<256x128xf32, #tpu.memory_space<vmem>>, %arg2: memref<256x128xf32, #tpu.memory_space<vmem>>, %arg3: memref<4096x128xf32, #tpu.memory_space<vmem>>, %arg4: memref<256x4096xi32, #tpu.memory_space<vmem>>, %arg5: memref<512x128xf32, #tpu.memory_space<vmem>>, %arg6: memref<512x128xf32, #tpu.memory_space<vmem>>) attributes {dimension_semantics = [#tpu.dimension_semantics<arbitrary>], iteration_bounds = array<i64: 25>, scalar_prefetch = 0 : i64, scratch_operands = 1 : i64, tpu.core_type = #tpu.core_type<tc>, window_params = [{pipeline_mode = #tpu.pipeline_mode<synchronous>, transform_indices = @transform_0, window_bounds = array<i64: 256, 128>}, {pipeline_mode = #tpu.pipeline_mode<synchronous>, transform_indices = @transform_1, window_bounds = array<i64: 256, 128>}, {transform_indices = @transform_2, window_bounds = array<i64: 4096, 128>}, {transform_indices = @transform_3, window_bounds = array<i64: 256, 4096>}, {pipeline_mode = #tpu.pipeline_mode<synchronous>, transform_indices = @transform_4, window_bounds = array<i64: 512, 128>}]} {
    %eq3A = arith.constant 0 : i32
    %eq3A_0 = arith.cmpi eq, %arg0, %eq3A : i32
    %convert_element_type3A = arith.extui %eq3A_0 : i1 to i32
    %cond3A = arith.constant 0 : i32
    %cond3A_1 = arith.cmpi ne, %convert_element_type3A, %cond3A : i32
    scf.if %cond3A_1 {
      %get3A_13 = arith.constant 0 : index
      %get3A_14 = arith.constant 0 : index
      %get3A_15 = vector.load %arg1[%get3A_13, %get3A_14] : memref<256x128xf32, #tpu.memory_space<vmem>>, vector<256x128xf32>
      %mul3A = arith.mulf %get3A_15, %get3A_15 : vector<256x128xf32>
      %reduce_sum3A = arith.constant dense<0.000000e+00> : vector<256xf32>
      %reduce_sum3A_16 = vector.multi_reduction <add>, %mul3A, %reduce_sum3A [1] : vector<256x128xf32> to vector<256xf32>
      %broadcast_in_dim3A = vector.shape_cast %reduce_sum3A_16 : vector<256xf32> to vector<256x1xf32>
      %sqrt3A = math.sqrt %broadcast_in_dim3A : vector<256x1xf32>
      %max3A = arith.constant 9.99999996E-13 : f32
      %max3A_17 = vector.broadcast %max3A : f32 to vector<256x1xf32>
      %max3A_18 = arith.maximumf %sqrt3A, %max3A_17 : vector<256x1xf32>
      %div3A = vector.broadcast %max3A_18 : vector<256x1xf32> to vector<256x128xf32>
      %div3A_19 = arith.divf %get3A_15, %div3A : vector<256x128xf32>
      %get3A_20 = arith.constant 0 : index
      %get3A_21 = arith.constant 0 : index
      %get3A_22 = vector.load %arg2[%get3A_20, %get3A_21] : memref<256x128xf32, #tpu.memory_space<vmem>>, vector<256x128xf32>
      %mul3A_23 = arith.mulf %get3A_22, %get3A_22 : vector<256x128xf32>
      %reduce_sum3A_24 = arith.constant dense<0.000000e+00> : vector<256xf32>
      %reduce_sum3A_25 = vector.multi_reduction <add>, %mul3A_23, %reduce_sum3A_24 [1] : vector<256x128xf32> to vector<256xf32>
      %broadcast_in_dim3A_26 = vector.shape_cast %reduce_sum3A_25 : vector<256xf32> to vector<256x1xf32>
      %sqrt3A_27 = math.sqrt %broadcast_in_dim3A_26 : vector<256x1xf32>
      %max3A_28 = arith.constant 9.99999996E-13 : f32
      %max3A_29 = vector.broadcast %max3A_28 : f32 to vector<256x1xf32>
      %max3A_30 = arith.maximumf %sqrt3A_27, %max3A_29 : vector<256x1xf32>
      %div3A_31 = vector.broadcast %max3A_30 : vector<256x1xf32> to vector<256x128xf32>
      %div3A_32 = arith.divf %get3A_22, %div3A_31 : vector<256x128xf32>
      %swap3A_33 = arith.constant 0 : index
      %swap3A_34 = arith.constant 0 : index
      %swap3A_35 = vector.load %arg5[%swap3A_33, %swap3A_34] : memref<512x128xf32, #tpu.memory_space<vmem>>, vector<256x128xf32>
      tpu.vector_store %arg5[%swap3A_33, %swap3A_34], %div3A_19 {strides = array<i32>} : memref<512x128xf32, #tpu.memory_space<vmem>>, vector<256x128xf32>,
      %swap3A_36 = arith.constant 256 : index
      %swap3A_37 = arith.constant 0 : index
      %swap3A_38 = vector.load %arg5[%swap3A_36, %swap3A_37] : memref<512x128xf32, #tpu.memory_space<vmem>>, vector<256x128xf32>
      tpu.vector_store %arg5[%swap3A_36, %swap3A_37], %div3A_32 {strides = array<i32>} : memref<512x128xf32, #tpu.memory_space<vmem>>, vector<256x128xf32>,
      %concatenate3A = tpu.concatenate %div3A_19, %div3A_32 in 0 : vector<256x128xf32>, vector<256x128xf32> -> vector<512x128xf32>
      %iota3A = tpu.iota {dimensions = array<i32: 0>} : vector<512x512xi32>
      %iota3A_39 = tpu.iota {dimensions = array<i32: 1>} : vector<512x512xi32>
      %shift_right_arithmetic3A = arith.constant 1 : i32
      %shift_right_arithmetic3A_40 = vector.broadcast %shift_right_arithmetic3A : i32 to vector<512x512xi32>
      %shift_right_arithmetic3A_41 = arith.shrsi %iota3A, %shift_right_arithmetic3A_40 : vector<512x512xi32>
      %and3A = arith.constant 1 : i32
      %and3A_42 = vector.broadcast %and3A : i32 to vector<512x512xi32>
      %and3A_43 = arith.andi %iota3A, %and3A_42 : vector<512x512xi32>
      %mul3A_44 = arith.constant 256 : i32
      %mul3A_45 = vector.broadcast %mul3A_44 : i32 to vector<512x512xi32>
      %mul3A_46 = arith.muli %and3A_43, %mul3A_45 : vector<512x512xi32>
      %add3A = arith.addi %shift_right_arithmetic3A_41, %mul3A_46 : vector<512x512xi32>
      %eq3A_47 = arith.cmpi eq, %iota3A_39, %add3A : vector<512x512xi32>
      %convert_element_type3A_48 = arith.extui %eq3A_47 : vector<512x512xi1> to vector<512x512xi32>
      %convert_element_type3A_49 = arith.sitofp %convert_element_type3A_48 : vector<512x512xi32> to vector<512x512xf32>
      %dot_general3A_50 = arith.constant dense<0.000000e+00> : vector<512x128xf32>
      %dot_general3A_51 = tpu.matmul %convert_element_type3A_49, %concatenate3A, %dot_general3A_50 {dimension_numbers = #tpu.dot_dimension_numbers<[1], [0], [0], [1], [0, 0, 1, 1], [], []>, transpose_lhs_hint = false} : vector<512x512xf32>, vector<512x128xf32>, vector<512x128xf32> -> vector<512x128xf32>
      %swap3A_52 = arith.constant 0 : index
      %swap3A_53 = arith.constant 0 : index
      %swap3A_54 = vector.load %arg6[%swap3A_52, %swap3A_53] : memref<512x128xf32, #tpu.memory_space<vmem>>, vector<512x128xf32>
      tpu.vector_store %arg6[%swap3A_52, %swap3A_53], %dot_general3A_51 {strides = array<i32>} : memref<512x128xf32, #tpu.memory_space<vmem>>, vector<512x128xf32>,
    } else {
    }
    %get3A = arith.constant 0 : index
    %get3A_2 = arith.constant 0 : index
    %get3A_3 = vector.load %arg3[%get3A, %get3A_2] : memref<4096x128xf32, #tpu.memory_space<vmem>>, vector<4096x128xf32>
    %convert_element_type3A_4 = arith.truncf %get3A_3 : vector<4096x128xf32> to vector<4096x128xbf16>
    %get3A_5 = arith.constant 0 : index
    %get3A_6 = arith.constant 0 : index
    %get3A_7 = vector.load %arg6[%get3A_5, %get3A_6] : memref<512x128xf32, #tpu.memory_space<vmem>>, vector<512x128xf32>
    %convert_element_type3A_8 = arith.truncf %get3A_7 : vector<512x128xf32> to vector<512x128xbf16>
    %dot_general3A = arith.constant dense<0.000000e+00> : vector<512x4096xf32>
    %dot_general3A_9 = tpu.matmul %convert_element_type3A_8, %convert_element_type3A_4, %dot_general3A {dimension_numbers = #tpu.dot_dimension_numbers<[1], [1], [0], [0], [0, 0, 1, 0], [], []>, transpose_lhs_hint = false} : vector<512x128xbf16>, vector<4096x128xbf16>, vector<512x4096xf32> -> vector<512x4096xf32>
    %convert_element_type3A_10 = arith.truncf %dot_general3A_9 : vector<512x4096xf32> to vector<512x4096xbf16>
    %bitcast3A = tpu.bitcast %convert_element_type3A_10 : vector<512x4096xbf16> -> vector<256x4096xi32>
    %swap3A = arith.constant 0 : index
    %swap3A_11 = arith.constant 0 : index
    %swap3A_12 = vector.load %arg4[%swap3A, %swap3A_11] : memref<256x4096xi32, #tpu.memory_space<vmem>>, vector<256x4096xi32>
    tpu.vector_store %arg4[%swap3A, %swap3A_11], %bitcast3A {strides = array<i32>} : memref<256x4096xi32, #tpu.memory_space<vmem>>, vector<256x4096xi32>,
    return
  }
  func.func @transform_0(%arg0: i32) -> (i32, i32) {
    %c0_i32 = arith.constant 0 : i32
    %c0_i32_0 = arith.constant 0 : i32
    %c0_i32_1 = arith.constant 0 : i32
    return %c0_i32, %c0_i32_0 : i32, i32
  }
  func.func @transform_1(%arg0: i32) -> (i32, i32) {
    %c0_i32 = arith.constant 0 : i32
    %c0_i32_0 = arith.constant 0 : i32
    %c0_i32_1 = arith.constant 0 : i32
    return %c0_i32, %c0_i32_0 : i32, i32
  }
  func.func @transform_2(%arg0: i32) -> (i32, i32) {
    %c0_i32 = arith.constant 0 : i32
    %c0_i32_0 = arith.constant 0 : i32
    return %arg0, %c0_i32 : i32, i32
  }
  func.func @transform_3(%arg0: i32) -> (i32, i32) {
    %c0_i32 = arith.constant 0 : i32
    %c0_i32_0 = arith.constant 0 : i32
    return %c0_i32, %arg0 : i32, i32
  }
  func.func @transform_4(%arg0: i32) -> (i32, i32) {
    %c0_i32 = arith.constant 0 : i32
    %c0_i32_0 = arith.constant 0 : i32
    %c0_i32_1 = arith.constant 0 : i32
    return %c0_i32, %c0_i32_0 : i32, i32
  }
}

module attributes {stable_mosaic.version = 14 : i64} {
  func.func @_k3_body(%arg0: memref<512x128xf32, #tpu.memory_space<vmem>>, %arg1: memref<256x128xf32, #tpu.memory_space<vmem>>, %arg2: memref<1x256xi32, #tpu.memory_space<vmem>>, %arg3: memref<256x128xf32, #tpu.memory_space<vmem>>) attributes {dimension_semantics = [], scalar_prefetch = 0 : i64, scratch_operands = 0 : i64, tpu.core_type = #tpu.core_type<tc>} {
    %get3A = arith.constant 0 : index
    %get3A_0 = arith.constant 0 : index
    %get3A_1 = vector.load %arg0[%get3A, %get3A_0] : memref<512x128xf32, #tpu.memory_space<vmem>>, vector<512x128xf32>
    %get3A_2 = arith.constant 0 : index
    %get3A_3 = arith.constant 0 : index
    %get3A_4 = vector.load %arg1[%get3A_2, %get3A_3] : memref<256x128xf32, #tpu.memory_space<vmem>>, vector<256x128xf32>
    %mul3A = arith.constant 5.000000e-01 : f32
    %mul3A_5 = vector.broadcast %mul3A : f32 to vector<256x128xf32>
    %mul3A_6 = arith.mulf %mul3A_5, %get3A_4 : vector<256x128xf32>
    %slice3A = vector.extract_strided_slice %get3A_1 {offsets = [0, 0], sizes = [256, 128], strides = [1, 1]} : vector<512x128xf32> to vector<256x128xf32>
    %mul3A_7 = arith.constant 5.000000e-01 : f32
    %mul3A_8 = vector.broadcast %mul3A_7 : f32 to vector<256x128xf32>
    %mul3A_9 = arith.mulf %mul3A_8, %slice3A : vector<256x128xf32>
    %add3A = arith.addf %mul3A_6, %mul3A_9 : vector<256x128xf32>
    %mul3A_10 = arith.mulf %add3A, %add3A : vector<256x128xf32>
    %reduce_sum3A = arith.constant dense<0.000000e+00> : vector<256xf32>
    %reduce_sum3A_11 = vector.multi_reduction <add>, %mul3A_10, %reduce_sum3A [1] : vector<256x128xf32> to vector<256xf32>
    %broadcast_in_dim3A = vector.shape_cast %reduce_sum3A_11 : vector<256xf32> to vector<256x1xf32>
    %sqrt3A = math.sqrt %broadcast_in_dim3A : vector<256x1xf32>
    %max3A = arith.constant 9.99999996E-13 : f32
    %max3A_12 = vector.broadcast %max3A : f32 to vector<256x1xf32>
    %max3A_13 = arith.maximumf %sqrt3A, %max3A_12 : vector<256x1xf32>
    %div3A = vector.broadcast %max3A_13 : vector<256x1xf32> to vector<256x128xf32>
    %div3A_14 = arith.divf %add3A, %div3A : vector<256x128xf32>
    %get3A_15 = arith.constant 0 : index
    %get3A_16 = arith.constant 0 : index
    %get3A_17 = vector.load %arg2[%get3A_15, %get3A_16] : memref<1x256xi32, #tpu.memory_space<vmem>>, vector<1x256xi32>
    %convert_element_type3A = arith.sitofp %get3A_17 : vector<1x256xi32> to vector<1x256xf32>
    %iota3A = tpu.iota {dimensions = array<i32: 0>} : vector<256x256xi32>
    %iota3A_18 = tpu.iota {dimensions = array<i32: 1>} : vector<256x256xi32>
    %eq3A = arith.cmpi eq, %iota3A, %iota3A_18 : vector<256x256xi32>
    %convert_element_type3A_19 = arith.extui %eq3A : vector<256x256xi1> to vector<256x256xi32>
    %convert_element_type3A_20 = arith.sitofp %convert_element_type3A_19 : vector<256x256xi32> to vector<256x256xf32>
    %dot_general3A = arith.constant dense<0.000000e+00> : vector<256x1xf32>
    %dot_general3A_21 = tpu.matmul %convert_element_type3A_20, %convert_element_type3A, %dot_general3A {dimension_numbers = #tpu.dot_dimension_numbers<[1], [1], [0], [0], [0, 0, 1, 0], [], []>, transpose_lhs_hint = false} : vector<256x256xf32>, vector<1x256xf32>, vector<256x1xf32> -> vector<256x1xf32>
    %broadcast_in_dim3A_22 = vector.shape_cast %dot_general3A_21 : vector<256x1xf32> to vector<256x1xf32>
    %broadcast_in_dim3A_23 = vector.broadcast %broadcast_in_dim3A_22 : vector<256x1xf32> to vector<256x256xf32>
    %broadcast_in_dim3A_24 = vector.shape_cast %convert_element_type3A : vector<1x256xf32> to vector<1x256xf32>
    %broadcast_in_dim3A_25 = vector.broadcast %broadcast_in_dim3A_24 : vector<1x256xf32> to vector<256x256xf32>
    %eq3A_26 = arith.cmpf oeq, %broadcast_in_dim3A_23, %broadcast_in_dim3A_25 : vector<256x256xf32>
    %convert_element_type3A_27 = arith.extui %eq3A_26 : vector<256x256xi1> to vector<256x256xi32>
    %convert_element_type3A_28 = arith.sitofp %convert_element_type3A_27 : vector<256x256xi32> to vector<256x256xf32>
    %iota3A_29 = tpu.iota {dimensions = array<i32: 0>} : vector<256x256xi32>
    %iota3A_30 = tpu.iota {dimensions = array<i32: 1>} : vector<256x256xi32>
    %gt3A = arith.cmpi sgt, %iota3A_29, %iota3A_30 : vector<256x256xi32>
    %convert_element_type3A_31 = arith.extui %gt3A : vector<256x256xi1> to vector<256x256xi32>
    %convert_element_type3A_32 = arith.sitofp %convert_element_type3A_31 : vector<256x256xi32> to vector<256x256xf32>
    %mul3A_33 = arith.mulf %convert_element_type3A_28, %convert_element_type3A_32 : vector<256x256xf32>
    %reduce_sum3A_34 = arith.constant dense<0.000000e+00> : vector<256xf32>
    %reduce_sum3A_35 = vector.multi_reduction <add>, %mul3A_33, %reduce_sum3A_34 [0] : vector<256x256xf32> to vector<256xf32>
    %broadcast_in_dim3A_36 = vector.shape_cast %reduce_sum3A_35 : vector<256xf32> to vector<1x256xf32>
    %eq3A_37 = arith.constant 0.000000e+00 : f32
    %eq3A_38 = vector.broadcast %eq3A_37 : f32 to vector<1x256xf32>
    %eq3A_39 = arith.cmpf oeq, %broadcast_in_dim3A_36, %eq3A_38 : vector<1x256xf32>
    %convert_element_type3A_40 = arith.extui %eq3A_39 : vector<1x256xi1> to vector<1x256xi32>
    %convert_element_type3A_41 = arith.sitofp %convert_element_type3A_40 : vector<1x256xi32> to vector<1x256xf32>
    %dot_general3A_42 = arith.constant dense<0.000000e+00> : vector<256x1xf32>
    %dot_general3A_43 = tpu.matmul %convert_element_type3A_20, %convert_element_type3A_41, %dot_general3A_42 {dimension_numbers = #tpu.dot_dimension_numbers<[1], [1], [0], [0], [0, 0, 1, 0], [], []>, transpose_lhs_hint = false} : vector<256x256xf32>, vector<1x256xf32>, vector<256x1xf32> -> vector<256x1xf32>
    %mul3A_44 = vector.broadcast %dot_general3A_43 : vector<256x1xf32> to vector<256x128xf32>
    %mul3A_45 = arith.mulf %div3A_14, %mul3A_44 : vector<256x128xf32>
    %swap3A = arith.constant 0 : index
    %swap3A_46 = arith.constant 0 : index
    %swap3A_47 = vector.load %arg3[%swap3A, %swap3A_46] : memref<256x128xf32, #tpu.memory_space<vmem>>, vector<256x128xf32>
    tpu.vector_store %arg3[%swap3A, %swap3A_46], %mul3A_45 {strides = array<i32>} : memref<256x128xf32, #tpu.memory_space<vmem>>, vector<256x128xf32>,
    return
  }
}

module attributes {stable_mosaic.version = 14 : i64} {
  func.func @_k4_body(%arg0: i32, %arg1: memref<1024x128xf32, #tpu.memory_space<vmem>>, %arg2: memref<1x256xi32, #tpu.memory_space<vmem>>, %arg3: memref<256x128xf32, #tpu.memory_space<vmem>>, %arg4: memref<1024x128xf32, #tpu.memory_space<vmem>>) attributes {dimension_semantics = [#tpu.dimension_semantics<arbitrary>], iteration_bounds = array<i64: 98>, scalar_prefetch = 0 : i64, scratch_operands = 0 : i64, tpu.core_type = #tpu.core_type<tc>, window_params = [{transform_indices = @transform_0, window_bounds = array<i64: 1024, 128>}, {pipeline_mode = #tpu.pipeline_mode<synchronous>, transform_indices = @transform_1, window_bounds = array<i64: 1, 256>}, {pipeline_mode = #tpu.pipeline_mode<synchronous>, transform_indices = @transform_2, window_bounds = array<i64: 256, 128>}, {transform_indices = @transform_3, window_bounds = array<i64: 1024, 128>}]} {
    %iota3A = tpu.iota {dimensions = array<i32: 0>} : vector<1024x256xi32>
    %mul3A = arith.constant 1024 : i32
    %mul3A_0 = arith.muli %arg0, %mul3A : i32
    %add3A = vector.broadcast %mul3A_0 : i32 to vector<1024x256xi32>
    %add3A_1 = arith.addi %iota3A, %add3A : vector<1024x256xi32>
    %get3A = arith.constant 0 : index
    %get3A_2 = arith.constant 0 : index
    %get3A_3 = vector.load %arg2[%get3A, %get3A_2] : memref<1x256xi32, #tpu.memory_space<vmem>>, vector<1x256xi32>
    %broadcast_in_dim3A = vector.shape_cast %get3A_3 : vector<1x256xi32> to vector<1x256xi32>
    %broadcast_in_dim3A_4 = vector.broadcast %broadcast_in_dim3A : vector<1x256xi32> to vector<1024x256xi32>
    %eq3A = arith.cmpi eq, %add3A_1, %broadcast_in_dim3A_4 : vector<1024x256xi32>
    %convert_element_type3A = arith.extui %eq3A : vector<1024x256xi1> to vector<1024x256xi32>
    %convert_element_type3A_5 = arith.sitofp %convert_element_type3A : vector<1024x256xi32> to vector<1024x256xf32>
    %reduce_sum3A = arith.constant dense<0.000000e+00> : vector<1024xf32>
    %reduce_sum3A_6 = vector.multi_reduction <add>, %convert_element_type3A_5, %reduce_sum3A [1] : vector<1024x256xf32> to vector<1024xf32>
    %broadcast_in_dim3A_7 = vector.shape_cast %reduce_sum3A_6 : vector<1024xf32> to vector<1024x1xf32>
    %eq3A_8 = arith.constant 0.000000e+00 : f32
    %eq3A_9 = vector.broadcast %eq3A_8 : f32 to vector<1024x1xf32>
    %eq3A_10 = arith.cmpf oeq, %broadcast_in_dim3A_7, %eq3A_9 : vector<1024x1xf32>
    %convert_element_type3A_11 = arith.extui %eq3A_10 : vector<1024x1xi1> to vector<1024x1xi32>
    %convert_element_type3A_12 = arith.sitofp %convert_element_type3A_11 : vector<1024x1xi32> to vector<1024x1xf32>
    %get3A_13 = arith.constant 0 : index
    %get3A_14 = arith.constant 0 : index
    %get3A_15 = vector.load %arg3[%get3A_13, %get3A_14] : memref<256x128xf32, #tpu.memory_space<vmem>>, vector<256x128xf32>
    %dot_general3A = arith.constant dense<0.000000e+00> : vector<1024x128xf32>
    %dot_general3A_16 = tpu.matmul %convert_element_type3A_5, %get3A_15, %dot_general3A {dimension_numbers = #tpu.dot_dimension_numbers<[1], [0], [0], [1], [0, 0, 1, 1], [], []>, transpose_lhs_hint = false} : vector<1024x256xf32>, vector<256x128xf32>, vector<1024x128xf32> -> vector<1024x128xf32>
    %get3A_17 = arith.constant 0 : index
    %get3A_18 = arith.constant 0 : index
    %get3A_19 = vector.load %arg1[%get3A_17, %get3A_18] : memref<1024x128xf32, #tpu.memory_space<vmem>>, vector<1024x128xf32>
    %mul3A_20 = vector.broadcast %convert_element_type3A_12 : vector<1024x1xf32> to vector<1024x128xf32>
    %mul3A_21 = arith.mulf %mul3A_20, %get3A_19 : vector<1024x128xf32>
    %add3A_22 = arith.addf %mul3A_21, %dot_general3A_16 : vector<1024x128xf32>
    %swap3A = arith.constant 0 : index
    %swap3A_23 = arith.constant 0 : index
    %swap3A_24 = vector.load %arg4[%swap3A, %swap3A_23] : memref<1024x128xf32, #tpu.memory_space<vmem>>, vector<1024x128xf32>
    tpu.vector_store %arg4[%swap3A, %swap3A_23], %add3A_22 {strides = array<i32>} : memref<1024x128xf32, #tpu.memory_space<vmem>>, vector<1024x128xf32>,
    return
  }
  func.func @transform_0(%arg0: i32) -> (i32, i32) {
    %c0_i32 = arith.constant 0 : i32
    %c0_i32_0 = arith.constant 0 : i32
    return %arg0, %c0_i32 : i32, i32
  }
  func.func @transform_1(%arg0: i32) -> (i32, i32) {
    %c0_i32 = arith.constant 0 : i32
    %c0_i32_0 = arith.constant 0 : i32
    %c0_i32_1 = arith.constant 0 : i32
    return %c0_i32, %c0_i32_0 : i32, i32
  }
  func.func @transform_2(%arg0: i32) -> (i32, i32) {
    %c0_i32 = arith.constant 0 : i32
    %c0_i32_0 = arith.constant 0 : i32
    %c0_i32_1 = arith.constant 0 : i32
    return %c0_i32, %c0_i32_0 : i32, i32
  }
  func.func @transform_3(%arg0: i32) -> (i32, i32) {
    %c0_i32 = arith.constant 0 : i32
    %c0_i32_0 = arith.constant 0 : i32
    return %arg0, %c0_i32 : i32, i32
  }
}

module attributes {stable_mosaic.version = 14 : i64} {
  func.func @_k5_body(%arg0: memref<512x128xf32, #tpu.memory_space<vmem>>, %arg1: memref<256x128xf32, #tpu.memory_space<vmem>>, %arg2: memref<2x256x16xf32, #tpu.memory_space<vmem>>, %arg3: memref<1x1xf32, #tpu.memory_space<vmem>>) attributes {dimension_semantics = [], scalar_prefetch = 0 : i64, scratch_operands = 0 : i64, tpu.core_type = #tpu.core_type<tc>} {
    %get3A = arith.constant 0 : index
    %get3A_0 = arith.constant 0 : index
    %get3A_1 = vector.load %arg0[%get3A, %get3A_0] : memref<512x128xf32, #tpu.memory_space<vmem>>, vector<512x128xf32>
    %get3A_2 = arith.constant 0 : index
    %get3A_3 = arith.constant 0 : index
    %get3A_4 = vector.load %arg1[%get3A_2, %get3A_3] : memref<256x128xf32, #tpu.memory_space<vmem>>, vector<256x128xf32>
    %concatenate3A = tpu.concatenate %get3A_4, %get3A_4 in 0 : vector<256x128xf32>, vector<256x128xf32> -> vector<512x128xf32>
    %mul3A = arith.mulf %concatenate3A, %get3A_1 : vector<512x128xf32>
    %reduce_sum3A = arith.constant dense<0.000000e+00> : vector<512xf32>
    %reduce_sum3A_5 = vector.multi_reduction <add>, %mul3A, %reduce_sum3A [1] : vector<512x128xf32> to vector<512xf32>
    %broadcast_in_dim3A = vector.shape_cast %reduce_sum3A_5 : vector<512xf32> to vector<512x1xf32>
    %get3A_6 = arith.constant 0 : index
    %get3A_7 = arith.constant 0 : index
    %get3A_8 = arith.constant 0 : index
    %get3A_9 = vector.load %arg2[%get3A_6, %get3A_7, %get3A_8] : memref<2x256x16xf32, #tpu.memory_space<vmem>>, vector<2x256x16xf32>
    %reshape3A = vector.shape_cast %get3A_9 : vector<2x256x16xf32> to vector<512x16xf32>
    %reduce_sum3A_10 = arith.constant dense<0.000000e+00> : vector<512xf32>
    %reduce_sum3A_11 = vector.multi_reduction <add>, %reshape3A, %reduce_sum3A_10 [1] : vector<512x16xf32> to vector<512xf32>
    %broadcast_in_dim3A_12 = vector.shape_cast %reduce_sum3A_11 : vector<512xf32> to vector<512x1xf32>
    %div3A = arith.constant 7.000000e-02 : f32
    %div3A_13 = vector.broadcast %div3A : f32 to vector<512x1xf32>
    %div3A_14 = arith.divf %broadcast_in_dim3A, %div3A_13 : vector<512x1xf32>
    %exp3A = math.exp %div3A_14 : vector<512x1xf32>
    %add3A = arith.addf %broadcast_in_dim3A_12, %exp3A : vector<512x1xf32>
    %log3A = math.log %add3A : vector<512x1xf32>
    %div3A_15 = arith.constant 7.000000e-02 : f32
    %div3A_16 = vector.broadcast %div3A_15 : f32 to vector<512x1xf32>
    %div3A_17 = arith.divf %broadcast_in_dim3A, %div3A_16 : vector<512x1xf32>
    %sub3A = arith.subf %log3A, %div3A_17 : vector<512x1xf32>
    %reduce_sum3A_18 = vector.shape_cast %sub3A : vector<512x1xf32> to vector<1x512x1xf32>
    %reduce_sum3A_19 = arith.constant dense<0.000000e+00> : vector<1xf32>
    %reduce_sum3A_20 = vector.multi_reduction <add>, %reduce_sum3A_18, %reduce_sum3A_19 [1, 2] : vector<1x512x1xf32> to vector<1xf32>
    %reduce_sum3A_21 = vector.shape_cast %reduce_sum3A_20 : vector<1xf32> to vector<1x1x1xf32>
    %reduce_sum3A_22 = vector.extract %reduce_sum3A_21[0, 0, 0] : f32 from vector<1x1x1xf32>
    %broadcast_in_dim3A_23 = vector.broadcast %reduce_sum3A_22 : f32 to vector<1x1xf32>
    %div3A_24 = arith.constant 5.120000e+02 : f32
    %div3A_25 = vector.broadcast %div3A_24 : f32 to vector<1x1xf32>
    %div3A_26 = arith.divf %broadcast_in_dim3A_23, %div3A_25 : vector<1x1xf32>
    %swap3A = arith.constant 0 : index
    %swap3A_27 = arith.constant 0 : index
    %swap3A_28 = vector.load %arg3[%swap3A, %swap3A_27] : memref<1x1xf32, #tpu.memory_space<vmem>>, vector<1x1xf32>
    tpu.vector_store %arg3[%swap3A, %swap3A_27], %div3A_26 {strides = array<i32>} : memref<1x1xf32, #tpu.memory_space<vmem>>, vector<1x1xf32>,
    return
  }
}

</mosaic_0001>

<sc_bundles>
// kernel: kernel.11.cloned.1.call-start
scs
__scs_entry_jumppad:
0x0: {  	(pc) =	sbr.rel $0x88, $3  }
0x1: {  	(tag) =	ssettag $0x0;
	lr =	simm.s32 $0x1  }
0x2: {  	[smem:$0x3F9C] =	sst lr;
	_ =	strace $0xD0000000  }
0x3: {  	_ = 	snop  }
0x4: {  	_ = 	snop  }
0x5: {  	_ = 	snop  }
0x6: {  	_ = 	snop  }
0x7: {  	_ = 	snop  }
__scs_overlays_trampoline_lowered:
0x8: {  	[smem:$0x3FAB] =	sst s0  }
0x9: {  	[smem:$0x3FAC] =	sst s1  }
0xa: {  	[smem:$0x3FAD] =	sst s2  }
0xb: {  	[smem:$0x3FAE] =	sst s3  }
0xc: {  	[smem:$0x3FAF] =	sst s4  }
0xd: {  	[smem:$0x3FB0] =	sst s5  }
0xe: {  	[smem:$0x3FB1] =	sst s6  }
0xf: {  	[smem:$0x3FB2] =	sst s7  }
0x10: {  	[smem:$0x3FB3] =	sst s8  }
0x11: {  	[smem:$0x3FB4] =	sst s9;
	s0 =	simm.s32 @!p0 $0x0  }
0x12: {  	s1 =	sld [smem:$0x3F9A];
	s0 =	simm.s32 @p0 $0x1  }
0x13: {  	[smem:$0x3FB5] =	sst s0;
	s0 =	simm.s32 @!p1 $0x0  }
0x14: {  	s2 =	sld [smem:$0x3F99];
	s0 =	simm.s32 @p1 $0x1  }
0x15: {  	[smem:$0x3FB6] =	sst s0;
	s0 =	simm.s32 @!p2 $0x0  }
0x16: {  	s3 =	sld [smem:$0x3FDB];
	s0 =	simm.s32 @p2 $0x1  }
0x17: {  	s4 =	simm.s32 $0x1BF5;
	[smem:$0x3FB8] =	sst s0  }
0x18: {  	s0 =	sld [smem:$0x3F9B];
	_ =	swait.ge [sflag:s4], $0x0  }
0x19: {  	s7 =	sld [smem:$0x3F9C]  }
0x1a: {  	s8 =	sadd.s32 $0xFFFFE003, lr  }
0x1b: {  	s9 =	sadd.s32 $0xFFFFFEF7, lr;
	s5 =	simm.s32 $0xFFFFFFFF;
	p2 =	slt.u32 s8, $0xFFFFF086  }
0x1c: {  	p1 =	slt.u32 s9, $0xF7A;
	s5 =	simm.s32 @!p2 $0x0  }
0x1d: {  	s5 =	simm.s32 @p1 $0x1;
	p0 =	seq.s32 s7, s2  }
0x1e: {  	s7 =	smul.u32 @!p0 $0xF7A, s2;
	p2 =	seq.s32 @!p0 s5, $0x0  }
0x1f: {  	s9 =	smul.u32 $0xF7A, s1;
	s8 =	simm.s32 @!p0 $0x1BF5;
	p2 =	por !p2, p0  }
0x20: {  	[sflag:s8] =	ssyncset.s32 @!p0 $0xFFFFF086;
	s6 =	sadd.s32 @!p0 s3, s7;
	s7 =	simm.s32 @!p0 $0x108  }
0x21: {  	s3 =	sadd.s32 s3, s9;
	s6 =	sadd.s32 @!p0 $0x88, s6;
	s7 =	simm.s32 @p2 $0x1082  }
0x22: {  	[simem:s7], [sflag:s8] =	dma.local @!p0 [hbm:s6], $0xF7A  }
0x23: {  	s9 =	sor.u32 $0xD0000000, s2;
	s6 =	simm.s32 $0x108;
	_ =	swait.ge @!p0 [sflag:s8], $0x0  }
0x24: {  	s3 =	sadd.s32 $0x88, s3;
	s6 =	simm.s32 @!p1 $0x1082;
	[sflag:s4] =	ssyncset.s32 $0xFFFFF086  }
0x25: {  	[simem:s6], [sflag:s4] =	dma.local [hbm:s3], $0xF7A  }
0x26: {  	[smem:$0x3F9C] =	sst s1;
	(tag) =	ssettag s2;
	_ =	strace s9  }
0x27: {  	s1 =	sld [smem:$0x3FAC]  }
0x28: {  	s2 =	sld [smem:$0x3FAD]  }
0x29: {  	s4 =	sld [smem:$0x3FAF]  }
0x2a: {  	p0 =	seq.s32 s5, $0x0;
	s5 =	sld [smem:$0x3FB0]  }
0x2b: {  	s6 =	sld [smem:$0x3FB1]  }
0x2c: {  	s7 =	sld [smem:$0x3FB2]  }
0x2d: {  	s3 =	simm.s32 $0x108;
	s8 =	sld [smem:$0x3FB3]  }
0x2e: {  	s3 =	simm.s32 @!p0 $0x1082;
	s9 =	sld [smem:$0x3FB4]  }
0x2f: {  	lr =	sadd.s32 s0, s3;
	s0 =	sld [smem:$0x3FAB]  }
0x30: {  	s3 =	sld [smem:$0x3FAE]  }
0x31: {  	[smem:$0x3FB7] =	sst s10  }
0x32: {  	s10 =	sld [smem:$0x3FB5];
	_ =	sdelay $0x3  }
0x33: {  	p0 =	seq.s32 s10, $0x1;
	s10 =	sld [smem:$0x3FB7];
	_ =	sdelay $0x3  }
0x34: {  	[smem:$0x3FB7] =	sst s10  }
0x35: {  	s10 =	sld [smem:$0x3FB6];
	_ =	sdelay $0x3  }
0x36: {  	p1 =	seq.s32 s10, $0x1;
	s10 =	sld [smem:$0x3FB7];
	_ =	sdelay $0x3  }
0x37: {  	[smem:$0x3FB7] =	sst s10  }
0x38: {  	s10 =	sld [smem:$0x3FB8]  }
0x39: {  	_ = 	snop;
	(pc) =	sbr.ind lr, $3  }
0x3a: {  	_ = 	snop  }
0x3b: {  	_ = 	snop  }
0x3c: {  	p2 =	seq.s32 s10, $0x1;
	s10 =	sld [smem:$0x3FB7]  }
0x3d: {  	_ =	shalt  }
0x3e: {  	_ =	shalt  }
0x3f: {  	_ =	shalt  }
0x40: {  	_ =	shalt  }
0x41: {  	_ =	shalt  }
0x42: {  	_ =	shalt  }
0x43: {  	_ =	shalt  }
0x44: {  	_ =	shalt  }
0x45: {  	_ =	shalt  }
0x46: {  	_ =	shalt  }
0x47: {  	_ =	shalt  }
0x48: {  	_ =	shalt  }
0x49: {  	_ =	shalt  }
0x4a: {  	_ =	shalt  }
0x4b: {  	_ =	shalt  }
0x4c: {  	_ =	shalt  }
0x4d: {  	_ =	shalt  }
0x4e: {  	_ =	shalt  }
0x4f: {  	_ =	shalt  }
0x50: {  	_ =	shalt  }
0x51: {  	_ =	shalt  }
0x52: {  	_ =	shalt  }
0x53: {  	_ =	shalt  }
0x54: {  	_ =	shalt  }
0x55: {  	_ =	shalt  }
0x56: {  	_ =	shalt  }
0x57: {  	_ =	shalt  }
0x58: {  	_ =	shalt  }
0x59: {  	_ =	shalt  }
0x5a: {  	_ =	shalt  }
0x5b: {  	_ =	shalt  }
0x5c: {  	_ =	shalt  }
0x5d: {  	_ =	shalt  }
0x5e: {  	_ =	shalt  }
0x5f: {  	_ =	shalt  }
0x60: {  	_ =	shalt  }
0x61: {  	_ =	shalt  }
0x62: {  	_ =	shalt  }
0x63: {  	_ =	shalt  }
0x64: {  	_ =	shalt  }
0x65: {  	_ =	shalt  }
0x66: {  	_ =	shalt  }
0x67: {  	_ =	shalt  }
0x68: {  	_ =	shalt  }
0x69: {  	_ =	shalt  }
0x6a: {  	_ =	shalt  }
0x6b: {  	_ =	shalt  }
0x6c: {  	_ =	shalt  }
0x6d: {  	_ =	shalt  }
0x6e: {  	_ =	shalt  }
0x6f: {  	_ =	shalt  }
0x70: {  	_ =	shalt  }
0x71: {  	_ =	shalt  }
0x72: {  	_ =	shalt  }
0x73: {  	_ =	shalt  }
0x74: {  	_ =	shalt  }
0x75: {  	_ =	shalt  }
0x76: {  	_ =	shalt  }
0x77: {  	_ =	shalt  }
0x78: {  	_ =	shalt  }
0x79: {  	_ =	shalt  }
0x7a: {  	_ =	shalt  }
0x7b: {  	_ =	shalt  }
0x7c: {  	_ =	shalt  }
0x7d: {  	_ =	shalt  }
0x7e: {  	_ =	shalt  }
0x7f: {  	_ =	shalt  }
0x80: {  	_ =	shalt  }
0x81: {  	_ =	shalt  }
0x82: {  	_ =	shalt  }
0x83: {  	_ =	shalt  }
0x84: {  	_ =	shalt  }
0x85: {  	_ =	shalt  }
0x86: {  	_ =	shalt  }
0x87: {  	_ =	shalt  }
.Lfunc_end0:
.L_simem_size_0:
called_computation.1_lowered:
.L_overlay_start_0:
0x88: {  	s2 =	sld [smem:$0x3FD9]  }
0x89: {  	s3 =	sld [smem:$0x3FFE];
	_ =	sdelay $0x1  }
0x8a: {  	s1 =	srdreg.scid  }
0x8b: {  	s0 =	sand.u32 $0x1, s1  }
0x8c: {  	s17 =	sshll.u32 s0, $0xA;
	s2 =	sadd.s32 s3, s2  }
0x8d: {  	s2 =	sadd.s32 s2, s17  }
0x8e: {  	[smem:$0x3FC3] =	sst s2  }
0x8f: {  	_ = 	snop  }
0x90: {  	(tm) =	ssettm $0x1  }
0x91: {  	s18 =	sld [smem:$0x3FFB];
	_ =	sdelay $0x3  }
0x92: {  	_ =	strace s18  }
0x93: {  	s2 =	sld [smem:$0x3FFC];
	_ =	sdelay $0x3  }
0x94: {  	_ =	strace s2  }
0x95: {  	s2 =	sld [smem:$0x3FFD];
	_ =	sdelay $0x3  }
0x96: {  	_ =	strace s2  }
0x97: {  	_ =	strace $0x8FFFFFFF  }
0x98: {  	s19 =	sld [smem:$0x3FDB];
	_ =	sdelay $0x1  }
0x99: {  	s20 =	simm.s32 $_scs_section_size  }
0x9a: {  	s4 =	simm.s32 $_size__tile_overlayer_lowered;
	s5 =	simm.s32 $_tile_overlayer_lowered  }
0x9b: {  	s6 =	simm.s32 $0x1BFF;
	s21 =	sshll.u32 s5, $0x1;
	s3 =	sadd.s32 s20, s19  }
0x9c: {  	s22 =	simm.s32 $0x0;
	s4 =	sshll.u32 s4, $0x1;
	s5 =	sadd.s32 s21, s3  }
0x9d: {  	[timem:s22], [sflag:s6] =	dma.local [hbm:s5], s4  }
0x9e: {  	_ =	swait.ge [sflag:s6], s4  }
0x9f: {  	s4 =	ssub.s32 $0x0, s4;
	[sflag:s6] =	ssyncset.done $0x0  }
0xa0: {  	[sflag:s6] =	ssyncadd.s32 s4;
	_ =	sdelay $0x1  }
0xa1: {  	s23 =	simm.s32 $0x1B8B  }
0xa2: {  	_ =	swait.ge [sflag:s23], $0x1  }
0xa3: {  	[sflag:s23] =	ssyncset.done $0x0  }
0xa4: {  	[sflag:s23] =	ssyncadd.s32 $0xFFFFFFFF  }
0xa5: {  	s4 =	sld [smem:$0x0]  }
0xa6: {  	s5 =	sand.u32 $0xFFFFFFFE, s1  }
0xa7: {  	p0 =	sne.s32 s1, s5  }
0xa8: {  	s5 =	sshll.u32 @p0 s5, $0xE  }
0xa9: {  	s5 =	sadd.s32 @p0 $0x11B8D, s5;
	s6 =	sshll.u32 @p0 s4, $0x11  }
0xaa: {  	s5 =	sor.u32 @p0 s6, s5  }
0xab: {  	[sflag:s5] =	ssyncadd.remote.s32 @p0 $0x1;
	_ =	sdelay $0x1  }
0xac: {  	s5 =	simm.s32 @p0 $0x1B8D  }
0xad: {  	_ =	swait.eq @p0 [sflag:s5], $0x1  }
0xae: {  	[sflag:s5] =	ssyncadd.s32 @p0 $0xFFFFFFFF  }
0xaf: {  	s6 =	sshll.u32 @!p0 s1, $0xE  }
0xb0: {  	s6 =	sor.u32 @!p0 $0x4000, s6;
	s5 =	simm.s32 @!p0 $0x1B8D  }
0xb1: {  	s4 =	sshll.u32 @!p0 s4, $0x11;
	s6 =	sadd.s32 @!p0 $0x11B8D, s6;
	_ =	swait.eq @!p0 [sflag:s5], $0x1  }
0xb2: {  	s4 =	sor.u32 @!p0 s4, s6;
	[sflag:s5] =	ssyncadd.s32 @!p0 $0xFFFFFFFF  }
0xb3: {  	s25 =	simm.s32 $0x1B8E;
	s24 =	sld [smem:$0x3FFE];
	[sflag:s4] =	ssyncadd.remote.s32 @!p0 $0x1  }
0xb4: {  	s26 =	simm.s32 $execute0_lowered;
	[smem:$0x3FD2] =	sst s25  }
0xb5: {  	s5 =	sshll.u32 s26, $0x1;
	_ =	strace $0x80000049;
	[dreg:$0x1] =	wrdreg $0xFFFFFFFF  }
0xb6: {  	s28 =	simm.s32 $_size_execute0_lowered;
	s3 =	sadd.s32 s3, s5;
	[dreg:$0x0] =	wrdreg $0x0  }
0xb7: {  	s5 =	sshll.u32 s28, $0x1;
	[dreg:$0x2] =	wrdreg s3  }
0xb8: {  	[dreg:$0x3] =	wrdreg s5  }
0xb9: {  	[dreg:$0x4] =	wrdreg $0xC0  }
0xba: {  	_ =	task [dreg:s22], $0x5FFFF  }
0xbb: {  	[dreg:$0x1] =	wrdreg $0xFFFFFFFF  }
0xbc: {  	[dreg:$0x0] =	wrdreg $0x60  }
0xbd: {  	[dreg:$0x2] =	wrdreg s24  }
0xbe: {  	[dreg:$0x3] =	wrdreg $0xA  }
0xbf: {  	_ =	task.clear_ibuf [dreg:s22], $0x4FFFF;
	_ =	strace $0x90000049  }
0xc0: {  	s29 =	simm.s32 $0xA;
	_ =	strace $0x8000004B  }
0xc1: {  	_ =	swait.ge [sflag:s29], $0x1  }
0xc2: {  	[sflag:s29] =	ssyncadd.s32 $0xFFFFFFFF  }
0xc3: {  	_ =	strace $0x9000004B  }
0xc4: {  	_ =	sfence  }
0xc5: {  	s30 =	sld [smem:$0x0];
	_ =	sdelay $0x2  }
0xc6: {  	s31 =	sshll.u32 s1, $0xD;
	s1 =	sshrl.u32 s1, $0x2  }
0xc7: {  	s4 =	sand.u32 $0x4000, s31;
	s1 =	sadd.s32 s1, s30  }
0xc8: {  	s0 =	sor.u32 s4, s0;
	s1 =	sshll.u32 s1, $0x11  }
0xc9: {  	s0 =	sor.u32 s1, s0  }
0xca: {  	s0 =	sadd.s32 $0x8F2B, s0  }
0xcb: {  	[sflag:s0] =	ssyncadd.remote.s32 $0x1  }
0xcc: {  	_ =	sfence.sel $0xFFFF  }
0xcd: {  	[dreg:$0x0] =	wrdreg $0xFFFFFFFF;
	(pc) =	sbr.abs _section_cstart, $3  }
0xce: {  	[dreg:$0x1] =	wrdreg $0xFFFFFFFF  }
0xcf: {  	_ =	task.clear_ibuf [dreg:s22], $0x2FFFF;
	_ =	strace $0x9FFFFFFF  }
0xd0: {  	(tm) =	ssettm $0x7FFFFFFF  }
0xd1: {  	_ =	shalt  }
tec
execute0_lowered:
.L_overlay_start_1:
0x0: {  	(tag) =	ssettag $0x1  }
0x1: {  	s0 =	srdreg.scid;
	s1 =	stileid.u32  }
0x2: {  	s3 =	rddreg [dreg:$0x0];
	s8 =	simm.s32 $0x19000;
	s9 =	simm.s32 $0x2  }
0x3: {  	s10 =	simm.s32 $0x1;
	s11 =	simm.s32 $0x1A000;
	s0 =	sand.u32 $0x1, s0  }
0x4: {  	s12 =	simm.s32 $0x1A080;
	s1 =	sshll.u32 s1, $0x4;
	s2 =	sshll.u32 s0, $0x3  }
0x5: {  	s0 =	ssub.s32 $0x2, s0;
	s1 =	sor.u32 s2, s1;
	s2 =	simm.s32 $0x0  }
0x6: {  	s13 =	sshrl.u32 s0, $0x1;
	s4 =	sshrl.u32 s1, $0x3;
	s5 =	sshll.u32 s1, $0x9  }
0x7: {  	[smem:$0x7FF] =	sst s2;
	s1 =	sshll.u32 s1, $0x4;
	s5 =	sadd.s32 s5, s3  }
0x8: {  	s7 =	ssub.s32 s0, s13;
	s6 =	sadd.s32 s1, s3;
	s16 =	sadd.s32 $0x2800, s5  }
0x9: {  	_ =	strace $0x8000004A;
	s17 =	sadd.s32 $0x342800, s6;
	[dreg:$0x4] =	wrdreg s16  }
0xa: {  	s13 =	simm.s32 $0x0;
	s18 =	sadd.s32 $0x343800, s6;
	[dreg:$0x5] =	wrdreg s17  }
0xb: {  	s4 =	smul.u32 $0x19000, s4;
	s19 =	sadd.s32 $0x2810, s5;
	[dreg:$0x6] =	wrdreg s18  }
0xc: {  	s21 =	sadd.s32 $0x342810, s6;
	s22 =	sadd.s32 $0x343810, s6;
	[dreg:$0x7] =	wrdreg s19  }
0xd: {  	s23 =	sadd.s32 $0x2820, s5;
	s24 =	sadd.s32 $0x342820, s6;
	[dreg:$0x9] =	wrdreg s21  }
0xe: {  	s26 =	sadd.s32 $0x343820, s6;
	s28 =	sadd.s32 $0x342850, s6;
	[dreg:$0xa] =	wrdreg s22  }
0xf: {  	s29 =	sadd.s32 $0x343850, s6;
	s30 =	sadd.s32 $0x2860, s5;
	[dreg:$0xb] =	wrdreg s23  }
0x10: {  	s31 =	sadd.s32 $0x342860, s6;
	s1 =	sadd.s32 $0x343860, s6;
	[dreg:$0xc] =	wrdreg s24  }
0x11: {  	s0 =	sadd.s32 $0x2870, s5;
	s4 =	sadd.s32 s4, s3;
	[dreg:$0xe] =	wrdreg s26  }
0x12: {  	s17 =	sadd.s32 $0x2830, s5;
	s18 =	sadd.s32 $0x342830, s6;
	s19 =	sadd.s32 $0x343830, s6  }
0x13: {  	s23 =	sadd.s32 $0x2840, s5;
	s24 =	sadd.s32 $0x342840, s6;
	s26 =	sadd.s32 $0x2850, s5  }
0x14: {  	s3 =	sadd.s32 $0x342870, s6;
	s5 =	smax.u32 s7, $0x1;
	s14 =	sadd.s32 $0x22800, s4  }
0x15: {  	s7 =	simm.s32 $0x400;
	s15 =	sadd.s32 $0x22810, s4;
	[dreg:$0x2] =	wrdreg s14  }
0x16: {  	s20 =	sadd.s32 $0x22820, s4;
	s25 =	sadd.s32 $0x22830, s4;
	[dreg:$0x3] =	wrdreg s15  }
0x17: {  	s16 =	sadd.s32 $0x22840, s4;
	s21 =	sadd.s32 $0x22860, s4;
	[dreg:$0x8] =	wrdreg s20  }
0x18: {  	s22 =	sadd.s32 $0x22870, s4;
	[dreg:$0xd] =	wrdreg s25;
	s20 =	sadd.s32 $0x22850, s4  }
0x19: {  	s25 =	sadd.s32 $0x343840, s6;
	s4 =	sadd.s32 $0x343870, s6;
	s6 =	simm.s32 $0x80  }
.LBB2_1:
0x1a: {  	s14 =	rddreg [dreg:$0x2]  }
0x1b: {  	[tilespmem:s2], [sflag:$0x1] =	stream.strided.gather [hbm4b:s14+s6], $0x19000, s7, s6, $0x38;
	[tilespmem:$0x1A100] =	vst v63  }
0x1c: {  	s15 =	rddreg [dreg:$0x4]  }
0x1d: {  	[tilespmem:s8], [sflag:$0x2] =	stream.strided.gather [hbm4b:s15+s6], $0x1000, s7, s6, $0x38;
	[tilespmem:$0x1A100] =	vst v63  }
0x1e: {  	_ =	swait.ge [sflag:s9], $0x1000  }
0x1f: {  	[sflag:s9] =	ssyncset.done $0x0  }
0x20: {  	[sflag:s9] =	ssyncadd.s32 $0xFFFFF000  }
0x21: {  	_ =	swait.ge [sflag:s10], $0x19000  }
0x22: {  	[sflag:s10] =	ssyncset.done $0x0  }
0x23: {  	s15 =	simm.s32 $0x19020;
	[sflag:s10] =	ssyncadd.s32 $0xFFFE7000  }
0x24: {  	v0 =	vld [tilespmem:s15+$0x10]  }
0x25: {  	v1 =	vld [tilespmem:s15+$0x0]  }
0x26: {  	v2 =	vld [tilespmem:s15+$0xFFFFFFE0]  }
0x27: {  	v3 =	vld [tilespmem:s15+$0xFFFFFFF0];
	_ =	sdelay $0x2  }
0x28: {  	s15 =	simm.s32 $0x19060  }
0x29: {  	v4 =	vld [tilespmem:s15+$0x10]  }
0x2a: {  	v0 =	vld.idx.msk [tilespmem:v0+s2+$0x0], $0xffff  }
0x2b: {  	v1 =	vld.idx.msk [tilespmem:v1+s2+$0x0], $0xffff  }
0x2c: {  	v2 =	vld.idx.msk [tilespmem:v2+s2+$0x0], $0xffff  }
0x2d: {  	v3 =	vld.idx.msk [tilespmem:v3+s2+$0x0], $0xffff  }
0x2e: {  	v5 =	vld [tilespmem:s15+$0x0];
	_ =	sdelay $0x1  }
0x2f: {  	v7 =	vld [tilespmem:s15+$0xFFFFFFF0];
	v6 =	vshll.u32 v0, $0x10;
	v0 =	vand.u32 $0xFFFF0000, v0;
	v8 =	vshll.u32 v1, $0x10  }
0x30: {  	v9 =	vld [tilespmem:s15+$0xFFFFFFE0];
	v10 =	vshll.u32 v2, $0x10;
	v2 =	vand.u32 $0xFFFF0000, v2;
	v6 =	vmul.f32 $1.428571410e+01, v6  }
0x31: {  	v11 =	vshll.u32 v3, $0x10;
	v0 =	vmul.f32 $1.428571410e+01, v0;
	v10 =	vmul.f32 $1.428571410e+01, v10  }
0x32: {  	v3 =	vand.u32 $0xFFFF0000, v3;
	v8 =	vmul.f32 $1.428571410e+01, v8;
	v2 =	vmul.f32 $1.428571410e+01, v2  }
0x33: {  	v4 =	vld.idx.msk [tilespmem:v4+s2+$0x0], $0xffff;
	v1 =	vand.u32 $0xFFFF0000, v1;
	v11 =	vmul.f32 $1.428571410e+01, v11;
	v3 =	vmul.f32 $1.428571410e+01, v3  }
0x34: {  	v1 =	vmul.f32 $1.428571410e+01, v1;
	v10 =	vmul.f32 $1.442695020e+00, v10  }
0x35: {  	s15 =	simm.s32 $0x190A0;
	v5 =	vld.idx.msk [tilespmem:v5+s2+$0x0], $0xffff;
	v2 =	vmul.f32 $1.442695020e+00, v2;
	v11 =	vmul.f32 $1.442695020e+00, v11  }
0x36: {  	v3 =	vmul.f32 $1.442695020e+00, v3;
	(erf) = vpow2.f32 v10;
	v10 =	vld [tilespmem:s15+$0x10]  }
0x37: {  	v1 =	vmul.f32 $1.442695020e+00, v1;
	(erf) = vpow2.f32 v2;
	v2 =	vld.idx.msk [tilespmem:v7+s2+$0x0], $0xffff  }
0x38: {  	v9 =	vld.idx.msk [tilespmem:v9+s2+$0x0], $0xffff;
	v7 =	vmul.f32 $1.442695020e+00, v8;
	v8 =	vshll.u32 v4, $0x10;
	(erf) = vpow2.f32 v11  }
0x39: {  	(erf) = vpow2.f32 v3;
	v3 =	vand.u32 $0xFFFF0000, v4;
	v4 =	vmul.f32 $1.442695020e+00, v6  }
0x3a: {  	v14 =	vld [tilespmem:s15+$0x0];
	(erf) = vpow2.f32 v7;
	v7 =	vmul.f32 $1.442695020e+00, v0  }
0x3b: {  	v6 =	vshll.u32 v5, $0x10;
	v0 =	vmul.f32 $1.428571410e+01, v8;
	(erf) = vpow2.f32 v1  }
0x3c: {  	v8 =	vshll.u32 v2, $0x10;
	(erf) = vpow2.f32 v4;
	v11 =	vand.u32 $0xFFFF0000, v2;
	v2 =	vld [tilespmem:s15+$0xFFFFFFF0]  }
0x3d: {  	v6 =	vmul.f32 $1.428571410e+01, v6;
	(erf) = vpow2.f32 v7;
	v7 =	vshll.u32 v9, $0x10  }
0x3e: {  	v5 =	vand.u32 $0xFFFF0000, v5;
	v1 =	vmul.f32 $1.428571410e+01, v3;
	v3 =	vld [tilespmem:s15+$0xFFFFFFE0];
	v15 =	vmul.f32 $1.428571410e+01, v8  }
0x3f: {  	v12 =	vimm.f32 $0.0e+00;
	v4 =	vmul.f32 $1.428571410e+01, v5;
	v6 =	vmul.f32 $1.442695020e+00, v6;
	v5 =	vld.idx.msk [tilespmem:v10+s2+$0x0], $0xffff;
	v13 =	vpop (erf)  }
0x40: {  	v9 =	vand.u32 $0xFFFF0000, v9;
	v8 =	vmul.f32 $1.428571410e+01, v11;
	v16 =	vmul.f32 $1.428571410e+01, v7;
	v7 =	vpop (erf)  }
0x41: {  	v10 =	vmul.f32 $1.428571410e+01, v9;
	v11 =	vadd.f32 v13, v12;
	v13 =	vpop (erf);
	v12 =	vadd.f32 v7, v12  }
0x42: {  	s14 =	simm.s32 $0x8;
	s15 =	simm.s32 $0x190E0;
	v9 =	vmul.f32 $1.442695020e+00, v15;
	v7 =	vld.idx.msk [tilespmem:v14+s2+$0x0], $0xffff;
	v14 =	vmul.f32 $1.442695020e+00, v16;
	v15 =	vpop (erf)  }
.LBB2_2:
0x43: {  	v16 =	vld [tilespmem:s15+$0x10];
	v10 =	vmul.f32 $1.442695020e+00, v10;
	v18 =	vadd.f32 v13, v11;
	v12 =	vadd.f32 v15, v12;
	v13 =	vpop (erf)  }
0x44: {  	v17 =	vshll.u32 v5, $0x10;
	v15 =	vld.idx.msk [tilespmem:v2+s2+$0x0], $0xffff;
	v2 =	vmul.f32 $1.442695020e+00, v8;
	(erf) = vpow2.f32 v14;
	v8 =	vpop (erf)  }
0x45: {  	(erf) = vpow2.f32 v10;
	v10 =	vadd.f32 v13, v18;
	v8 =	vadd.f32 v8, v12;
	v11 =	vpop (erf)  }
0x46: {  	v5 =	vand.u32 $0xFFFF0000, v5;
	v12 =	vld.idx.msk [tilespmem:v3+s2+$0x0], $0xffff;
	v3 =	vmul.f32 $1.442695020e+00, v4;
	(erf) = vpow2.f32 v9;
	v4 =	vpop (erf)  }
0x47: {  	(erf) = vpow2.f32 v2;
	v9 =	vadd.f32 v11, v10;
	v13 =	vadd.f32 v4, v8  }
0x48: {  	v4 =	vshll.u32 v7, $0x10;
	v8 =	vmul.f32 $1.442695020e+00, v0;
	v14 =	vld [tilespmem:s15+$0x0];
	(erf) = vpow2.f32 v6  }
0x49: {  	v6 =	vand.u32 $0xFFFF0000, v7;
	v7 =	vmul.f32 $1.442695020e+00, v1;
	(erf) = vpow2.f32 v3  }
0x4a: {  	s14 =	sadd.s32 $0x4, s14;
	v0 =	vmul.f32 $1.428571410e+01, v17;
	v10 =	vshll.u32 v15, $0x10;
	v2 =	vld [tilespmem:s15+$0xFFFFFFF0];
	(erf) = vpow2.f32 v8  }
0x4b: {  	p0 =	slt.u32 s14, $0xFC;
	v1 =	vmul.f32 $1.428571410e+01, v5;
	v8 =	vand.u32 $0xFFFF0000, v15;
	v3 =	vld [tilespmem:s15+$0xFFFFFFE0];
	(erf) = vpow2.f32 v7  }
.Ltmp0:
0x4c: {  	v11 =	vmul.f32 $1.428571410e+01, v4;
	v4 =	vmul.f32 $1.428571410e+01, v6;
	v17 =	vshll.u32 v12, $0x10;
	v5 =	vld.idx.msk [tilespmem:v16+s2+$0x0], $0xffff;
	(pc) =	sbr.rel @p0 .LBB2_2-.Ltmp0, $4  }
0x4d: {  	v18 =	vmul.f32 $1.428571410e+01, v10;
	v6 =	vand.u32 $0xFFFF0000, v12;
	v8 =	vmul.f32 $1.428571410e+01, v8;
	v12 =	vpop (erf)  }
0x4e: {  	v16 =	vmul.f32 $1.428571410e+01, v17;
	v10 =	vmul.f32 $1.428571410e+01, v6;
	v7 =	vpop (erf)  }
0x4f: {  	v6 =	vmul.f32 $1.442695020e+00, v11;
	v11 =	vadd.f32 v12, v9;
	v12 =	vadd.f32 v7, v13;
	v13 =	vpop (erf)  }
0x50: {  	s15 =	sadd.s32 $0x40, s15;
	v9 =	vmul.f32 $1.442695020e+00, v18;
	v7 =	vld.idx.msk [tilespmem:v14+s2+$0x0], $0xffff;
	v14 =	vmul.f32 $1.442695020e+00, v16;
	v15 =	vpop (erf)  }
0x51: {  	_ = 	snop  }
0x52: {  	v10 =	vmul.f32 $1.442695020e+00, v10  }
0x53: {  	(erf) = vpow2.f32 v14  }
0x54: {  	v8 =	vmul.f32 $1.442695020e+00, v8;
	(erf) = vpow2.f32 v10  }
0x55: {  	v3 =	vld.idx.msk [tilespmem:v3+s2+$0x0], $0xffff;
	v10 =	vadd.f32 v15, v12;
	v12 =	vpop (erf);
	(erf) = vpow2.f32 v9  }
0x56: {  	v11 =	vadd.f32 v13, v11;
	v4 =	vmul.f32 $1.442695020e+00, v4;
	(erf) = vpow2.f32 v8  }
0x57: {  	v13 =	vshll.u32 v5, $0x10;
	v2 =	vld.idx.msk [tilespmem:v2+s2+$0x0], $0xffff;
	v0 =	vmul.f32 $1.442695020e+00, v0;
	(erf) = vpow2.f32 v6  }
0x58: {  	v5 =	vand.u32 $0xFFFF0000, v5;
	v1 =	vmul.f32 $1.442695020e+00, v1;
	(erf) = vpow2.f32 v4  }
0x59: {  	v6 =	vshll.u32 v7, $0x10;
	(erf) = vpow2.f32 v0;
	v0 =	vmul.f32 $1.428571410e+01, v5  }
0x5a: {  	v8 =	vpop (erf);
	(erf) = vpow2.f32 v1;
	v1 =	vshll.u32 v3, $0x10;
	v3 =	vand.u32 $0xFFFF0000, v3  }
0x5b: {  	v8 =	vadd.f32 v8, v10;
	v5 =	vmul.f32 $1.428571410e+01, v6;
	v3 =	vmul.f32 $1.428571410e+01, v3  }
0x5c: {  	v6 =	vshll.u32 v2, $0x10;
	v2 =	vand.u32 $0xFFFF0000, v2;
	v1 =	vmul.f32 $1.428571410e+01, v1  }
0x5d: {  	v9 =	vadd.f32 v12, v11;
	v2 =	vmul.f32 $1.428571410e+01, v2;
	v3 =	vmul.f32 $1.442695020e+00, v3  }
0x5e: {  	v11 =	vpop (erf);
	v4 =	vand.u32 $0xFFFF0000, v7;
	v6 =	vmul.f32 $1.428571410e+01, v6;
	v1 =	vmul.f32 $1.442695020e+00, v1  }
0x5f: {  	v10 =	vpop (erf);
	v9 =	vadd.f32 v11, v9;
	v4 =	vmul.f32 $1.428571410e+01, v4;
	v2 =	vmul.f32 $1.442695020e+00, v2  }
0x60: {  	v6 =	vmul.f32 $1.442695020e+00, v6;
	(erf) = vpow2.f32 v1;
	v1 =	vadd.f32 v10, v8;
	v8 =	vpop (erf)  }
0x61: {  	v4 =	vmul.f32 $1.442695020e+00, v4;
	(erf) = vpow2.f32 v3;
	v8 =	vadd.f32 v8, v9;
	v3 =	vpop (erf)  }
0x62: {  	v5 =	vmul.f32 $1.442695020e+00, v5;
	(erf) = vpow2.f32 v6;
	v1 =	vadd.f32 v3, v1;
	v3 =	vpop (erf)  }
0x63: {  	v7 =	vmul.f32 $1.428571410e+01, v13;
	(erf) = vpow2.f32 v2;
	v2 =	vpop (erf);
	v3 =	vadd.f32 v3, v8  }
0x64: {  	v0 =	vmul.f32 $1.442695020e+00, v0;
	(erf) = vpow2.f32 v5;
	v1 =	vadd.f32 v2, v1;
	v2 =	vpop (erf)  }
0x65: {  	v6 =	vmul.f32 $1.442695020e+00, v7;
	(erf) = vpow2.f32 v4;
	v4 =	vpop (erf)  }
0x66: {  	v2 =	vadd.f32 v2, v3;
	v1 =	vadd.f32 v4, v1  }
0x67: {  	(erf) = vpow2.f32 v6;
	v3 =	vpop (erf)  }
0x68: {  	(erf) = vpow2.f32 v0;
	v2 =	vadd.f32 v3, v2  }
0x69: {  	v0 =	vpop (erf)  }
0x6a: {  	v0 =	vadd.f32 v0, v1;
	v1 =	vpop (erf)  }
0x6b: {  	v3 =	vpop (erf);
	v1 =	vadd.f32 v1, v2  }
0x6c: {  	v0 =	vadd.f32 v3, v0;
	v2 =	vpop (erf)  }
0x6d: {  	v3 =	vpop (erf);
	v1 =	vadd.f32 v2, v1  }
0x6e: {  	v0 =	vadd.f32 v3, v0;
	v2 =	vpop (erf)  }
0x6f: {  	v3 =	vpop (erf);
	v1 =	vadd.f32 v2, v1  }
0x70: {  	v0 =	vadd.f32 v3, v0;
	v2 =	vpop (erf)  }
0x71: {  	s14 =	rddreg [dreg:$0x3];
	v3 =	vpop (erf);
	v1 =	vadd.f32 v2, v1  }
0x72: {  	[tilespmem:s2], [sflag:$0x1] =	stream.strided.gather [hbm4b:s14+s6], $0x19000, s7, s6, $0x38;
	v0 =	vadd.f32 v3, v0;
	[tilespmem:$0x1A100] =	vst v63  }
0x73: {  	[tilespmem:$0x1A000] =	vst v1  }
0x74: {  	s15 =	rddreg [dreg:$0x5];
	[tilespmem:$0x1A080] =	vst v0  }
0x75: {  	[hbm4b:s15+s2] =	stream.linear.scatter [tilespmem:s11], [sflag:$0x2], $0x80, $0x38;
	[tilespmem:$0x1A100] =	vst v63  }
0x76: {  	_ =	swait.ge [sflag:s9], $0x80  }
0x77: {  	[sflag:s9] =	ssyncset.done $0x0  }
0x78: {  	s15 =	rddreg [dreg:$0x6];
	[sflag:s9] =	ssyncadd.s32 $0xFFFFFF80  }
0x79: {  	[hbm4b:s15+s2] =	stream.linear.scatter [tilespmem:s12], [sflag:$0x2], $0x80, $0x38;
	[tilespmem:$0x1A100] =	vst v63  }
0x7a: {  	_ =	swait.ge [sflag:s9], $0x80  }
0x7b: {  	[sflag:s9] =	ssyncset.done $0x0  }
0x7c: {  	s15 =	rddreg [dreg:$0x7];
	[sflag:s9] =	ssyncadd.s32 $0xFFFFFF80  }
0x7d: {  	[tilespmem:s8], [sflag:$0x2] =	stream.strided.gather [hbm4b:s15+s6], $0x1000, s7, s6, $0x38;
	[tilespmem:$0x1A100] =	vst v63  }
0x7e: {  	_ =	swait.ge [sflag:s9], $0x1000  }
0x7f: {  	[sflag:s9] =	ssyncset.done $0x0  }
0x80: {  	[sflag:s9] =	ssyncadd.s32 $0xFFFFF000  }
0x81: {  	_ =	swait.ge [sflag:s10], $0x19000  }
0x82: {  	[sflag:s10] =	ssyncset.done $0x0  }
0x83: {  	s15 =	simm.s32 $0x19020;
	[sflag:s10] =	ssyncadd.s32 $0xFFFE7000  }
0x84: {  	v0 =	vld [tilespmem:s15+$0x10]  }
0x85: {  	v1 =	vld [tilespmem:s15+$0x0]  }
0x86: {  	v2 =	vld [tilespmem:s15+$0xFFFFFFE0]  }
0x87: {  	v3 =	vld [tilespmem:s15+$0xFFFFFFF0];
	_ =	sdelay $0x2  }
0x88: {  	s15 =	simm.s32 $0x19060  }
0x89: {  	v4 =	vld [tilespmem:s15+$0x10]  }
0x8a: {  	v0 =	vld.idx.msk [tilespmem:v0+s2+$0x0], $0xffff  }
0x8b: {  	v1 =	vld.idx.msk [tilespmem:v1+s2+$0x0], $0xffff  }
0x8c: {  	v2 =	vld.idx.msk [tilespmem:v2+s2+$0x0], $0xffff  }
0x8d: {  	v3 =	vld.idx.msk [tilespmem:v3+s2+$0x0], $0xffff  }
0x8e: {  	v5 =	vld [tilespmem:s15+$0x0];
	_ =	sdelay $0x1  }
0x8f: {  	v7 =	vld [tilespmem:s15+$0xFFFFFFF0];
	v6 =	vshll.u32 v0, $0x10;
	v0 =	vand.u32 $0xFFFF0000, v0;
	v8 =	vshll.u32 v1, $0x10  }
0x90: {  	v9 =	vld [tilespmem:s15+$0xFFFFFFE0];
	v10 =	vshll.u32 v2, $0x10;
	v2 =	vand.u32 $0xFFFF0000, v2;
	v6 =	vmul.f32 $1.428571410e+01, v6  }
0x91: {  	v11 =	vshll.u32 v3, $0x10;
	v0 =	vmul.f32 $1.428571410e+01, v0;
	v10 =	vmul.f32 $1.428571410e+01, v10  }
0x92: {  	v3 =	vand.u32 $0xFFFF0000, v3;
	v8 =	vmul.f32 $1.428571410e+01, v8;
	v2 =	vmul.f32 $1.428571410e+01, v2  }
0x93: {  	v4 =	vld.idx.msk [tilespmem:v4+s2+$0x0], $0xffff;
	v1 =	vand.u32 $0xFFFF0000, v1;
	v11 =	vmul.f32 $1.428571410e+01, v11;
	v3 =	vmul.f32 $1.428571410e+01, v3  }
0x94: {  	v1 =	vmul.f32 $1.428571410e+01, v1;
	v10 =	vmul.f32 $1.442695020e+00, v10  }
0x95: {  	s15 =	simm.s32 $0x190A0;
	v5 =	vld.idx.msk [tilespmem:v5+s2+$0x0], $0xffff;
	v2 =	vmul.f32 $1.442695020e+00, v2;
	v11 =	vmul.f32 $1.442695020e+00, v11  }
0x96: {  	v3 =	vmul.f32 $1.442695020e+00, v3;
	(erf) = vpow2.f32 v10;
	v10 =	vld [tilespmem:s15+$0x10]  }
0x97: {  	v1 =	vmul.f32 $1.442695020e+00, v1;
	(erf) = vpow2.f32 v2;
	v2 =	vld.idx.msk [tilespmem:v7+s2+$0x0], $0xffff  }
0x98: {  	v9 =	vld.idx.msk [tilespmem:v9+s2+$0x0], $0xffff;
	v7 =	vmul.f32 $1.442695020e+00, v8;
	v8 =	vshll.u32 v4, $0x10;
	(erf) = vpow2.f32 v11  }
0x99: {  	(erf) = vpow2.f32 v3;
	v3 =	vand.u32 $0xFFFF0000, v4;
	v4 =	vmul.f32 $1.442695020e+00, v6  }
0x9a: {  	v14 =	vld [tilespmem:s15+$0x0];
	(erf) = vpow2.f32 v7;
	v7 =	vmul.f32 $1.442695020e+00, v0  }
0x9b: {  	v6 =	vshll.u32 v5, $0x10;
	v0 =	vmul.f32 $1.428571410e+01, v8;
	(erf) = vpow2.f32 v1  }
0x9c: {  	v8 =	vshll.u32 v2, $0x10;
	(erf) = vpow2.f32 v4;
	v11 =	vand.u32 $0xFFFF0000, v2;
	v2 =	vld [tilespmem:s15+$0xFFFFFFF0]  }
0x9d: {  	v6 =	vmul.f32 $1.428571410e+01, v6;
	(erf) = vpow2.f32 v7;
	v7 =	vshll.u32 v9, $0x10  }
0x9e: {  	v5 =	vand.u32 $0xFFFF0000, v5;
	v1 =	vmul.f32 $1.428571410e+01, v3;
	v3 =	vld [tilespmem:s15+$0xFFFFFFE0];
	v15 =	vmul.f32 $1.428571410e+01, v8  }
0x9f: {  	v12 =	vimm.f32 $0.0e+00;
	v4 =	vmul.f32 $1.428571410e+01, v5;
	v6 =	vmul.f32 $1.442695020e+00, v6;
	v5 =	vld.idx.msk [tilespmem:v10+s2+$0x0], $0xffff;
	v13 =	vpop (erf)  }
0xa0: {  	v9 =	vand.u32 $0xFFFF0000, v9;
	v8 =	vmul.f32 $1.428571410e+01, v11;
	v16 =	vmul.f32 $1.428571410e+01, v7;
	v7 =	vpop (erf)  }
0xa1: {  	v10 =	vmul.f32 $1.428571410e+01, v9;
	v11 =	vadd.f32 v13, v12;
	v13 =	vpop (erf);
	v12 =	vadd.f32 v7, v12  }
0xa2: {  	s14 =	simm.s32 $0x8;
	s15 =	simm.s32 $0x190E0;
	v9 =	vmul.f32 $1.442695020e+00, v15;
	v7 =	vld.idx.msk [tilespmem:v14+s2+$0x0], $0xffff;
	v14 =	vmul.f32 $1.442695020e+00, v16;
	v15 =	vpop (erf)  }
.LBB2_4:
0xa3: {  	v16 =	vld [tilespmem:s15+$0x10];
	v10 =	vmul.f32 $1.442695020e+00, v10;
	v18 =	vadd.f32 v13, v11;
	v12 =	vadd.f32 v15, v12;
	v13 =	vpop (erf)  }
0xa4: {  	v17 =	vshll.u32 v5, $0x10;
	v15 =	vld.idx.msk [tilespmem:v2+s2+$0x0], $0xffff;
	v2 =	vmul.f32 $1.442695020e+00, v8;
	(erf) = vpow2.f32 v14;
	v8 =	vpop (erf)  }
0xa5: {  	(erf) = vpow2.f32 v10;
	v10 =	vadd.f32 v13, v18;
	v8 =	vadd.f32 v8, v12;
	v11 =	vpop (erf)  }
0xa6: {  	v5 =	vand.u32 $0xFFFF0000, v5;
	v12 =	vld.idx.msk [tilespmem:v3+s2+$0x0], $0xffff;
	v3 =	vmul.f32 $1.442695020e+00, v4;
	(erf) = vpow2.f32 v9;
	v4 =	vpop (erf)  }
0xa7: {  	(erf) = vpow2.f32 v2;
	v9 =	vadd.f32 v11, v10;
	v13 =	vadd.f32 v4, v8  }
0xa8: {  	v4 =	vshll.u32 v7, $0x10;
	v8 =	vmul.f32 $1.442695020e+00, v0;
	v14 =	vld [tilespmem:s15+$0x0];
	(erf) = vpow2.f32 v6  }
0xa9: {  	v6 =	vand.u32 $0xFFFF0000, v7;
	v7 =	vmul.f32 $1.442695020e+00, v1;
	(erf) = vpow2.f32 v3  }
0xaa: {  	s14 =	sadd.s32 $0x4, s14;
	v0 =	vmul.f32 $1.428571410e+01, v17;
	v10 =	vshll.u32 v15, $0x10;
	v2 =	vld [tilespmem:s15+$0xFFFFFFF0];
	(erf) = vpow2.f32 v8  }
0xab: {  	p0 =	slt.u32 s14, $0xFC;
	v1 =	vmul.f32 $1.428571410e+01, v5;
	v8 =	vand.u32 $0xFFFF0000, v15;
	v3 =	vld [tilespmem:s15+$0xFFFFFFE0];
	(erf) = vpow2.f32 v7  }
.Ltmp1:
0xac: {  	v11 =	vmul.f32 $1.428571410e+01, v4;
	v4 =	vmul.f32 $1.428571410e+01, v6;
	v17 =	vshll.u32 v12, $0x10;
	v5 =	vld.idx.msk [tilespmem:v16+s2+$0x0], $0xffff;
	(pc) =	sbr.rel @p0 .LBB2_4-.Ltmp1, $4  }
0xad: {  	v18 =	vmul.f32 $1.428571410e+01, v10;
	v6 =	vand.u32 $0xFFFF0000, v12;
	v8 =	vmul.f32 $1.428571410e+01, v8;
	v12 =	vpop (erf)  }
0xae: {  	v16 =	vmul.f32 $1.428571410e+01, v17;
	v10 =	vmul.f32 $1.428571410e+01, v6;
	v7 =	vpop (erf)  }
0xaf: {  	v6 =	vmul.f32 $1.442695020e+00, v11;
	v11 =	vadd.f32 v12, v9;
	v12 =	vadd.f32 v7, v13;
	v13 =	vpop (erf)  }
0xb0: {  	s15 =	sadd.s32 $0x40, s15;
	v9 =	vmul.f32 $1.442695020e+00, v18;
	v7 =	vld.idx.msk [tilespmem:v14+s2+$0x0], $0xffff;
	v14 =	vmul.f32 $1.442695020e+00, v16;
	v15 =	vpop (erf)  }
0xb1: {  	_ = 	snop  }
0xb2: {  	v10 =	vmul.f32 $1.442695020e+00, v10  }
0xb3: {  	(erf) = vpow2.f32 v14  }
0xb4: {  	v8 =	vmul.f32 $1.442695020e+00, v8;
	(erf) = vpow2.f32 v10  }
0xb5: {  	v3 =	vld.idx.msk [tilespmem:v3+s2+$0x0], $0xffff;
	v10 =	vadd.f32 v15, v12;
	v12 =	vpop (erf);
	(erf) = vpow2.f32 v9  }
0xb6: {  	v11 =	vadd.f32 v13, v11;
	v4 =	vmul.f32 $1.442695020e+00, v4;
	(erf) = vpow2.f32 v8  }
0xb7: {  	v13 =	vshll.u32 v5, $0x10;
	v2 =	vld.idx.msk [tilespmem:v2+s2+$0x0], $0xffff;
	v0 =	vmul.f32 $1.442695020e+00, v0;
	(erf) = vpow2.f32 v6  }
0xb8: {  	v5 =	vand.u32 $0xFFFF0000, v5;
	v1 =	vmul.f32 $1.442695020e+00, v1;
	(erf) = vpow2.f32 v4  }
0xb9: {  	v6 =	vshll.u32 v7, $0x10;
	(erf) = vpow2.f32 v0;
	v0 =	vmul.f32 $1.428571410e+01, v5  }
0xba: {  	v8 =	vpop (erf);
	(erf) = vpow2.f32 v1;
	v1 =	vshll.u32 v3, $0x10;
	v3 =	vand.u32 $0xFFFF0000, v3  }
0xbb: {  	v8 =	vadd.f32 v8, v10;
	v5 =	vmul.f32 $1.428571410e+01, v6;
	v3 =	vmul.f32 $1.428571410e+01, v3  }
0xbc: {  	v6 =	vshll.u32 v2, $0x10;
	v2 =	vand.u32 $0xFFFF0000, v2;
	v1 =	vmul.f32 $1.428571410e+01, v1  }
0xbd: {  	v9 =	vadd.f32 v12, v11;
	v2 =	vmul.f32 $1.428571410e+01, v2;
	v3 =	vmul.f32 $1.442695020e+00, v3  }
0xbe: {  	v11 =	vpop (erf);
	v4 =	vand.u32 $0xFFFF0000, v7;
	v6 =	vmul.f32 $1.428571410e+01, v6;
	v1 =	vmul.f32 $1.442695020e+00, v1  }
0xbf: {  	v10 =	vpop (erf);
	v9 =	vadd.f32 v11, v9;
	v4 =	vmul.f32 $1.428571410e+01, v4;
	v2 =	vmul.f32 $1.442695020e+00, v2  }
0xc0: {  	v6 =	vmul.f32 $1.442695020e+00, v6;
	(erf) = vpow2.f32 v1;
	v1 =	vadd.f32 v10, v8;
	v8 =	vpop (erf)  }
0xc1: {  	v4 =	vmul.f32 $1.442695020e+00, v4;
	(erf) = vpow2.f32 v3;
	v8 =	vadd.f32 v8, v9;
	v3 =	vpop (erf)  }
0xc2: {  	v5 =	vmul.f32 $1.442695020e+00, v5;
	(erf) = vpow2.f32 v6;
	v1 =	vadd.f32 v3, v1;
	v3 =	vpop (erf)  }
0xc3: {  	v7 =	vmul.f32 $1.428571410e+01, v13;
	(erf) = vpow2.f32 v2;
	v2 =	vpop (erf);
	v3 =	vadd.f32 v3, v8  }
0xc4: {  	v0 =	vmul.f32 $1.442695020e+00, v0;
	(erf) = vpow2.f32 v5;
	v1 =	vadd.f32 v2, v1;
	v2 =	vpop (erf)  }
0xc5: {  	v6 =	vmul.f32 $1.442695020e+00, v7;
	(erf) = vpow2.f32 v4;
	v4 =	vpop (erf)  }
0xc6: {  	v2 =	vadd.f32 v2, v3;
	v1 =	vadd.f32 v4, v1  }
0xc7: {  	(erf) = vpow2.f32 v6;
	v3 =	vpop (erf)  }
0xc8: {  	(erf) = vpow2.f32 v0;
	v2 =	vadd.f32 v3, v2  }
0xc9: {  	v0 =	vpop (erf)  }
0xca: {  	v0 =	vadd.f32 v0, v1;
	v1 =	vpop (erf)  }
0xcb: {  	v3 =	vpop (erf);
	v1 =	vadd.f32 v1, v2  }
0xcc: {  	v0 =	vadd.f32 v3, v0;
	v2 =	vpop (erf)  }
0xcd: {  	v3 =	vpop (erf);
	v1 =	vadd.f32 v2, v1  }
0xce: {  	v0 =	vadd.f32 v3, v0;
	v2 =	vpop (erf)  }
0xcf: {  	v3 =	vpop (erf);
	v1 =	vadd.f32 v2, v1  }
0xd0: {  	v0 =	vadd.f32 v3, v0;
	v2 =	vpop (erf)  }
0xd1: {  	s14 =	rddreg [dreg:$0x8];
	v3 =	vpop (erf);
	v1 =	vadd.f32 v2, v1  }
0xd2: {  	[tilespmem:s2], [sflag:$0x1] =	stream.strided.gather [hbm4b:s14+s6], $0x19000, s7, s6, $0x38;
	v0 =	vadd.f32 v3, v0;
	[tilespmem:$0x1A100] =	vst v63  }
0xd3: {  	[tilespmem:$0x1A000] =	vst v1  }
0xd4: {  	s15 =	rddreg [dreg:$0x9];
	[tilespmem:$0x1A080] =	vst v0  }
0xd5: {  	[hbm4b:s15+s2] =	stream.linear.scatter [tilespmem:s11], [sflag:$0x2], $0x80, $0x38;
	[tilespmem:$0x1A100] =	vst v63  }
0xd6: {  	_ =	swait.ge [sflag:s9], $0x80  }
0xd7: {  	[sflag:s9] =	ssyncset.done $0x0  }
0xd8: {  	s15 =	rddreg [dreg:$0xa];
	[sflag:s9] =	ssyncadd.s32 $0xFFFFFF80  }
0xd9: {  	[hbm4b:s15+s2] =	stream.linear.scatter [tilespmem:s12], [sflag:$0x2], $0x80, $0x38;
	[tilespmem:$0x1A100] =	vst v63  }
0xda: {  	_ =	swait.ge [sflag:s9], $0x80  }
0xdb: {  	[sflag:s9] =	ssyncset.done $0x0  }
0xdc: {  	s15 =	rddreg [dreg:$0xb];
	[sflag:s9] =	ssyncadd.s32 $0xFFFFFF80  }
0xdd: {  	[tilespmem:s8], [sflag:$0x2] =	stream.strided.gather [hbm4b:s15+s6], $0x1000, s7, s6, $0x38;
	[tilespmem:$0x1A100] =	vst v63  }
0xde: {  	_ =	swait.ge [sflag:s9], $0x1000  }
0xdf: {  	[sflag:s9] =	ssyncset.done $0x0  }
0xe0: {  	[sflag:s9] =	ssyncadd.s32 $0xFFFFF000  }
0xe1: {  	_ =	swait.ge [sflag:s10], $0x19000  }
0xe2: {  	[sflag:s10] =	ssyncset.done $0x0  }
0xe3: {  	s15 =	simm.s32 $0x19020;
	[sflag:s10] =	ssyncadd.s32 $0xFFFE7000  }
0xe4: {  	v0 =	vld [tilespmem:s15+$0x10]  }
0xe5: {  	v1 =	vld [tilespmem:s15+$0x0]  }
0xe6: {  	v2 =	vld [tilespmem:s15+$0xFFFFFFE0]  }
0xe7: {  	v3 =	vld [tilespmem:s15+$0xFFFFFFF0];
	_ =	sdelay $0x2  }
0xe8: {  	s15 =	simm.s32 $0x19060  }
0xe9: {  	v4 =	vld [tilespmem:s15+$0x10]  }
0xea: {  	v0 =	vld.idx.msk [tilespmem:v0+s2+$0x0], $0xffff  }
0xeb: {  	v1 =	vld.idx.msk [tilespmem:v1+s2+$0x0], $0xffff  }
0xec: {  	v2 =	vld.idx.msk [tilespmem:v2+s2+$0x0], $0xffff  }
0xed: {  	v3 =	vld.idx.msk [tilespmem:v3+s2+$0x0], $0xffff  }
0xee: {  	v5 =	vld [tilespmem:s15+$0x0];
	_ =	sdelay $0x1  }
0xef: {  	v7 =	vld [tilespmem:s15+$0xFFFFFFF0];
	v6 =	vshll.u32 v0, $0x10;
	v0 =	vand.u32 $0xFFFF0000, v0;
	v8 =	vshll.u32 v1, $0x10  }
0xf0: {  	v9 =	vld [tilespmem:s15+$0xFFFFFFE0];
	v10 =	vshll.u32 v2, $0x10;
	v2 =	vand.u32 $0xFFFF0000, v2;
	v6 =	vmul.f32 $1.428571410e+01, v6  }
0xf1: {  	v11 =	vshll.u32 v3, $0x10;
	v0 =	vmul.f32 $1.428571410e+01, v0;
	v10 =	vmul.f32 $1.428571410e+01, v10  }
0xf2: {  	v3 =	vand.u32 $0xFFFF0000, v3;
	v8 =	vmul.f32 $1.428571410e+01, v8;
	v2 =	vmul.f32 $1.428571410e+01, v2  }
0xf3: {  	v4 =	vld.idx.msk [tilespmem:v4+s2+$0x0], $0xffff;
	v1 =	vand.u32 $0xFFFF0000, v1;
	v11 =	vmul.f32 $1.428571410e+01, v11;
	v3 =	vmul.f32 $1.428571410e+01, v3  }
0xf4: {  	v1 =	vmul.f32 $1.428571410e+01, v1;
	v10 =	vmul.f32 $1.442695020e+00, v10  }
0xf5: {  	s15 =	simm.s32 $0x190A0;
	v5 =	vld.idx.msk [tilespmem:v5+s2+$0x0], $0xffff;
	v2 =	vmul.f32 $1.442695020e+00, v2;
	v11 =	vmul.f32 $1.442695020e+00, v11  }
0xf6: {  	v3 =	vmul.f32 $1.442695020e+00, v3;
	(erf) = vpow2.f32 v10;
	v10 =	vld [tilespmem:s15+$0x10]  }
0xf7: {  	v1 =	vmul.f32 $1.442695020e+00, v1;
	(erf) = vpow2.f32 v2;
	v2 =	vld.idx.msk [tilespmem:v7+s2+$0x0], $0xffff  }
0xf8: {  	v9 =	vld.idx.msk [tilespmem:v9+s2+$0x0], $0xffff;
	v7 =	vmul.f32 $1.442695020e+00, v8;
	v8 =	vshll.u32 v4, $0x10;
	(erf) = vpow2.f32 v11  }
0xf9: {  	(erf) = vpow2.f32 v3;
	v3 =	vand.u32 $0xFFFF0000, v4;
	v4 =	vmul.f32 $1.442695020e+00, v6  }
0xfa: {  	v14 =	vld [tilespmem:s15+$0x0];
	(erf) = vpow2.f32 v7;
	v7 =	vmul.f32 $1.442695020e+00, v0  }
0xfb: {  	v6 =	vshll.u32 v5, $0x10;
	v0 =	vmul.f32 $1.428571410e+01, v8;
	(erf) = vpow2.f32 v1  }
0xfc: {  	v8 =	vshll.u32 v2, $0x10;
	(erf) = vpow2.f32 v4;
	v11 =	vand.u32 $0xFFFF0000, v2;
	v2 =	vld [tilespmem:s15+$0xFFFFFFF0]  }
0xfd: {  	v6 =	vmul.f32 $1.428571410e+01, v6;
	(erf) = vpow2.f32 v7;
	v7 =	vshll.u32 v9, $0x10  }
0xfe: {  	v5 =	vand.u32 $0xFFFF0000, v5;
	v1 =	vmul.f32 $1.428571410e+01, v3;
	v3 =	vld [tilespmem:s15+$0xFFFFFFE0];
	v15 =	vmul.f32 $1.428571410e+01, v8  }
0xff: {  	v12 =	vimm.f32 $0.0e+00;
	v4 =	vmul.f32 $1.428571410e+01, v5;
	v6 =	vmul.f32 $1.442695020e+00, v6;
	v5 =	vld.idx.msk [tilespmem:v10+s2+$0x0], $0xffff;
	v13 =	vpop (erf)  }
0x100: {  	v9 =	vand.u32 $0xFFFF0000, v9;
	v8 =	vmul.f32 $1.428571410e+01, v11;
	v16 =	vmul.f32 $1.428571410e+01, v7;
	v7 =	vpop (erf)  }
0x101: {  	v10 =	vmul.f32 $1.428571410e+01, v9;
	v11 =	vadd.f32 v13, v12;
	v13 =	vpop (erf);
	v12 =	vadd.f32 v7, v12  }
0x102: {  	s14 =	simm.s32 $0x8;
	s15 =	simm.s32 $0x190E0;
	v9 =	vmul.f32 $1.442695020e+00, v15;
	v7 =	vld.idx.msk [tilespmem:v14+s2+$0x0], $0xffff;
	v14 =	vmul.f32 $1.442695020e+00, v16;
	v15 =	vpop (erf)  }
.LBB2_6:
0x103: {  	v16 =	vld [tilespmem:s15+$0x10];
	v10 =	vmul.f32 $1.442695020e+00, v10;
	v18 =	vadd.f32 v13, v11;
	v12 =	vadd.f32 v15, v12;
	v13 =	vpop (erf)  }
0x104: {  	v17 =	vshll.u32 v5, $0x10;
	v15 =	vld.idx.msk [tilespmem:v2+s2+$0x0], $0xffff;
	v2 =	vmul.f32 $1.442695020e+00, v8;
	(erf) = vpow2.f32 v14;
	v8 =	vpop (erf)  }
0x105: {  	(erf) = vpow2.f32 v10;
	v10 =	vadd.f32 v13, v18;
	v8 =	vadd.f32 v8, v12;
	v11 =	vpop (erf)  }
0x106: {  	v5 =	vand.u32 $0xFFFF0000, v5;
	v12 =	vld.idx.msk [tilespmem:v3+s2+$0x0], $0xffff;
	v3 =	vmul.f32 $1.442695020e+00, v4;
	(erf) = vpow2.f32 v9;
	v4 =	vpop (erf)  }
0x107: {  	(erf) = vpow2.f32 v2;
	v9 =	vadd.f32 v11, v10;
	v13 =	vadd.f32 v4, v8  }
0x108: {  	v4 =	vshll.u32 v7, $0x10;
	v8 =	vmul.f32 $1.442695020e+00, v0;
	v14 =	vld [tilespmem:s15+$0x0];
	(erf) = vpow2.f32 v6  }
0x109: {  	v6 =	vand.u32 $0xFFFF0000, v7;
	v7 =	vmul.f32 $1.442695020e+00, v1;
	(erf) = vpow2.f32 v3  }
0x10a: {  	s14 =	sadd.s32 $0x4, s14;
	v0 =	vmul.f32 $1.428571410e+01, v17;
	v10 =	vshll.u32 v15, $0x10;
	v2 =	vld [tilespmem:s15+$0xFFFFFFF0];
	(erf) = vpow2.f32 v8  }
0x10b: {  	p0 =	slt.u32 s14, $0xFC;
	v1 =	vmul.f32 $1.428571410e+01, v5;
	v8 =	vand.u32 $0xFFFF0000, v15;
	v3 =	vld [tilespmem:s15+$0xFFFFFFE0];
	(erf) = vpow2.f32 v7  }
.Ltmp2:
0x10c: {  	v11 =	vmul.f32 $1.428571410e+01, v4;
	v4 =	vmul.f32 $1.428571410e+01, v6;
	v17 =	vshll.u32 v12, $0x10;
	v5 =	vld.idx.msk [tilespmem:v16+s2+$0x0], $0xffff;
	(pc) =	sbr.rel @p0 .LBB2_6-.Ltmp2, $4  }
0x10d: {  	v18 =	vmul.f32 $1.428571410e+01, v10;
	v6 =	vand.u32 $0xFFFF0000, v12;
	v8 =	vmul.f32 $1.428571410e+01, v8;
	v12 =	vpop (erf)  }
0x10e: {  	v16 =	vmul.f32 $1.428571410e+01, v17;
	v10 =	vmul.f32 $1.428571410e+01, v6;
	v7 =	vpop (erf)  }
0x10f: {  	v6 =	vmul.f32 $1.442695020e+00, v11;
	v11 =	vadd.f32 v12, v9;
	v12 =	vadd.f32 v7, v13;
	v13 =	vpop (erf)  }
0x110: {  	s15 =	sadd.s32 $0x40, s15;
	v9 =	vmul.f32 $1.442695020e+00, v18;
	v7 =	vld.idx.msk [tilespmem:v14+s2+$0x0], $0xffff;
	v14 =	vmul.f32 $1.442695020e+00, v16;
	v15 =	vpop (erf)  }
0x111: {  	_ = 	snop  }
0x112: {  	v10 =	vmul.f32 $1.442695020e+00, v10  }
0x113: {  	(erf) = vpow2.f32 v14  }
0x114: {  	v8 =	vmul.f32 $1.442695020e+00, v8;
	(erf) = vpow2.f32 v10  }
0x115: {  	v3 =	vld.idx.msk [tilespmem:v3+s2+$0x0], $0xffff;
	v10 =	vadd.f32 v15, v12;
	v12 =	vpop (erf);
	(erf) = vpow2.f32 v9  }
0x116: {  	v11 =	vadd.f32 v13, v11;
	v4 =	vmul.f32 $1.442695020e+00, v4;
	(erf) = vpow2.f32 v8  }
0x117: {  	v13 =	vshll.u32 v5, $0x10;
	v2 =	vld.idx.msk [tilespmem:v2+s2+$0x0], $0xffff;
	v0 =	vmul.f32 $1.442695020e+00, v0;
	(erf) = vpow2.f32 v6  }
0x118: {  	v5 =	vand.u32 $0xFFFF0000, v5;
	v1 =	vmul.f32 $1.442695020e+00, v1;
	(erf) = vpow2.f32 v4  }
0x119: {  	v6 =	vshll.u32 v7, $0x10;
	(erf) = vpow2.f32 v0;
	v0 =	vmul.f32 $1.428571410e+01, v5  }
0x11a: {  	v8 =	vpop (erf);
	(erf) = vpow2.f32 v1;
	v1 =	vshll.u32 v3, $0x10;
	v3 =	vand.u32 $0xFFFF0000, v3  }
0x11b: {  	v8 =	vadd.f32 v8, v10;
	v5 =	vmul.f32 $1.428571410e+01, v6;
	v3 =	vmul.f32 $1.428571410e+01, v3  }
0x11c: {  	v6 =	vshll.u32 v2, $0x10;
	v2 =	vand.u32 $0xFFFF0000, v2;
	v1 =	vmul.f32 $1.428571410e+01, v1  }
0x11d: {  	v9 =	vadd.f32 v12, v11;
	v2 =	vmul.f32 $1.428571410e+01, v2;
	v3 =	vmul.f32 $1.442695020e+00, v3  }
0x11e: {  	v11 =	vpop (erf);
	v4 =	vand.u32 $0xFFFF0000, v7;
	v6 =	vmul.f32 $1.428571410e+01, v6;
	v1 =	vmul.f32 $1.442695020e+00, v1  }
0x11f: {  	v10 =	vpop (erf);
	v9 =	vadd.f32 v11, v9;
	v4 =	vmul.f32 $1.428571410e+01, v4;
	v2 =	vmul.f32 $1.442695020e+00, v2  }
0x120: {  	v6 =	vmul.f32 $1.442695020e+00, v6;
	(erf) = vpow2.f32 v1;
	v1 =	vadd.f32 v10, v8;
	v8 =	vpop (erf)  }
0x121: {  	v4 =	vmul.f32 $1.442695020e+00, v4;
	(erf) = vpow2.f32 v3;
	v8 =	vadd.f32 v8, v9;
	v3 =	vpop (erf)  }
0x122: {  	v5 =	vmul.f32 $1.442695020e+00, v5;
	(erf) = vpow2.f32 v6;
	v1 =	vadd.f32 v3, v1;
	v3 =	vpop (erf)  }
0x123: {  	v7 =	vmul.f32 $1.428571410e+01, v13;
	(erf) = vpow2.f32 v2;
	v2 =	vpop (erf);
	v3 =	vadd.f32 v3, v8  }
0x124: {  	v0 =	vmul.f32 $1.442695020e+00, v0;
	(erf) = vpow2.f32 v5;
	v1 =	vadd.f32 v2, v1;
	v2 =	vpop (erf)  }
0x125: {  	v6 =	vmul.f32 $1.442695020e+00, v7;
	(erf) = vpow2.f32 v4;
	v4 =	vpop (erf)  }
0x126: {  	v2 =	vadd.f32 v2, v3;
	v1 =	vadd.f32 v4, v1  }
0x127: {  	(erf) = vpow2.f32 v6;
	v3 =	vpop (erf)  }
0x128: {  	(erf) = vpow2.f32 v0;
	v2 =	vadd.f32 v3, v2  }
0x129: {  	v0 =	vpop (erf)  }
0x12a: {  	v0 =	vadd.f32 v0, v1;
	v1 =	vpop (erf)  }
0x12b: {  	v3 =	vpop (erf);
	v1 =	vadd.f32 v1, v2  }
0x12c: {  	v0 =	vadd.f32 v3, v0;
	v2 =	vpop (erf)  }
0x12d: {  	v3 =	vpop (erf);
	v1 =	vadd.f32 v2, v1  }
0x12e: {  	v0 =	vadd.f32 v3, v0;
	v2 =	vpop (erf)  }
0x12f: {  	v3 =	vpop (erf);
	v1 =	vadd.f32 v2, v1  }
0x130: {  	v0 =	vadd.f32 v3, v0;
	v2 =	vpop (erf)  }
0x131: {  	s14 =	rddreg [dreg:$0xd];
	v3 =	vpop (erf);
	v1 =	vadd.f32 v2, v1  }
0x132: {  	[tilespmem:s2], [sflag:$0x1] =	stream.strided.gather [hbm4b:s14+s6], $0x19000, s7, s6, $0x38;
	v0 =	vadd.f32 v3, v0;
	[tilespmem:$0x1A100] =	vst v63  }
0x133: {  	[tilespmem:$0x1A000] =	vst v1  }
0x134: {  	s15 =	rddreg [dreg:$0xc];
	[tilespmem:$0x1A080] =	vst v0  }
0x135: {  	[hbm4b:s15+s2] =	stream.linear.scatter [tilespmem:s11], [sflag:$0x2], $0x80, $0x38;
	[tilespmem:$0x1A100] =	vst v63  }
0x136: {  	_ =	swait.ge [sflag:s9], $0x80  }
0x137: {  	[sflag:s9] =	ssyncset.done $0x0  }
0x138: {  	s15 =	rddreg [dreg:$0xe];
	[sflag:s9] =	ssyncadd.s32 $0xFFFFFF80  }
0x139: {  	[hbm4b:s15+s2] =	stream.linear.scatter [tilespmem:s12], [sflag:$0x2], $0x80, $0x38;
	[tilespmem:$0x1A100] =	vst v63  }
0x13a: {  	_ =	swait.ge [sflag:s9], $0x80  }
0x13b: {  	[sflag:s9] =	ssyncset.done $0x0  }
0x13c: {  	[sflag:s9] =	ssyncadd.s32 $0xFFFFFF80  }
0x13d: {  	[tilespmem:s8], [sflag:$0x2] =	stream.strided.gather [hbm4b:s17+s6], $0x1000, s7, s6, $0x38;
	[tilespmem:$0x1A100] =	vst v63  }
0x13e: {  	_ =	swait.ge [sflag:s9], $0x1000  }
0x13f: {  	[sflag:s9] =	ssyncset.done $0x0  }
0x140: {  	[sflag:s9] =	ssyncadd.s32 $0xFFFFF000  }
0x141: {  	_ =	swait.ge [sflag:s10], $0x19000  }
0x142: {  	[sflag:s10] =	ssyncset.done $0x0  }
0x143: {  	s15 =	simm.s32 $0x19020;
	[sflag:s10] =	ssyncadd.s32 $0xFFFE7000  }
0x144: {  	v0 =	vld [tilespmem:s15+$0x10]  }
0x145: {  	v1 =	vld [tilespmem:s15+$0x0]  }
0x146: {  	v2 =	vld [tilespmem:s15+$0xFFFFFFE0]  }
0x147: {  	v3 =	vld [tilespmem:s15+$0xFFFFFFF0];
	_ =	sdelay $0x2  }
0x148: {  	s15 =	simm.s32 $0x19060  }
0x149: {  	v4 =	vld [tilespmem:s15+$0x10]  }
0x14a: {  	v0 =	vld.idx.msk [tilespmem:v0+s2+$0x0], $0xffff  }
0x14b: {  	v1 =	vld.idx.msk [tilespmem:v1+s2+$0x0], $0xffff  }
0x14c: {  	v2 =	vld.idx.msk [tilespmem:v2+s2+$0x0], $0xffff  }
0x14d: {  	v3 =	vld.idx.msk [tilespmem:v3+s2+$0x0], $0xffff  }
0x14e: {  	v5 =	vld [tilespmem:s15+$0x0];
	_ =	sdelay $0x1  }
0x14f: {  	v7 =	vld [tilespmem:s15+$0xFFFFFFF0];
	v6 =	vshll.u32 v0, $0x10;
	v0 =	vand.u32 $0xFFFF0000, v0;
	v8 =	vshll.u32 v1, $0x10  }
0x150: {  	v9 =	vld [tilespmem:s15+$0xFFFFFFE0];
	v10 =	vshll.u32 v2, $0x10;
	v2 =	vand.u32 $0xFFFF0000, v2;
	v6 =	vmul.f32 $1.428571410e+01, v6  }
0x151: {  	v11 =	vshll.u32 v3, $0x10;
	v0 =	vmul.f32 $1.428571410e+01, v0;
	v10 =	vmul.f32 $1.428571410e+01, v10  }
0x152: {  	v3 =	vand.u32 $0xFFFF0000, v3;
	v8 =	vmul.f32 $1.428571410e+01, v8;
	v2 =	vmul.f32 $1.428571410e+01, v2  }
0x153: {  	v4 =	vld.idx.msk [tilespmem:v4+s2+$0x0], $0xffff;
	v1 =	vand.u32 $0xFFFF0000, v1;
	v11 =	vmul.f32 $1.428571410e+01, v11;
	v3 =	vmul.f32 $1.428571410e+01, v3  }
0x154: {  	v1 =	vmul.f32 $1.428571410e+01, v1;
	v10 =	vmul.f32 $1.442695020e+00, v10  }
0x155: {  	s15 =	simm.s32 $0x190A0;
	v5 =	vld.idx.msk [tilespmem:v5+s2+$0x0], $0xffff;
	v2 =	vmul.f32 $1.442695020e+00, v2;
	v11 =	vmul.f32 $1.442695020e+00, v11  }
0x156: {  	v3 =	vmul.f32 $1.442695020e+00, v3;
	(erf) = vpow2.f32 v10;
	v10 =	vld [tilespmem:s15+$0x10]  }
0x157: {  	v1 =	vmul.f32 $1.442695020e+00, v1;
	(erf) = vpow2.f32 v2;
	v2 =	vld.idx.msk [tilespmem:v7+s2+$0x0], $0xffff  }
0x158: {  	v9 =	vld.idx.msk [tilespmem:v9+s2+$0x0], $0xffff;
	v7 =	vmul.f32 $1.442695020e+00, v8;
	v8 =	vshll.u32 v4, $0x10;
	(erf) = vpow2.f32 v11  }
0x159: {  	(erf) = vpow2.f32 v3;
	v3 =	vand.u32 $0xFFFF0000, v4;
	v4 =	vmul.f32 $1.442695020e+00, v6  }
0x15a: {  	v14 =	vld [tilespmem:s15+$0x0];
	(erf) = vpow2.f32 v7;
	v7 =	vmul.f32 $1.442695020e+00, v0  }
0x15b: {  	v6 =	vshll.u32 v5, $0x10;
	v0 =	vmul.f32 $1.428571410e+01, v8;
	(erf) = vpow2.f32 v1  }
0x15c: {  	v8 =	vshll.u32 v2, $0x10;
	(erf) = vpow2.f32 v4;
	v11 =	vand.u32 $0xFFFF0000, v2;
	v2 =	vld [tilespmem:s15+$0xFFFFFFF0]  }
0x15d: {  	v6 =	vmul.f32 $1.428571410e+01, v6;
	(erf) = vpow2.f32 v7;
	v7 =	vshll.u32 v9, $0x10  }
0x15e: {  	v5 =	vand.u32 $0xFFFF0000, v5;
	v1 =	vmul.f32 $1.428571410e+01, v3;
	v3 =	vld [tilespmem:s15+$0xFFFFFFE0];
	v15 =	vmul.f32 $1.428571410e+01, v8  }
0x15f: {  	v12 =	vimm.f32 $0.0e+00;
	v4 =	vmul.f32 $1.428571410e+01, v5;
	v6 =	vmul.f32 $1.442695020e+00, v6;
	v5 =	vld.idx.msk [tilespmem:v10+s2+$0x0], $0xffff;
	v13 =	vpop (erf)  }
0x160: {  	v9 =	vand.u32 $0xFFFF0000, v9;
	v8 =	vmul.f32 $1.428571410e+01, v11;
	v16 =	vmul.f32 $1.428571410e+01, v7;
	v7 =	vpop (erf)  }
0x161: {  	v10 =	vmul.f32 $1.428571410e+01, v9;
	v11 =	vadd.f32 v13, v12;
	v13 =	vpop (erf);
	v12 =	vadd.f32 v7, v12  }
0x162: {  	s14 =	simm.s32 $0x8;
	s15 =	simm.s32 $0x190E0;
	v9 =	vmul.f32 $1.442695020e+00, v15;
	v7 =	vld.idx.msk [tilespmem:v14+s2+$0x0], $0xffff;
	v14 =	vmul.f32 $1.442695020e+00, v16;
	v15 =	vpop (erf)  }
.LBB2_8:
0x163: {  	v16 =	vld [tilespmem:s15+$0x10];
	v10 =	vmul.f32 $1.442695020e+00, v10;
	v18 =	vadd.f32 v13, v11;
	v12 =	vadd.f32 v15, v12;
	v13 =	vpop (erf)  }
0x164: {  	v17 =	vshll.u32 v5, $0x10;
	v15 =	vld.idx.msk [tilespmem:v2+s2+$0x0], $0xffff;
	v2 =	vmul.f32 $1.442695020e+00, v8;
	(erf) = vpow2.f32 v14;
	v8 =	vpop (erf)  }
0x165: {  	(erf) = vpow2.f32 v10;
	v10 =	vadd.f32 v13, v18;
	v8 =	vadd.f32 v8, v12;
	v11 =	vpop (erf)  }
0x166: {  	v5 =	vand.u32 $0xFFFF0000, v5;
	v12 =	vld.idx.msk [tilespmem:v3+s2+$0x0], $0xffff;
	v3 =	vmul.f32 $1.442695020e+00, v4;
	(erf) = vpow2.f32 v9;
	v4 =	vpop (erf)  }
0x167: {  	(erf) = vpow2.f32 v2;
	v9 =	vadd.f32 v11, v10;
	v13 =	vadd.f32 v4, v8  }
0x168: {  	v4 =	vshll.u32 v7, $0x10;
	v8 =	vmul.f32 $1.442695020e+00, v0;
	v14 =	vld [tilespmem:s15+$0x0];
	(erf) = vpow2.f32 v6  }
0x169: {  	v6 =	vand.u32 $0xFFFF0000, v7;
	v7 =	vmul.f32 $1.442695020e+00, v1;
	(erf) = vpow2.f32 v3  }
0x16a: {  	s14 =	sadd.s32 $0x4, s14;
	v0 =	vmul.f32 $1.428571410e+01, v17;
	v10 =	vshll.u32 v15, $0x10;
	v2 =	vld [tilespmem:s15+$0xFFFFFFF0];
	(erf) = vpow2.f32 v8  }
0x16b: {  	p0 =	slt.u32 s14, $0xFC;
	v1 =	vmul.f32 $1.428571410e+01, v5;
	v8 =	vand.u32 $0xFFFF0000, v15;
	v3 =	vld [tilespmem:s15+$0xFFFFFFE0];
	(erf) = vpow2.f32 v7  }
.Ltmp3:
0x16c: {  	v11 =	vmul.f32 $1.428571410e+01, v4;
	v4 =	vmul.f32 $1.428571410e+01, v6;
	v17 =	vshll.u32 v12, $0x10;
	v5 =	vld.idx.msk [tilespmem:v16+s2+$0x0], $0xffff;
	(pc) =	sbr.rel @p0 .LBB2_8-.Ltmp3, $4  }
0x16d: {  	v18 =	vmul.f32 $1.428571410e+01, v10;
	v6 =	vand.u32 $0xFFFF0000, v12;
	v8 =	vmul.f32 $1.428571410e+01, v8;
	v12 =	vpop (erf)  }
0x16e: {  	v16 =	vmul.f32 $1.428571410e+01, v17;
	v10 =	vmul.f32 $1.428571410e+01, v6;
	v7 =	vpop (erf)  }
0x16f: {  	v6 =	vmul.f32 $1.442695020e+00, v11;
	v11 =	vadd.f32 v12, v9;
	v12 =	vadd.f32 v7, v13;
	v13 =	vpop (erf)  }
0x170: {  	s15 =	sadd.s32 $0x40, s15;
	v9 =	vmul.f32 $1.442695020e+00, v18;
	v7 =	vld.idx.msk [tilespmem:v14+s2+$0x0], $0xffff;
	v14 =	vmul.f32 $1.442695020e+00, v16;
	v15 =	vpop (erf)  }
0x171: {  	_ = 	snop  }
0x172: {  	v10 =	vmul.f32 $1.442695020e+00, v10  }
0x173: {  	(erf) = vpow2.f32 v14  }
0x174: {  	v8 =	vmul.f32 $1.442695020e+00, v8;
	(erf) = vpow2.f32 v10  }
0x175: {  	v3 =	vld.idx.msk [tilespmem:v3+s2+$0x0], $0xffff;
	v10 =	vadd.f32 v15, v12;
	v12 =	vpop (erf);
	(erf) = vpow2.f32 v9  }
0x176: {  	v11 =	vadd.f32 v13, v11;
	v4 =	vmul.f32 $1.442695020e+00, v4;
	(erf) = vpow2.f32 v8  }
0x177: {  	v13 =	vshll.u32 v5, $0x10;
	v2 =	vld.idx.msk [tilespmem:v2+s2+$0x0], $0xffff;
	v0 =	vmul.f32 $1.442695020e+00, v0;
	(erf) = vpow2.f32 v6  }
0x178: {  	v5 =	vand.u32 $0xFFFF0000, v5;
	v1 =	vmul.f32 $1.442695020e+00, v1;
	(erf) = vpow2.f32 v4  }
0x179: {  	v6 =	vshll.u32 v7, $0x10;
	(erf) = vpow2.f32 v0;
	v0 =	vmul.f32 $1.428571410e+01, v5  }
0x17a: {  	v8 =	vpop (erf);
	(erf) = vpow2.f32 v1;
	v1 =	vshll.u32 v3, $0x10;
	v3 =	vand.u32 $0xFFFF0000, v3  }
0x17b: {  	v8 =	vadd.f32 v8, v10;
	v5 =	vmul.f32 $1.428571410e+01, v6;
	v3 =	vmul.f32 $1.428571410e+01, v3  }
0x17c: {  	v6 =	vshll.u32 v2, $0x10;
	v2 =	vand.u32 $0xFFFF0000, v2;
	v1 =	vmul.f32 $1.428571410e+01, v1  }
0x17d: {  	v9 =	vadd.f32 v12, v11;
	v2 =	vmul.f32 $1.428571410e+01, v2;
	v3 =	vmul.f32 $1.442695020e+00, v3  }
0x17e: {  	v11 =	vpop (erf);
	v4 =	vand.u32 $0xFFFF0000, v7;
	v6 =	vmul.f32 $1.428571410e+01, v6;
	v1 =	vmul.f32 $1.442695020e+00, v1  }
0x17f: {  	v10 =	vpop (erf);
	v9 =	vadd.f32 v11, v9;
	v4 =	vmul.f32 $1.428571410e+01, v4;
	v2 =	vmul.f32 $1.442695020e+00, v2  }
0x180: {  	v6 =	vmul.f32 $1.442695020e+00, v6;
	(erf) = vpow2.f32 v1;
	v1 =	vadd.f32 v10, v8;
	v8 =	vpop (erf)  }
0x181: {  	v4 =	vmul.f32 $1.442695020e+00, v4;
	(erf) = vpow2.f32 v3;
	v8 =	vadd.f32 v8, v9;
	v3 =	vpop (erf)  }
0x182: {  	v5 =	vmul.f32 $1.442695020e+00, v5;
	(erf) = vpow2.f32 v6;
	v1 =	vadd.f32 v3, v1;
	v3 =	vpop (erf)  }
0x183: {  	v7 =	vmul.f32 $1.428571410e+01, v13;
	(erf) = vpow2.f32 v2;
	v2 =	vpop (erf);
	v3 =	vadd.f32 v3, v8  }
0x184: {  	v0 =	vmul.f32 $1.442695020e+00, v0;
	(erf) = vpow2.f32 v5;
	v1 =	vadd.f32 v2, v1;
	v2 =	vpop (erf)  }
0x185: {  	v6 =	vmul.f32 $1.442695020e+00, v7;
	(erf) = vpow2.f32 v4;
	v4 =	vpop (erf)  }
0x186: {  	v2 =	vadd.f32 v2, v3;
	v1 =	vadd.f32 v4, v1  }
0x187: {  	(erf) = vpow2.f32 v6;
	v3 =	vpop (erf)  }
0x188: {  	(erf) = vpow2.f32 v0;
	v2 =	vadd.f32 v3, v2  }
0x189: {  	v0 =	vpop (erf)  }
0x18a: {  	v0 =	vadd.f32 v0, v1;
	v1 =	vpop (erf)  }
0x18b: {  	v3 =	vpop (erf);
	v1 =	vadd.f32 v1, v2  }
0x18c: {  	v0 =	vadd.f32 v3, v0;
	v2 =	vpop (erf)  }
0x18d: {  	v3 =	vpop (erf);
	v1 =	vadd.f32 v2, v1  }
0x18e: {  	v0 =	vadd.f32 v3, v0;
	v2 =	vpop (erf)  }
0x18f: {  	v3 =	vpop (erf);
	v1 =	vadd.f32 v2, v1  }
0x190: {  	v0 =	vadd.f32 v3, v0;
	v2 =	vpop (erf)  }
0x191: {  	v3 =	vpop (erf);
	v1 =	vadd.f32 v2, v1  }
0x192: {  	[tilespmem:s2], [sflag:$0x1] =	stream.strided.gather [hbm4b:s16+s6], $0x19000, s7, s6, $0x38;
	v0 =	vadd.f32 v3, v0;
	[tilespmem:$0x1A100] =	vst v63  }
0x193: {  	[tilespmem:$0x1A000] =	vst v1  }
0x194: {  	[tilespmem:$0x1A080] =	vst v0  }
0x195: {  	[hbm4b:s18+s2] =	stream.linear.scatter [tilespmem:s11], [sflag:$0x2], $0x80, $0x38;
	[tilespmem:$0x1A100] =	vst v63  }
0x196: {  	_ =	swait.ge [sflag:s9], $0x80  }
0x197: {  	[sflag:s9] =	ssyncset.done $0x0  }
0x198: {  	[sflag:s9] =	ssyncadd.s32 $0xFFFFFF80  }
0x199: {  	[hbm4b:s19+s2] =	stream.linear.scatter [tilespmem:s12], [sflag:$0x2], $0x80, $0x38;
	[tilespmem:$0x1A100] =	vst v63  }
0x19a: {  	_ =	swait.ge [sflag:s9], $0x80  }
0x19b: {  	[sflag:s9] =	ssyncset.done $0x0  }
0x19c: {  	[sflag:s9] =	ssyncadd.s32 $0xFFFFFF80  }
0x19d: {  	[tilespmem:s8], [sflag:$0x2] =	stream.strided.gather [hbm4b:s23+s6], $0x1000, s7, s6, $0x38;
	[tilespmem:$0x1A100] =	vst v63  }
0x19e: {  	_ =	swait.ge [sflag:s9], $0x1000  }
0x19f: {  	[sflag:s9] =	ssyncset.done $0x0  }
0x1a0: {  	[sflag:s9] =	ssyncadd.s32 $0xFFFFF000  }
0x1a1: {  	_ =	swait.ge [sflag:s10], $0x19000  }
0x1a2: {  	[sflag:s10] =	ssyncset.done $0x0  }
0x1a3: {  	s14 =	simm.s32 $0x19020;
	[sflag:s10] =	ssyncadd.s32 $0xFFFE7000  }
0x1a4: {  	v0 =	vld [tilespmem:s14+$0x10]  }
0x1a5: {  	v1 =	vld [tilespmem:s14+$0x0]  }
0x1a6: {  	v2 =	vld [tilespmem:s14+$0xFFFFFFE0]  }
0x1a7: {  	v3 =	vld [tilespmem:s14+$0xFFFFFFF0];
	_ =	sdelay $0x2  }
0x1a8: {  	s15 =	simm.s32 $0x19060  }
0x1a9: {  	v4 =	vld [tilespmem:s15+$0x10]  }
0x1aa: {  	v0 =	vld.idx.msk [tilespmem:v0+s2+$0x0], $0xffff  }
0x1ab: {  	v1 =	vld.idx.msk [tilespmem:v1+s2+$0x0], $0xffff  }
0x1ac: {  	v2 =	vld.idx.msk [tilespmem:v2+s2+$0x0], $0xffff  }
0x1ad: {  	v3 =	vld.idx.msk [tilespmem:v3+s2+$0x0], $0xffff  }
0x1ae: {  	v5 =	vld [tilespmem:s15+$0x0];
	_ =	sdelay $0x1  }
0x1af: {  	v7 =	vld [tilespmem:s15+$0xFFFFFFF0];
	v6 =	vshll.u32 v0, $0x10;
	v0 =	vand.u32 $0xFFFF0000, v0;
	v8 =	vshll.u32 v1, $0x10  }
0x1b0: {  	v9 =	vld [tilespmem:s15+$0xFFFFFFE0];
	v10 =	vshll.u32 v2, $0x10;
	v2 =	vand.u32 $0xFFFF0000, v2;
	v6 =	vmul.f32 $1.428571410e+01, v6  }
0x1b1: {  	v11 =	vshll.u32 v3, $0x10;
	v0 =	vmul.f32 $1.428571410e+01, v0;
	v10 =	vmul.f32 $1.428571410e+01, v10  }
0x1b2: {  	v3 =	vand.u32 $0xFFFF0000, v3;
	v8 =	vmul.f32 $1.428571410e+01, v8;
	v2 =	vmul.f32 $1.428571410e+01, v2  }
0x1b3: {  	v4 =	vld.idx.msk [tilespmem:v4+s2+$0x0], $0xffff;
	v1 =	vand.u32 $0xFFFF0000, v1;
	v11 =	vmul.f32 $1.428571410e+01, v11;
	v3 =	vmul.f32 $1.428571410e+01, v3  }
0x1b4: {  	v1 =	vmul.f32 $1.428571410e+01, v1;
	v10 =	vmul.f32 $1.442695020e+00, v10  }
0x1b5: {  	s15 =	simm.s32 $0x190A0;
	v5 =	vld.idx.msk [tilespmem:v5+s2+$0x0], $0xffff;
	v2 =	vmul.f32 $1.442695020e+00, v2;
	v11 =	vmul.f32 $1.442695020e+00, v11  }
0x1b6: {  	v3 =	vmul.f32 $1.442695020e+00, v3;
	(erf) = vpow2.f32 v10;
	v10 =	vld [tilespmem:s15+$0x10]  }
0x1b7: {  	v1 =	vmul.f32 $1.442695020e+00, v1;
	(erf) = vpow2.f32 v2;
	v2 =	vld.idx.msk [tilespmem:v7+s2+$0x0], $0xffff  }
0x1b8: {  	v9 =	vld.idx.msk [tilespmem:v9+s2+$0x0], $0xffff;
	v7 =	vmul.f32 $1.442695020e+00, v8;
	v8 =	vshll.u32 v4, $0x10;
	(erf) = vpow2.f32 v11  }
0x1b9: {  	(erf) = vpow2.f32 v3;
	v3 =	vand.u32 $0xFFFF0000, v4;
	v4 =	vmul.f32 $1.442695020e+00, v6  }
0x1ba: {  	v14 =	vld [tilespmem:s15+$0x0];
	(erf) = vpow2.f32 v7;
	v7 =	vmul.f32 $1.442695020e+00, v0  }
0x1bb: {  	v6 =	vshll.u32 v5, $0x10;
	v0 =	vmul.f32 $1.428571410e+01, v8;
	(erf) = vpow2.f32 v1  }
0x1bc: {  	v8 =	vshll.u32 v2, $0x10;
	(erf) = vpow2.f32 v4;
	v11 =	vand.u32 $0xFFFF0000, v2;
	v2 =	vld [tilespmem:s15+$0xFFFFFFF0]  }
0x1bd: {  	v6 =	vmul.f32 $1.428571410e+01, v6;
	(erf) = vpow2.f32 v7;
	v7 =	vshll.u32 v9, $0x10  }
0x1be: {  	v5 =	vand.u32 $0xFFFF0000, v5;
	v1 =	vmul.f32 $1.428571410e+01, v3;
	v3 =	vld [tilespmem:s15+$0xFFFFFFE0];
	v15 =	vmul.f32 $1.428571410e+01, v8  }
0x1bf: {  	v12 =	vimm.f32 $0.0e+00;
	v4 =	vmul.f32 $1.428571410e+01, v5;
	v6 =	vmul.f32 $1.442695020e+00, v6;
	v5 =	vld.idx.msk [tilespmem:v10+s2+$0x0], $0xffff;
	v13 =	vpop (erf)  }
0x1c0: {  	v9 =	vand.u32 $0xFFFF0000, v9;
	v8 =	vmul.f32 $1.428571410e+01, v11;
	v16 =	vmul.f32 $1.428571410e+01, v7;
	v7 =	vpop (erf)  }
0x1c1: {  	v10 =	vmul.f32 $1.428571410e+01, v9;
	v11 =	vadd.f32 v13, v12;
	v13 =	vpop (erf);
	v12 =	vadd.f32 v7, v12  }
0x1c2: {  	s14 =	simm.s32 $0x8;
	s15 =	simm.s32 $0x190E0;
	v9 =	vmul.f32 $1.442695020e+00, v15;
	v7 =	vld.idx.msk [tilespmem:v14+s2+$0x0], $0xffff;
	v14 =	vmul.f32 $1.442695020e+00, v16;
	v15 =	vpop (erf)  }
.LBB2_10:
0x1c3: {  	v16 =	vld [tilespmem:s15+$0x10];
	v10 =	vmul.f32 $1.442695020e+00, v10;
	v18 =	vadd.f32 v13, v11;
	v12 =	vadd.f32 v15, v12;
	v13 =	vpop (erf)  }
0x1c4: {  	v17 =	vshll.u32 v5, $0x10;
	v15 =	vld.idx.msk [tilespmem:v2+s2+$0x0], $0xffff;
	v2 =	vmul.f32 $1.442695020e+00, v8;
	(erf) = vpow2.f32 v14;
	v8 =	vpop (erf)  }
0x1c5: {  	(erf) = vpow2.f32 v10;
	v10 =	vadd.f32 v13, v18;
	v8 =	vadd.f32 v8, v12;
	v11 =	vpop (erf)  }
0x1c6: {  	v5 =	vand.u32 $0xFFFF0000, v5;
	v12 =	vld.idx.msk [tilespmem:v3+s2+$0x0], $0xffff;
	v3 =	vmul.f32 $1.442695020e+00, v4;
	(erf) = vpow2.f32 v9;
	v4 =	vpop (erf)  }
0x1c7: {  	(erf) = vpow2.f32 v2;
	v9 =	vadd.f32 v11, v10;
	v13 =	vadd.f32 v4, v8  }
0x1c8: {  	v4 =	vshll.u32 v7, $0x10;
	v8 =	vmul.f32 $1.442695020e+00, v0;
	v14 =	vld [tilespmem:s15+$0x0];
	(erf) = vpow2.f32 v6  }
0x1c9: {  	v6 =	vand.u32 $0xFFFF0000, v7;
	v7 =	vmul.f32 $1.442695020e+00, v1;
	(erf) = vpow2.f32 v3  }
0x1ca: {  	s14 =	sadd.s32 $0x4, s14;
	v0 =	vmul.f32 $1.428571410e+01, v17;
	v10 =	vshll.u32 v15, $0x10;
	v2 =	vld [tilespmem:s15+$0xFFFFFFF0];
	(erf) = vpow2.f32 v8  }
0x1cb: {  	p0 =	slt.u32 s14, $0xFC;
	v1 =	vmul.f32 $1.428571410e+01, v5;
	v8 =	vand.u32 $0xFFFF0000, v15;
	v3 =	vld [tilespmem:s15+$0xFFFFFFE0];
	(erf) = vpow2.f32 v7  }
.Ltmp4:
0x1cc: {  	v11 =	vmul.f32 $1.428571410e+01, v4;
	v4 =	vmul.f32 $1.428571410e+01, v6;
	v17 =	vshll.u32 v12, $0x10;
	v5 =	vld.idx.msk [tilespmem:v16+s2+$0x0], $0xffff;
	(pc) =	sbr.rel @p0 .LBB2_10-.Ltmp4, $4  }
0x1cd: {  	v18 =	vmul.f32 $1.428571410e+01, v10;
	v6 =	vand.u32 $0xFFFF0000, v12;
	v8 =	vmul.f32 $1.428571410e+01, v8;
	v12 =	vpop (erf)  }
0x1ce: {  	v16 =	vmul.f32 $1.428571410e+01, v17;
	v10 =	vmul.f32 $1.428571410e+01, v6;
	v7 =	vpop (erf)  }
0x1cf: {  	v6 =	vmul.f32 $1.442695020e+00, v11;
	v11 =	vadd.f32 v12, v9;
	v12 =	vadd.f32 v7, v13;
	v13 =	vpop (erf)  }
0x1d0: {  	s15 =	sadd.s32 $0x40, s15;
	v9 =	vmul.f32 $1.442695020e+00, v18;
	v7 =	vld.idx.msk [tilespmem:v14+s2+$0x0], $0xffff;
	v14 =	vmul.f32 $1.442695020e+00, v16;
	v15 =	vpop (erf)  }
0x1d1: {  	_ = 	snop  }
0x1d2: {  	v10 =	vmul.f32 $1.442695020e+00, v10  }
0x1d3: {  	(erf) = vpow2.f32 v14  }
0x1d4: {  	v8 =	vmul.f32 $1.442695020e+00, v8;
	(erf) = vpow2.f32 v10  }
0x1d5: {  	v3 =	vld.idx.msk [tilespmem:v3+s2+$0x0], $0xffff;
	v10 =	vadd.f32 v15, v12;
	v12 =	vpop (erf);
	(erf) = vpow2.f32 v9  }
0x1d6: {  	v11 =	vadd.f32 v13, v11;
	v4 =	vmul.f32 $1.442695020e+00, v4;
	(erf) = vpow2.f32 v8  }
0x1d7: {  	v13 =	vshll.u32 v5, $0x10;
	v2 =	vld.idx.msk [tilespmem:v2+s2+$0x0], $0xffff;
	v0 =	vmul.f32 $1.442695020e+00, v0;
	(erf) = vpow2.f32 v6  }
0x1d8: {  	v5 =	vand.u32 $0xFFFF0000, v5;
	v1 =	vmul.f32 $1.442695020e+00, v1;
	(erf) = vpow2.f32 v4  }
0x1d9: {  	v6 =	vshll.u32 v7, $0x10;
	(erf) = vpow2.f32 v0;
	v0 =	vmul.f32 $1.428571410e+01, v5  }
0x1da: {  	v8 =	vpop (erf);
	(erf) = vpow2.f32 v1;
	v1 =	vshll.u32 v3, $0x10;
	v3 =	vand.u32 $0xFFFF0000, v3  }
0x1db: {  	v8 =	vadd.f32 v8, v10;
	v5 =	vmul.f32 $1.428571410e+01, v6;
	v3 =	vmul.f32 $1.428571410e+01, v3  }
0x1dc: {  	v6 =	vshll.u32 v2, $0x10;
	v2 =	vand.u32 $0xFFFF0000, v2;
	v1 =	vmul.f32 $1.428571410e+01, v1  }
0x1dd: {  	v9 =	vadd.f32 v12, v11;
	v2 =	vmul.f32 $1.428571410e+01, v2;
	v3 =	vmul.f32 $1.442695020e+00, v3  }
0x1de: {  	v11 =	vpop (erf);
	v4 =	vand.u32 $0xFFFF0000, v7;
	v6 =	vmul.f32 $1.428571410e+01, v6;
	v1 =	vmul.f32 $1.442695020e+00, v1  }
0x1df: {  	v10 =	vpop (erf);
	v9 =	vadd.f32 v11, v9;
	v4 =	vmul.f32 $1.428571410e+01, v4;
	v2 =	vmul.f32 $1.442695020e+00, v2  }
0x1e0: {  	v6 =	vmul.f32 $1.442695020e+00, v6;
	(erf) = vpow2.f32 v1;
	v1 =	vadd.f32 v10, v8;
	v8 =	vpop (erf)  }
0x1e1: {  	v4 =	vmul.f32 $1.442695020e+00, v4;
	(erf) = vpow2.f32 v3;
	v8 =	vadd.f32 v8, v9;
	v3 =	vpop (erf)  }
0x1e2: {  	v5 =	vmul.f32 $1.442695020e+00, v5;
	(erf) = vpow2.f32 v6;
	v1 =	vadd.f32 v3, v1;
	v3 =	vpop (erf)  }
0x1e3: {  	v7 =	vmul.f32 $1.428571410e+01, v13;
	(erf) = vpow2.f32 v2;
	v2 =	vpop (erf);
	v3 =	vadd.f32 v3, v8  }
0x1e4: {  	v0 =	vmul.f32 $1.442695020e+00, v0;
	(erf) = vpow2.f32 v5;
	v1 =	vadd.f32 v2, v1;
	v2 =	vpop (erf)  }
0x1e5: {  	v6 =	vmul.f32 $1.442695020e+00, v7;
	(erf) = vpow2.f32 v4;
	v4 =	vpop (erf)  }
0x1e6: {  	v2 =	vadd.f32 v2, v3;
	v1 =	vadd.f32 v4, v1  }
0x1e7: {  	(erf) = vpow2.f32 v6;
	v3 =	vpop (erf)  }
0x1e8: {  	(erf) = vpow2.f32 v0;
	v2 =	vadd.f32 v3, v2  }
0x1e9: {  	v0 =	vpop (erf)  }
0x1ea: {  	v0 =	vadd.f32 v0, v1;
	v1 =	vpop (erf)  }
0x1eb: {  	v3 =	vpop (erf);
	v1 =	vadd.f32 v1, v2  }
0x1ec: {  	v0 =	vadd.f32 v3, v0;
	v2 =	vpop (erf)  }
0x1ed: {  	v3 =	vpop (erf);
	v1 =	vadd.f32 v2, v1  }
0x1ee: {  	v0 =	vadd.f32 v3, v0;
	v2 =	vpop (erf)  }
0x1ef: {  	v3 =	vpop (erf);
	v1 =	vadd.f32 v2, v1  }
0x1f0: {  	v0 =	vadd.f32 v3, v0;
	v2 =	vpop (erf)  }
0x1f1: {  	v3 =	vpop (erf);
	v1 =	vadd.f32 v2, v1  }
0x1f2: {  	[tilespmem:s2], [sflag:$0x1] =	stream.strided.gather [hbm4b:s20+s6], $0x19000, s7, s6, $0x38;
	v0 =	vadd.f32 v3, v0;
	[tilespmem:$0x1A100] =	vst v63  }
0x1f3: {  	[tilespmem:$0x1A000] =	vst v1  }
0x1f4: {  	[tilespmem:$0x1A080] =	vst v0  }
0x1f5: {  	[hbm4b:s24+s2] =	stream.linear.scatter [tilespmem:s11], [sflag:$0x2], $0x80, $0x38;
	[tilespmem:$0x1A100] =	vst v63  }
0x1f6: {  	_ =	swait.ge [sflag:s9], $0x80  }
0x1f7: {  	[sflag:s9] =	ssyncset.done $0x0  }
0x1f8: {  	[sflag:s9] =	ssyncadd.s32 $0xFFFFFF80  }
0x1f9: {  	[hbm4b:s25+s2] =	stream.linear.scatter [tilespmem:s12], [sflag:$0x2], $0x80, $0x38;
	[tilespmem:$0x1A100] =	vst v63  }
0x1fa: {  	_ =	swait.ge [sflag:s9], $0x80  }
0x1fb: {  	[sflag:s9] =	ssyncset.done $0x0  }
0x1fc: {  	[sflag:s9] =	ssyncadd.s32 $0xFFFFFF80  }
0x1fd: {  	[tilespmem:s8], [sflag:$0x2] =	stream.strided.gather [hbm4b:s26+s6], $0x1000, s7, s6, $0x38;
	[tilespmem:$0x1A100] =	vst v63  }
0x1fe: {  	_ =	swait.ge [sflag:s9], $0x1000  }
0x1ff: {  	[sflag:s9] =	ssyncset.done $0x0  }
0x200: {  	[sflag:s9] =	ssyncadd.s32 $0xFFFFF000  }
0x201: {  	_ =	swait.ge [sflag:s10], $0x19000  }
0x202: {  	[sflag:s10] =	ssyncset.done $0x0  }
0x203: {  	s14 =	simm.s32 $0x19020;
	[sflag:s10] =	ssyncadd.s32 $0xFFFE7000  }
0x204: {  	v0 =	vld [tilespmem:s14+$0x10]  }
0x205: {  	v1 =	vld [tilespmem:s14+$0x0]  }
0x206: {  	v2 =	vld [tilespmem:s14+$0xFFFFFFE0]  }
0x207: {  	v3 =	vld [tilespmem:s14+$0xFFFFFFF0];
	_ =	sdelay $0x2  }
0x208: {  	s15 =	simm.s32 $0x19060  }
0x209: {  	v4 =	vld [tilespmem:s15+$0x10]  }
0x20a: {  	v0 =	vld.idx.msk [tilespmem:v0+s2+$0x0], $0xffff  }
0x20b: {  	v1 =	vld.idx.msk [tilespmem:v1+s2+$0x0], $0xffff  }
0x20c: {  	v2 =	vld.idx.msk [tilespmem:v2+s2+$0x0], $0xffff  }
0x20d: {  	v3 =	vld.idx.msk [tilespmem:v3+s2+$0x0], $0xffff  }
0x20e: {  	v5 =	vld [tilespmem:s15+$0x0];
	_ =	sdelay $0x1  }
0x20f: {  	v7 =	vld [tilespmem:s15+$0xFFFFFFF0];
	v6 =	vshll.u32 v0, $0x10;
	v0 =	vand.u32 $0xFFFF0000, v0;
	v8 =	vshll.u32 v1, $0x10  }
0x210: {  	v9 =	vld [tilespmem:s15+$0xFFFFFFE0];
	v10 =	vshll.u32 v2, $0x10;
	v2 =	vand.u32 $0xFFFF0000, v2;
	v6 =	vmul.f32 $1.428571410e+01, v6  }
0x211: {  	v11 =	vshll.u32 v3, $0x10;
	v0 =	vmul.f32 $1.428571410e+01, v0;
	v10 =	vmul.f32 $1.428571410e+01, v10  }
0x212: {  	v3 =	vand.u32 $0xFFFF0000, v3;
	v8 =	vmul.f32 $1.428571410e+01, v8;
	v2 =	vmul.f32 $1.428571410e+01, v2  }
0x213: {  	v4 =	vld.idx.msk [tilespmem:v4+s2+$0x0], $0xffff;
	v1 =	vand.u32 $0xFFFF0000, v1;
	v11 =	vmul.f32 $1.428571410e+01, v11;
	v3 =	vmul.f32 $1.428571410e+01, v3  }
0x214: {  	v1 =	vmul.f32 $1.428571410e+01, v1;
	v10 =	vmul.f32 $1.442695020e+00, v10  }
0x215: {  	s15 =	simm.s32 $0x190A0;
	v5 =	vld.idx.msk [tilespmem:v5+s2+$0x0], $0xffff;
	v2 =	vmul.f32 $1.442695020e+00, v2;
	v11 =	vmul.f32 $1.442695020e+00, v11  }
0x216: {  	v3 =	vmul.f32 $1.442695020e+00, v3;
	(erf) = vpow2.f32 v10;
	v10 =	vld [tilespmem:s15+$0x10]  }
0x217: {  	v1 =	vmul.f32 $1.442695020e+00, v1;
	(erf) = vpow2.f32 v2;
	v2 =	vld.idx.msk [tilespmem:v7+s2+$0x0], $0xffff  }
0x218: {  	v9 =	vld.idx.msk [tilespmem:v9+s2+$0x0], $0xffff;
	v7 =	vmul.f32 $1.442695020e+00, v8;
	v8 =	vshll.u32 v4, $0x10;
	(erf) = vpow2.f32 v11  }
0x219: {  	(erf) = vpow2.f32 v3;
	v3 =	vand.u32 $0xFFFF0000, v4;
	v4 =	vmul.f32 $1.442695020e+00, v6  }
0x21a: {  	v14 =	vld [tilespmem:s15+$0x0];
	(erf) = vpow2.f32 v7;
	v7 =	vmul.f32 $1.442695020e+00, v0  }
0x21b: {  	v6 =	vshll.u32 v5, $0x10;
	v0 =	vmul.f32 $1.428571410e+01, v8;
	(erf) = vpow2.f32 v1  }
0x21c: {  	v8 =	vshll.u32 v2, $0x10;
	(erf) = vpow2.f32 v4;
	v11 =	vand.u32 $0xFFFF0000, v2;
	v2 =	vld [tilespmem:s15+$0xFFFFFFF0]  }
0x21d: {  	v6 =	vmul.f32 $1.428571410e+01, v6;
	(erf) = vpow2.f32 v7;
	v7 =	vshll.u32 v9, $0x10  }
0x21e: {  	v5 =	vand.u32 $0xFFFF0000, v5;
	v1 =	vmul.f32 $1.428571410e+01, v3;
	v3 =	vld [tilespmem:s15+$0xFFFFFFE0];
	v15 =	vmul.f32 $1.428571410e+01, v8  }
0x21f: {  	v12 =	vimm.f32 $0.0e+00;
	v4 =	vmul.f32 $1.428571410e+01, v5;
	v6 =	vmul.f32 $1.442695020e+00, v6;
	v5 =	vld.idx.msk [tilespmem:v10+s2+$0x0], $0xffff;
	v13 =	vpop (erf)  }
0x220: {  	v9 =	vand.u32 $0xFFFF0000, v9;
	v8 =	vmul.f32 $1.428571410e+01, v11;
	v16 =	vmul.f32 $1.428571410e+01, v7;
	v7 =	vpop (erf)  }
0x221: {  	v10 =	vmul.f32 $1.428571410e+01, v9;
	v11 =	vadd.f32 v13, v12;
	v13 =	vpop (erf);
	v12 =	vadd.f32 v7, v12  }
0x222: {  	s14 =	simm.s32 $0x8;
	s15 =	simm.s32 $0x190E0;
	v9 =	vmul.f32 $1.442695020e+00, v15;
	v7 =	vld.idx.msk [tilespmem:v14+s2+$0x0], $0xffff;
	v14 =	vmul.f32 $1.442695020e+00, v16;
	v15 =	vpop (erf)  }
.LBB2_12:
0x223: {  	v16 =	vld [tilespmem:s15+$0x10];
	v10 =	vmul.f32 $1.442695020e+00, v10;
	v18 =	vadd.f32 v13, v11;
	v12 =	vadd.f32 v15, v12;
	v13 =	vpop (erf)  }
0x224: {  	v17 =	vshll.u32 v5, $0x10;
	v15 =	vld.idx.msk [tilespmem:v2+s2+$0x0], $0xffff;
	v2 =	vmul.f32 $1.442695020e+00, v8;
	(erf) = vpow2.f32 v14;
	v8 =	vpop (erf)  }
0x225: {  	(erf) = vpow2.f32 v10;
	v10 =	vadd.f32 v13, v18;
	v8 =	vadd.f32 v8, v12;
	v11 =	vpop (erf)  }
0x226: {  	v5 =	vand.u32 $0xFFFF0000, v5;
	v12 =	vld.idx.msk [tilespmem:v3+s2+$0x0], $0xffff;
	v3 =	vmul.f32 $1.442695020e+00, v4;
	(erf) = vpow2.f32 v9;
	v4 =	vpop (erf)  }
0x227: {  	(erf) = vpow2.f32 v2;
	v9 =	vadd.f32 v11, v10;
	v13 =	vadd.f32 v4, v8  }
0x228: {  	v4 =	vshll.u32 v7, $0x10;
	v8 =	vmul.f32 $1.442695020e+00, v0;
	v14 =	vld [tilespmem:s15+$0x0];
	(erf) = vpow2.f32 v6  }
0x229: {  	v6 =	vand.u32 $0xFFFF0000, v7;
	v7 =	vmul.f32 $1.442695020e+00, v1;
	(erf) = vpow2.f32 v3  }
0x22a: {  	s14 =	sadd.s32 $0x4, s14;
	v0 =	vmul.f32 $1.428571410e+01, v17;
	v10 =	vshll.u32 v15, $0x10;
	v2 =	vld [tilespmem:s15+$0xFFFFFFF0];
	(erf) = vpow2.f32 v8  }
0x22b: {  	p0 =	slt.u32 s14, $0xFC;
	v1 =	vmul.f32 $1.428571410e+01, v5;
	v8 =	vand.u32 $0xFFFF0000, v15;
	v3 =	vld [tilespmem:s15+$0xFFFFFFE0];
	(erf) = vpow2.f32 v7  }
.Ltmp5:
0x22c: {  	v11 =	vmul.f32 $1.428571410e+01, v4;
	v4 =	vmul.f32 $1.428571410e+01, v6;
	v17 =	vshll.u32 v12, $0x10;
	v5 =	vld.idx.msk [tilespmem:v16+s2+$0x0], $0xffff;
	(pc) =	sbr.rel @p0 .LBB2_12-.Ltmp5, $4  }
0x22d: {  	v18 =	vmul.f32 $1.428571410e+01, v10;
	v6 =	vand.u32 $0xFFFF0000, v12;
	v8 =	vmul.f32 $1.428571410e+01, v8;
	v12 =	vpop (erf)  }
0x22e: {  	v16 =	vmul.f32 $1.428571410e+01, v17;
	v10 =	vmul.f32 $1.428571410e+01, v6;
	v7 =	vpop (erf)  }
0x22f: {  	v6 =	vmul.f32 $1.442695020e+00, v11;
	v11 =	vadd.f32 v12, v9;
	v12 =	vadd.f32 v7, v13;
	v13 =	vpop (erf)  }
0x230: {  	s15 =	sadd.s32 $0x40, s15;
	v9 =	vmul.f32 $1.442695020e+00, v18;
	v7 =	vld.idx.msk [tilespmem:v14+s2+$0x0], $0xffff;
	v14 =	vmul.f32 $1.442695020e+00, v16;
	v15 =	vpop (erf)  }
0x231: {  	_ = 	snop  }
0x232: {  	v10 =	vmul.f32 $1.442695020e+00, v10  }
0x233: {  	(erf) = vpow2.f32 v14  }
0x234: {  	v8 =	vmul.f32 $1.442695020e+00, v8;
	(erf) = vpow2.f32 v10  }
0x235: {  	v3 =	vld.idx.msk [tilespmem:v3+s2+$0x0], $0xffff;
	v10 =	vadd.f32 v15, v12;
	v12 =	vpop (erf);
	(erf) = vpow2.f32 v9  }
0x236: {  	v11 =	vadd.f32 v13, v11;
	v4 =	vmul.f32 $1.442695020e+00, v4;
	(erf) = vpow2.f32 v8  }
0x237: {  	v13 =	vshll.u32 v5, $0x10;
	v2 =	vld.idx.msk [tilespmem:v2+s2+$0x0], $0xffff;
	v0 =	vmul.f32 $1.442695020e+00, v0;
	(erf) = vpow2.f32 v6  }
0x238: {  	v5 =	vand.u32 $0xFFFF0000, v5;
	v1 =	vmul.f32 $1.442695020e+00, v1;
	(erf) = vpow2.f32 v4  }
0x239: {  	v6 =	vshll.u32 v7, $0x10;
	(erf) = vpow2.f32 v0;
	v0 =	vmul.f32 $1.428571410e+01, v5  }
0x23a: {  	v8 =	vpop (erf);
	(erf) = vpow2.f32 v1;
	v1 =	vshll.u32 v3, $0x10;
	v3 =	vand.u32 $0xFFFF0000, v3  }
0x23b: {  	v8 =	vadd.f32 v8, v10;
	v5 =	vmul.f32 $1.428571410e+01, v6;
	v3 =	vmul.f32 $1.428571410e+01, v3  }
0x23c: {  	v6 =	vshll.u32 v2, $0x10;
	v2 =	vand.u32 $0xFFFF0000, v2;
	v1 =	vmul.f32 $1.428571410e+01, v1  }
0x23d: {  	v9 =	vadd.f32 v12, v11;
	v2 =	vmul.f32 $1.428571410e+01, v2;
	v3 =	vmul.f32 $1.442695020e+00, v3  }
0x23e: {  	v11 =	vpop (erf);
	v4 =	vand.u32 $0xFFFF0000, v7;
	v6 =	vmul.f32 $1.428571410e+01, v6;
	v1 =	vmul.f32 $1.442695020e+00, v1  }
0x23f: {  	v10 =	vpop (erf);
	v9 =	vadd.f32 v11, v9;
	v4 =	vmul.f32 $1.428571410e+01, v4;
	v2 =	vmul.f32 $1.442695020e+00, v2  }
0x240: {  	v6 =	vmul.f32 $1.442695020e+00, v6;
	(erf) = vpow2.f32 v1;
	v1 =	vadd.f32 v10, v8;
	v8 =	vpop (erf)  }
0x241: {  	v4 =	vmul.f32 $1.442695020e+00, v4;
	(erf) = vpow2.f32 v3;
	v8 =	vadd.f32 v8, v9;
	v3 =	vpop (erf)  }
0x242: {  	v5 =	vmul.f32 $1.442695020e+00, v5;
	(erf) = vpow2.f32 v6;
	v1 =	vadd.f32 v3, v1;
	v3 =	vpop (erf)  }
0x243: {  	v7 =	vmul.f32 $1.428571410e+01, v13;
	(erf) = vpow2.f32 v2;
	v2 =	vpop (erf);
	v3 =	vadd.f32 v3, v8  }
0x244: {  	v0 =	vmul.f32 $1.442695020e+00, v0;
	(erf) = vpow2.f32 v5;
	v1 =	vadd.f32 v2, v1;
	v2 =	vpop (erf)  }
0x245: {  	v6 =	vmul.f32 $1.442695020e+00, v7;
	(erf) = vpow2.f32 v4;
	v4 =	vpop (erf)  }
0x246: {  	v2 =	vadd.f32 v2, v3;
	v1 =	vadd.f32 v4, v1  }
0x247: {  	(erf) = vpow2.f32 v6;
	v3 =	vpop (erf)  }
0x248: {  	(erf) = vpow2.f32 v0;
	v2 =	vadd.f32 v3, v2  }
0x249: {  	v0 =	vpop (erf)  }
0x24a: {  	v0 =	vadd.f32 v0, v1;
	v1 =	vpop (erf)  }
0x24b: {  	v3 =	vpop (erf);
	v1 =	vadd.f32 v1, v2  }
0x24c: {  	v0 =	vadd.f32 v3, v0;
	v2 =	vpop (erf)  }
0x24d: {  	v3 =	vpop (erf);
	v1 =	vadd.f32 v2, v1  }
0x24e: {  	v0 =	vadd.f32 v3, v0;
	v2 =	vpop (erf)  }
0x24f: {  	v3 =	vpop (erf);
	v1 =	vadd.f32 v2, v1  }
0x250: {  	v0 =	vadd.f32 v3, v0;
	v2 =	vpop (erf)  }
0x251: {  	v3 =	vpop (erf);
	v1 =	vadd.f32 v2, v1  }
0x252: {  	[tilespmem:s2], [sflag:$0x1] =	stream.strided.gather [hbm4b:s21+s6], $0x19000, s7, s6, $0x38;
	v0 =	vadd.f32 v3, v0;
	[tilespmem:$0x1A100] =	vst v63  }
0x253: {  	[tilespmem:$0x1A000] =	vst v1  }
0x254: {  	[tilespmem:$0x1A080] =	vst v0  }
0x255: {  	[hbm4b:s28+s2] =	stream.linear.scatter [tilespmem:s11], [sflag:$0x2], $0x80, $0x38;
	[tilespmem:$0x1A100] =	vst v63  }
0x256: {  	_ =	swait.ge [sflag:s9], $0x80  }
0x257: {  	[sflag:s9] =	ssyncset.done $0x0  }
0x258: {  	[sflag:s9] =	ssyncadd.s32 $0xFFFFFF80  }
0x259: {  	[hbm4b:s29+s2] =	stream.linear.scatter [tilespmem:s12], [sflag:$0x2], $0x80, $0x38;
	[tilespmem:$0x1A100] =	vst v63  }
0x25a: {  	_ =	swait.ge [sflag:s9], $0x80  }
0x25b: {  	[sflag:s9] =	ssyncset.done $0x0  }
0x25c: {  	[sflag:s9] =	ssyncadd.s32 $0xFFFFFF80  }
0x25d: {  	[tilespmem:s8], [sflag:$0x2] =	stream.strided.gather [hbm4b:s30+s6], $0x1000, s7, s6, $0x38;
	[tilespmem:$0x1A100] =	vst v63  }
0x25e: {  	_ =	swait.ge [sflag:s9], $0x1000  }
0x25f: {  	[sflag:s9] =	ssyncset.done $0x0  }
0x260: {  	[sflag:s9] =	ssyncadd.s32 $0xFFFFF000  }
0x261: {  	_ =	swait.ge [sflag:s10], $0x19000  }
0x262: {  	[sflag:s10] =	ssyncset.done $0x0  }
0x263: {  	s14 =	simm.s32 $0x19020;
	[sflag:s10] =	ssyncadd.s32 $0xFFFE7000  }
0x264: {  	v0 =	vld [tilespmem:s14+$0x10]  }
0x265: {  	v1 =	vld [tilespmem:s14+$0x0]  }
0x266: {  	v2 =	vld [tilespmem:s14+$0xFFFFFFE0]  }
0x267: {  	v3 =	vld [tilespmem:s14+$0xFFFFFFF0];
	_ =	sdelay $0x2  }
0x268: {  	s15 =	simm.s32 $0x19060  }
0x269: {  	v4 =	vld [tilespmem:s15+$0x10]  }
0x26a: {  	v0 =	vld.idx.msk [tilespmem:v0+s2+$0x0], $0xffff  }
0x26b: {  	v1 =	vld.idx.msk [tilespmem:v1+s2+$0x0], $0xffff  }
0x26c: {  	v2 =	vld.idx.msk [tilespmem:v2+s2+$0x0], $0xffff  }
0x26d: {  	v3 =	vld.idx.msk [tilespmem:v3+s2+$0x0], $0xffff  }
0x26e: {  	v5 =	vld [tilespmem:s15+$0x0];
	_ =	sdelay $0x1  }
0x26f: {  	v7 =	vld [tilespmem:s15+$0xFFFFFFF0];
	v6 =	vshll.u32 v0, $0x10;
	v0 =	vand.u32 $0xFFFF0000, v0;
	v8 =	vshll.u32 v1, $0x10  }
0x270: {  	v9 =	vld [tilespmem:s15+$0xFFFFFFE0];
	v10 =	vshll.u32 v2, $0x10;
	v2 =	vand.u32 $0xFFFF0000, v2;
	v6 =	vmul.f32 $1.428571410e+01, v6  }
0x271: {  	v11 =	vshll.u32 v3, $0x10;
	v0 =	vmul.f32 $1.428571410e+01, v0;
	v10 =	vmul.f32 $1.428571410e+01, v10  }
0x272: {  	v3 =	vand.u32 $0xFFFF0000, v3;
	v8 =	vmul.f32 $1.428571410e+01, v8;
	v2 =	vmul.f32 $1.428571410e+01, v2  }
0x273: {  	v4 =	vld.idx.msk [tilespmem:v4+s2+$0x0], $0xffff;
	v1 =	vand.u32 $0xFFFF0000, v1;
	v11 =	vmul.f32 $1.428571410e+01, v11;
	v3 =	vmul.f32 $1.428571410e+01, v3  }
0x274: {  	v1 =	vmul.f32 $1.428571410e+01, v1;
	v10 =	vmul.f32 $1.442695020e+00, v10  }
0x275: {  	s15 =	simm.s32 $0x190A0;
	v5 =	vld.idx.msk [tilespmem:v5+s2+$0x0], $0xffff;
	v2 =	vmul.f32 $1.442695020e+00, v2;
	v11 =	vmul.f32 $1.442695020e+00, v11  }
0x276: {  	v3 =	vmul.f32 $1.442695020e+00, v3;
	(erf) = vpow2.f32 v10;
	v10 =	vld [tilespmem:s15+$0x10]  }
0x277: {  	v1 =	vmul.f32 $1.442695020e+00, v1;
	(erf) = vpow2.f32 v2;
	v2 =	vld.idx.msk [tilespmem:v7+s2+$0x0], $0xffff  }
0x278: {  	v9 =	vld.idx.msk [tilespmem:v9+s2+$0x0], $0xffff;
	v7 =	vmul.f32 $1.442695020e+00, v8;
	v8 =	vshll.u32 v4, $0x10;
	(erf) = vpow2.f32 v11  }
0x279: {  	(erf) = vpow2.f32 v3;
	v3 =	vand.u32 $0xFFFF0000, v4;
	v4 =	vmul.f32 $1.442695020e+00, v6  }
0x27a: {  	v14 =	vld [tilespmem:s15+$0x0];
	(erf) = vpow2.f32 v7;
	v7 =	vmul.f32 $1.442695020e+00, v0  }
0x27b: {  	v6 =	vshll.u32 v5, $0x10;
	v0 =	vmul.f32 $1.428571410e+01, v8;
	(erf) = vpow2.f32 v1  }
0x27c: {  	v8 =	vshll.u32 v2, $0x10;
	(erf) = vpow2.f32 v4;
	v11 =	vand.u32 $0xFFFF0000, v2;
	v2 =	vld [tilespmem:s15+$0xFFFFFFF0]  }
0x27d: {  	v6 =	vmul.f32 $1.428571410e+01, v6;
	(erf) = vpow2.f32 v7;
	v7 =	vshll.u32 v9, $0x10  }
0x27e: {  	v5 =	vand.u32 $0xFFFF0000, v5;
	v1 =	vmul.f32 $1.428571410e+01, v3;
	v3 =	vld [tilespmem:s15+$0xFFFFFFE0];
	v15 =	vmul.f32 $1.428571410e+01, v8  }
0x27f: {  	v12 =	vimm.f32 $0.0e+00;
	v4 =	vmul.f32 $1.428571410e+01, v5;
	v6 =	vmul.f32 $1.442695020e+00, v6;
	v5 =	vld.idx.msk [tilespmem:v10+s2+$0x0], $0xffff;
	v13 =	vpop (erf)  }
0x280: {  	v9 =	vand.u32 $0xFFFF0000, v9;
	v8 =	vmul.f32 $1.428571410e+01, v11;
	v16 =	vmul.f32 $1.428571410e+01, v7;
	v7 =	vpop (erf)  }
0x281: {  	v10 =	vmul.f32 $1.428571410e+01, v9;
	v11 =	vadd.f32 v13, v12;
	v13 =	vpop (erf);
	v12 =	vadd.f32 v7, v12  }
0x282: {  	s14 =	simm.s32 $0x8;
	s15 =	simm.s32 $0x190E0;
	v9 =	vmul.f32 $1.442695020e+00, v15;
	v7 =	vld.idx.msk [tilespmem:v14+s2+$0x0], $0xffff;
	v14 =	vmul.f32 $1.442695020e+00, v16;
	v15 =	vpop (erf)  }
.LBB2_14:
0x283: {  	v16 =	vld [tilespmem:s15+$0x10];
	v10 =	vmul.f32 $1.442695020e+00, v10;
	v18 =	vadd.f32 v13, v11;
	v12 =	vadd.f32 v15, v12;
	v13 =	vpop (erf)  }
0x284: {  	v17 =	vshll.u32 v5, $0x10;
	v15 =	vld.idx.msk [tilespmem:v2+s2+$0x0], $0xffff;
	v2 =	vmul.f32 $1.442695020e+00, v8;
	(erf) = vpow2.f32 v14;
	v8 =	vpop (erf)  }
0x285: {  	(erf) = vpow2.f32 v10;
	v10 =	vadd.f32 v13, v18;
	v8 =	vadd.f32 v8, v12;
	v11 =	vpop (erf)  }
0x286: {  	v5 =	vand.u32 $0xFFFF0000, v5;
	v12 =	vld.idx.msk [tilespmem:v3+s2+$0x0], $0xffff;
	v3 =	vmul.f32 $1.442695020e+00, v4;
	(erf) = vpow2.f32 v9;
	v4 =	vpop (erf)  }
0x287: {  	(erf) = vpow2.f32 v2;
	v9 =	vadd.f32 v11, v10;
	v13 =	vadd.f32 v4, v8  }
0x288: {  	v4 =	vshll.u32 v7, $0x10;
	v8 =	vmul.f32 $1.442695020e+00, v0;
	v14 =	vld [tilespmem:s15+$0x0];
	(erf) = vpow2.f32 v6  }
0x289: {  	v6 =	vand.u32 $0xFFFF0000, v7;
	v7 =	vmul.f32 $1.442695020e+00, v1;
	(erf) = vpow2.f32 v3  }
0x28a: {  	s14 =	sadd.s32 $0x4, s14;
	v0 =	vmul.f32 $1.428571410e+01, v17;
	v10 =	vshll.u32 v15, $0x10;
	v2 =	vld [tilespmem:s15+$0xFFFFFFF0];
	(erf) = vpow2.f32 v8  }
0x28b: {  	p0 =	slt.u32 s14, $0xFC;
	v1 =	vmul.f32 $1.428571410e+01, v5;
	v8 =	vand.u32 $0xFFFF0000, v15;
	v3 =	vld [tilespmem:s15+$0xFFFFFFE0];
	(erf) = vpow2.f32 v7  }
.Ltmp6:
0x28c: {  	v11 =	vmul.f32 $1.428571410e+01, v4;
	v4 =	vmul.f32 $1.428571410e+01, v6;
	v17 =	vshll.u32 v12, $0x10;
	v5 =	vld.idx.msk [tilespmem:v16+s2+$0x0], $0xffff;
	(pc) =	sbr.rel @p0 .LBB2_14-.Ltmp6, $4  }
0x28d: {  	v18 =	vmul.f32 $1.428571410e+01, v10;
	v6 =	vand.u32 $0xFFFF0000, v12;
	v8 =	vmul.f32 $1.428571410e+01, v8;
	v12 =	vpop (erf)  }
0x28e: {  	v16 =	vmul.f32 $1.428571410e+01, v17;
	v10 =	vmul.f32 $1.428571410e+01, v6;
	v7 =	vpop (erf)  }
0x28f: {  	v6 =	vmul.f32 $1.442695020e+00, v11;
	v11 =	vadd.f32 v12, v9;
	v12 =	vadd.f32 v7, v13;
	v13 =	vpop (erf)  }
0x290: {  	s15 =	sadd.s32 $0x40, s15;
	v9 =	vmul.f32 $1.442695020e+00, v18;
	v7 =	vld.idx.msk [tilespmem:v14+s2+$0x0], $0xffff;
	v14 =	vmul.f32 $1.442695020e+00, v16;
	v15 =	vpop (erf)  }
0x291: {  	_ = 	snop  }
0x292: {  	v10 =	vmul.f32 $1.442695020e+00, v10  }
0x293: {  	(erf) = vpow2.f32 v14  }
0x294: {  	v8 =	vmul.f32 $1.442695020e+00, v8;
	(erf) = vpow2.f32 v10  }
0x295: {  	v3 =	vld.idx.msk [tilespmem:v3+s2+$0x0], $0xffff;
	v10 =	vadd.f32 v15, v12;
	v12 =	vpop (erf);
	(erf) = vpow2.f32 v9  }
0x296: {  	v11 =	vadd.f32 v13, v11;
	v4 =	vmul.f32 $1.442695020e+00, v4;
	(erf) = vpow2.f32 v8  }
0x297: {  	v13 =	vshll.u32 v5, $0x10;
	v2 =	vld.idx.msk [tilespmem:v2+s2+$0x0], $0xffff;
	v0 =	vmul.f32 $1.442695020e+00, v0;
	(erf) = vpow2.f32 v6  }
0x298: {  	v5 =	vand.u32 $0xFFFF0000, v5;
	v1 =	vmul.f32 $1.442695020e+00, v1;
	(erf) = vpow2.f32 v4  }
0x299: {  	v6 =	vshll.u32 v7, $0x10;
	(erf) = vpow2.f32 v0;
	v0 =	vmul.f32 $1.428571410e+01, v5  }
0x29a: {  	v8 =	vpop (erf);
	(erf) = vpow2.f32 v1;
	v1 =	vshll.u32 v3, $0x10;
	v3 =	vand.u32 $0xFFFF0000, v3  }
0x29b: {  	v8 =	vadd.f32 v8, v10;
	v5 =	vmul.f32 $1.428571410e+01, v6;
	v3 =	vmul.f32 $1.428571410e+01, v3  }
0x29c: {  	v6 =	vshll.u32 v2, $0x10;
	v2 =	vand.u32 $0xFFFF0000, v2;
	v1 =	vmul.f32 $1.428571410e+01, v1  }
0x29d: {  	v9 =	vadd.f32 v12, v11;
	v2 =	vmul.f32 $1.428571410e+01, v2;
	v3 =	vmul.f32 $1.442695020e+00, v3  }
0x29e: {  	v11 =	vpop (erf);
	v4 =	vand.u32 $0xFFFF0000, v7;
	v6 =	vmul.f32 $1.428571410e+01, v6;
	v1 =	vmul.f32 $1.442695020e+00, v1  }
0x29f: {  	v10 =	vpop (erf);
	v9 =	vadd.f32 v11, v9;
	v4 =	vmul.f32 $1.428571410e+01, v4;
	v2 =	vmul.f32 $1.442695020e+00, v2  }
0x2a0: {  	v6 =	vmul.f32 $1.442695020e+00, v6;
	(erf) = vpow2.f32 v1;
	v1 =	vadd.f32 v10, v8;
	v8 =	vpop (erf)  }
0x2a1: {  	v4 =	vmul.f32 $1.442695020e+00, v4;
	(erf) = vpow2.f32 v3;
	v8 =	vadd.f32 v8, v9;
	v3 =	vpop (erf)  }
0x2a2: {  	v5 =	vmul.f32 $1.442695020e+00, v5;
	(erf) = vpow2.f32 v6;
	v1 =	vadd.f32 v3, v1;
	v3 =	vpop (erf)  }
0x2a3: {  	v7 =	vmul.f32 $1.428571410e+01, v13;
	(erf) = vpow2.f32 v2;
	v2 =	vpop (erf);
	v3 =	vadd.f32 v3, v8  }
0x2a4: {  	v0 =	vmul.f32 $1.442695020e+00, v0;
	(erf) = vpow2.f32 v5;
	v1 =	vadd.f32 v2, v1;
	v2 =	vpop (erf)  }
0x2a5: {  	v6 =	vmul.f32 $1.442695020e+00, v7;
	(erf) = vpow2.f32 v4;
	v4 =	vpop (erf)  }
0x2a6: {  	v2 =	vadd.f32 v2, v3;
	v1 =	vadd.f32 v4, v1  }
0x2a7: {  	(erf) = vpow2.f32 v6;
	v3 =	vpop (erf)  }
0x2a8: {  	(erf) = vpow2.f32 v0;
	v2 =	vadd.f32 v3, v2  }
0x2a9: {  	v0 =	vpop (erf)  }
0x2aa: {  	v0 =	vadd.f32 v0, v1;
	v1 =	vpop (erf)  }
0x2ab: {  	v3 =	vpop (erf);
	v1 =	vadd.f32 v1, v2  }
0x2ac: {  	v0 =	vadd.f32 v3, v0;
	v2 =	vpop (erf)  }
0x2ad: {  	v3 =	vpop (erf);
	v1 =	vadd.f32 v2, v1  }
0x2ae: {  	v0 =	vadd.f32 v3, v0;
	v2 =	vpop (erf)  }
0x2af: {  	v3 =	vpop (erf);
	v1 =	vadd.f32 v2, v1  }
0x2b0: {  	v0 =	vadd.f32 v3, v0;
	v2 =	vpop (erf)  }
0x2b1: {  	v3 =	vpop (erf);
	v1 =	vadd.f32 v2, v1  }
0x2b2: {  	[tilespmem:s2], [sflag:$0x1] =	stream.strided.gather [hbm4b:s22+s6], $0x19000, s7, s6, $0x38;
	v0 =	vadd.f32 v3, v0;
	[tilespmem:$0x1A100] =	vst v63  }
0x2b3: {  	[tilespmem:$0x1A000] =	vst v1  }
0x2b4: {  	[tilespmem:$0x1A080] =	vst v0  }
0x2b5: {  	[hbm4b:s31+s2] =	stream.linear.scatter [tilespmem:s11], [sflag:$0x2], $0x80, $0x38;
	[tilespmem:$0x1A100] =	vst v63  }
0x2b6: {  	_ =	swait.ge [sflag:s9], $0x80  }
0x2b7: {  	[sflag:s9] =	ssyncset.done $0x0  }
0x2b8: {  	[sflag:s9] =	ssyncadd.s32 $0xFFFFFF80  }
0x2b9: {  	[hbm4b:s1+s2] =	stream.linear.scatter [tilespmem:s12], [sflag:$0x2], $0x80, $0x38;
	[tilespmem:$0x1A100] =	vst v63  }
0x2ba: {  	_ =	swait.ge [sflag:s9], $0x80  }
0x2bb: {  	[sflag:s9] =	ssyncset.done $0x0  }
0x2bc: {  	[sflag:s9] =	ssyncadd.s32 $0xFFFFFF80  }
0x2bd: {  	[tilespmem:s8], [sflag:$0x2] =	stream.strided.gather [hbm4b:s0+s6], $0x1000, s7, s6, $0x38;
	[tilespmem:$0x1A100] =	vst v63  }
0x2be: {  	_ =	swait.ge [sflag:s9], $0x1000  }
0x2bf: {  	[sflag:s9] =	ssyncset.done $0x0  }
0x2c0: {  	[sflag:s9] =	ssyncadd.s32 $0xFFFFF000  }
0x2c1: {  	_ =	swait.ge [sflag:s10], $0x19000  }
0x2c2: {  	[sflag:s10] =	ssyncset.done $0x0  }
0x2c3: {  	s14 =	simm.s32 $0x19020;
	[sflag:s10] =	ssyncadd.s32 $0xFFFE7000  }
0x2c4: {  	v0 =	vld [tilespmem:s14+$0x10]  }
0x2c5: {  	v1 =	vld [tilespmem:s14+$0x0]  }
0x2c6: {  	v2 =	vld [tilespmem:s14+$0xFFFFFFE0]  }
0x2c7: {  	v3 =	vld [tilespmem:s14+$0xFFFFFFF0];
	_ =	sdelay $0x2  }
0x2c8: {  	s15 =	simm.s32 $0x19060  }
0x2c9: {  	v4 =	vld [tilespmem:s15+$0x10]  }
0x2ca: {  	v0 =	vld.idx.msk [tilespmem:v0+s2+$0x0], $0xffff  }
0x2cb: {  	v1 =	vld.idx.msk [tilespmem:v1+s2+$0x0], $0xffff  }
0x2cc: {  	v2 =	vld.idx.msk [tilespmem:v2+s2+$0x0], $0xffff  }
0x2cd: {  	v3 =	vld.idx.msk [tilespmem:v3+s2+$0x0], $0xffff  }
0x2ce: {  	v5 =	vld [tilespmem:s15+$0x0];
	_ =	sdelay $0x1  }
0x2cf: {  	v7 =	vld [tilespmem:s15+$0xFFFFFFF0];
	v6 =	vshll.u32 v0, $0x10;
	v0 =	vand.u32 $0xFFFF0000, v0;
	v8 =	vshll.u32 v1, $0x10  }
0x2d0: {  	v9 =	vld [tilespmem:s15+$0xFFFFFFE0];
	v10 =	vshll.u32 v2, $0x10;
	v2 =	vand.u32 $0xFFFF0000, v2;
	v6 =	vmul.f32 $1.428571410e+01, v6  }
0x2d1: {  	v11 =	vshll.u32 v3, $0x10;
	v0 =	vmul.f32 $1.428571410e+01, v0;
	v10 =	vmul.f32 $1.428571410e+01, v10  }
0x2d2: {  	v3 =	vand.u32 $0xFFFF0000, v3;
	v8 =	vmul.f32 $1.428571410e+01, v8;
	v2 =	vmul.f32 $1.428571410e+01, v2  }
0x2d3: {  	v4 =	vld.idx.msk [tilespmem:v4+s2+$0x0], $0xffff;
	v1 =	vand.u32 $0xFFFF0000, v1;
	v11 =	vmul.f32 $1.428571410e+01, v11;
	v3 =	vmul.f32 $1.428571410e+01, v3  }
0x2d4: {  	v1 =	vmul.f32 $1.428571410e+01, v1;
	v10 =	vmul.f32 $1.442695020e+00, v10  }
0x2d5: {  	s15 =	simm.s32 $0x190A0;
	v5 =	vld.idx.msk [tilespmem:v5+s2+$0x0], $0xffff;
	v2 =	vmul.f32 $1.442695020e+00, v2;
	v11 =	vmul.f32 $1.442695020e+00, v11  }
0x2d6: {  	v3 =	vmul.f32 $1.442695020e+00, v3;
	(erf) = vpow2.f32 v10;
	v10 =	vld [tilespmem:s15+$0x10]  }
0x2d7: {  	v1 =	vmul.f32 $1.442695020e+00, v1;
	(erf) = vpow2.f32 v2;
	v2 =	vld.idx.msk [tilespmem:v7+s2+$0x0], $0xffff  }
0x2d8: {  	v9 =	vld.idx.msk [tilespmem:v9+s2+$0x0], $0xffff;
	v7 =	vmul.f32 $1.442695020e+00, v8;
	v8 =	vshll.u32 v4, $0x10;
	(erf) = vpow2.f32 v11  }
0x2d9: {  	(erf) = vpow2.f32 v3;
	v3 =	vand.u32 $0xFFFF0000, v4;
	v4 =	vmul.f32 $1.442695020e+00, v6  }
0x2da: {  	v14 =	vld [tilespmem:s15+$0x0];
	(erf) = vpow2.f32 v7;
	v7 =	vmul.f32 $1.442695020e+00, v0  }
0x2db: {  	v6 =	vshll.u32 v5, $0x10;
	v0 =	vmul.f32 $1.428571410e+01, v8;
	(erf) = vpow2.f32 v1  }
0x2dc: {  	v8 =	vshll.u32 v2, $0x10;
	(erf) = vpow2.f32 v4;
	v11 =	vand.u32 $0xFFFF0000, v2;
	v2 =	vld [tilespmem:s15+$0xFFFFFFF0]  }
0x2dd: {  	v6 =	vmul.f32 $1.428571410e+01, v6;
	(erf) = vpow2.f32 v7;
	v7 =	vshll.u32 v9, $0x10  }
0x2de: {  	v5 =	vand.u32 $0xFFFF0000, v5;
	v1 =	vmul.f32 $1.428571410e+01, v3;
	v3 =	vld [tilespmem:s15+$0xFFFFFFE0];
	v15 =	vmul.f32 $1.428571410e+01, v8  }
0x2df: {  	v12 =	vimm.f32 $0.0e+00;
	v4 =	vmul.f32 $1.428571410e+01, v5;
	v6 =	vmul.f32 $1.442695020e+00, v6;
	v5 =	vld.idx.msk [tilespmem:v10+s2+$0x0], $0xffff;
	v13 =	vpop (erf)  }
0x2e0: {  	v9 =	vand.u32 $0xFFFF0000, v9;
	v8 =	vmul.f32 $1.428571410e+01, v11;
	v16 =	vmul.f32 $1.428571410e+01, v7;
	v7 =	vpop (erf)  }
0x2e1: {  	v10 =	vmul.f32 $1.428571410e+01, v9;
	v11 =	vadd.f32 v13, v12;
	v13 =	vpop (erf);
	v12 =	vadd.f32 v7, v12  }
0x2e2: {  	s14 =	simm.s32 $0x8;
	s15 =	simm.s32 $0x190E0;
	v9 =	vmul.f32 $1.442695020e+00, v15;
	v7 =	vld.idx.msk [tilespmem:v14+s2+$0x0], $0xffff;
	v14 =	vmul.f32 $1.442695020e+00, v16;
	v15 =	vpop (erf)  }
.LBB2_16:
0x2e3: {  	v16 =	vld [tilespmem:s15+$0x10];
	v10 =	vmul.f32 $1.442695020e+00, v10;
	v18 =	vadd.f32 v13, v11;
	v12 =	vadd.f32 v15, v12;
	v13 =	vpop (erf)  }
0x2e4: {  	v17 =	vshll.u32 v5, $0x10;
	v15 =	vld.idx.msk [tilespmem:v2+s2+$0x0], $0xffff;
	v2 =	vmul.f32 $1.442695020e+00, v8;
	(erf) = vpow2.f32 v14;
	v8 =	vpop (erf)  }
0x2e5: {  	(erf) = vpow2.f32 v10;
	v10 =	vadd.f32 v13, v18;
	v8 =	vadd.f32 v8, v12;
	v11 =	vpop (erf)  }
0x2e6: {  	v5 =	vand.u32 $0xFFFF0000, v5;
	v12 =	vld.idx.msk [tilespmem:v3+s2+$0x0], $0xffff;
	v3 =	vmul.f32 $1.442695020e+00, v4;
	(erf) = vpow2.f32 v9;
	v4 =	vpop (erf)  }
0x2e7: {  	(erf) = vpow2.f32 v2;
	v9 =	vadd.f32 v11, v10;
	v13 =	vadd.f32 v4, v8  }
0x2e8: {  	v4 =	vshll.u32 v7, $0x10;
	v8 =	vmul.f32 $1.442695020e+00, v0;
	v14 =	vld [tilespmem:s15+$0x0];
	(erf) = vpow2.f32 v6  }
0x2e9: {  	v6 =	vand.u32 $0xFFFF0000, v7;
	v7 =	vmul.f32 $1.442695020e+00, v1;
	(erf) = vpow2.f32 v3  }
0x2ea: {  	s14 =	sadd.s32 $0x4, s14;
	v0 =	vmul.f32 $1.428571410e+01, v17;
	v10 =	vshll.u32 v15, $0x10;
	v2 =	vld [tilespmem:s15+$0xFFFFFFF0];
	(erf) = vpow2.f32 v8  }
0x2eb: {  	p0 =	slt.u32 s14, $0xFC;
	v1 =	vmul.f32 $1.428571410e+01, v5;
	v8 =	vand.u32 $0xFFFF0000, v15;
	v3 =	vld [tilespmem:s15+$0xFFFFFFE0];
	(erf) = vpow2.f32 v7  }
.Ltmp7:
0x2ec: {  	v11 =	vmul.f32 $1.428571410e+01, v4;
	v4 =	vmul.f32 $1.428571410e+01, v6;
	v17 =	vshll.u32 v12, $0x10;
	v5 =	vld.idx.msk [tilespmem:v16+s2+$0x0], $0xffff;
	(pc) =	sbr.rel @p0 .LBB2_16-.Ltmp7, $4  }
0x2ed: {  	v18 =	vmul.f32 $1.428571410e+01, v10;
	v6 =	vand.u32 $0xFFFF0000, v12;
	v8 =	vmul.f32 $1.428571410e+01, v8;
	v12 =	vpop (erf)  }
0x2ee: {  	v16 =	vmul.f32 $1.428571410e+01, v17;
	v10 =	vmul.f32 $1.428571410e+01, v6;
	v7 =	vpop (erf)  }
0x2ef: {  	v6 =	vmul.f32 $1.442695020e+00, v11;
	v11 =	vadd.f32 v12, v9;
	v12 =	vadd.f32 v7, v13;
	v13 =	vpop (erf)  }
0x2f0: {  	s15 =	sadd.s32 $0x40, s15;
	v9 =	vmul.f32 $1.442695020e+00, v18;
	v7 =	vld.idx.msk [tilespmem:v14+s2+$0x0], $0xffff;
	v14 =	vmul.f32 $1.442695020e+00, v16;
	v15 =	vpop (erf)  }
0x2f1: {  	_ =	sdelay $0x1  }
0x2f2: {  	v10 =	vmul.f32 $1.442695020e+00, v10;
	v8 =	vmul.f32 $1.442695020e+00, v8  }
0x2f3: {  	v11 =	vadd.f32 v13, v11;
	v4 =	vmul.f32 $1.442695020e+00, v4;
	(erf) = vpow2.f32 v14  }
0x2f4: {  	v31 =	vadd.f32 v15, v12;
	v3 =	vld.idx.msk [tilespmem:v3+s2+$0x0], $0xffff;
	v0 =	vmul.f32 $1.442695020e+00, v0;
	(erf) = vpow2.f32 v10  }
0x2f5: {  	v32 =	vpop (erf);
	v33 =	vshll.u32 v5, $0x10;
	v1 =	vmul.f32 $1.442695020e+00, v1;
	(erf) = vpow2.f32 v9  }
0x2f6: {  	v2 =	vld.idx.msk [tilespmem:v2+s2+$0x0], $0xffff;
	v35 =	vand.u32 $0xFFFF0000, v5;
	v38 =	vmul.f32 $1.428571410e+01, v33;
	(erf) = vpow2.f32 v8  }
0x2f7: {  	v39 =	vmul.f32 $1.428571410e+01, v35;
	v34 =	vadd.f32 v32, v11;
	(erf) = vpow2.f32 v6  }
0x2f8: {  	v36 =	vshll.u32 v7, $0x10;
	v37 =	vand.u32 $0xFFFF0000, v7;
	(erf) = vpow2.f32 v4  }
0x2f9: {  	v40 =	vshll.u32 v3, $0x10;
	v41 =	vmul.f32 $1.428571410e+01, v36;
	(erf) = vpow2.f32 v0  }
0x2fa: {  	v3 =	vand.u32 $0xFFFF0000, v3;
	(erf) = vpow2.f32 v1;
	v1 =	vmul.f32 $1.428571410e+01, v40  }
0x2fb: {  	v42 =	vshll.u32 v2, $0x10;
	v4 =	vmul.f32 $1.428571410e+01, v37;
	v3 =	vmul.f32 $1.428571410e+01, v3  }
0x2fc: {  	v43 =	vpop (erf);
	v2 =	vand.u32 $0xFFFF0000, v2;
	v6 =	vmul.f32 $1.428571410e+01, v42;
	v1 =	vmul.f32 $1.442695020e+00, v1  }
0x2fd: {  	v44 =	vpop (erf);
	v8 =	vadd.f32 v43, v31;
	v2 =	vmul.f32 $1.428571410e+01, v2;
	v3 =	vmul.f32 $1.442695020e+00, v3  }
0x2fe: {  	v45 =	vpop (erf);
	v9 =	vadd.f32 v44, v34;
	v6 =	vmul.f32 $1.442695020e+00, v6;
	(erf) = vpow2.f32 v1  }
0x2ff: {  	v46 =	vadd.f32 v45, v8;
	v2 =	vmul.f32 $1.442695020e+00, v2;
	v47 =	vpop (erf);
	(erf) = vpow2.f32 v3  }
0x300: {  	v5 =	vmul.f32 $1.442695020e+00, v41;
	v48 =	vpop (erf);
	v8 =	vadd.f32 v47, v9;
	(erf) = vpow2.f32 v6  }
0x301: {  	v4 =	vmul.f32 $1.442695020e+00, v4;
	v1 =	vadd.f32 v48, v46;
	v49 =	vpop (erf);
	(erf) = vpow2.f32 v2  }
0x302: {  	v51 =	vmul.f32 $1.442695020e+00, v38;
	v50 =	vpop (erf);
	v3 =	vadd.f32 v49, v8;
	(erf) = vpow2.f32 v5  }
0x303: {  	v0 =	vmul.f32 $1.442695020e+00, v39;
	v1 =	vadd.f32 v50, v1;
	v52 =	vpop (erf);
	(erf) = vpow2.f32 v4  }
0x304: {  	v53 =	vpop (erf);
	v2 =	vadd.f32 v52, v3;
	(erf) = vpow2.f32 v51  }
0x305: {  	v1 =	vadd.f32 v53, v1;
	v54 =	vpop (erf);
	(erf) = vpow2.f32 v0  }
0x306: {  	v55 =	vpop (erf);
	v2 =	vadd.f32 v54, v2  }
0x307: {  	v0 =	vadd.f32 v55, v1;
	v56 =	vpop (erf)  }
0x308: {  	v57 =	vpop (erf);
	v1 =	vadd.f32 v56, v2  }
0x309: {  	v0 =	vadd.f32 v57, v0;
	v58 =	vpop (erf)  }
0x30a: {  	v59 =	vpop (erf);
	v1 =	vadd.f32 v58, v1  }
0x30b: {  	v0 =	vadd.f32 v59, v0;
	v60 =	vpop (erf)  }
0x30c: {  	v61 =	vpop (erf);
	v1 =	vadd.f32 v60, v1  }
0x30d: {  	v0 =	vadd.f32 v61, v0;
	v62 =	vpop (erf)  }
0x30e: {  	v63 =	vpop (erf);
	v1 =	vadd.f32 v62, v1  }
0x30f: {  	v0 =	vadd.f32 v63, v0  }
0x310: {  	[tilespmem:$0x1A000] =	vst v1  }
0x311: {  	[tilespmem:$0x1A080] =	vst v0  }
0x312: {  	[hbm4b:s3+s2] =	stream.linear.scatter [tilespmem:s11], [sflag:$0x2], $0x80, $0x38;
	[tilespmem:$0x1A100] =	vst v63  }
0x313: {  	s13 =	sadd.s32 $0x1, s13;
	_ =	swait.ge [sflag:s9], $0x80  }
0x314: {  	p0 =	sne.s32 s13, s5;
	[sflag:s9] =	ssyncset.done $0x0  }
.Ltmp8:
0x315: {  	[sflag:s9] =	ssyncadd.s32 $0xFFFFFF80;
	(pc) =	sbr.rel @p0 .LBB2_1-.Ltmp8, $4  }
0x316: {  	[hbm4b:s4+s2] =	stream.linear.scatter [tilespmem:s12], [sflag:$0x2], $0x80, $0x38;
	[tilespmem:$0x1A100] =	vst v63  }
0x317: {  	_ =	swait.ge [sflag:s9], $0x80  }
0x318: {  	[sflag:s9] =	ssyncset.done $0x0  }
0x319: {  	[sflag:s9] =	ssyncadd.s32 $0xFFFFFF80  }
0x31a: {  	_ =	sfence.sel $0x180000  }
0x31b: {  	[bflag:$0x0] =	sbarrier.arrive $0xFFFF  }
0x31c: {  	_ =	strace $0x9000004A  }
0x31d: {  	s0 =	stileid.u32;
	[bflag:$0x2] =	sbarrier.arrive $0xFFFF  }
0x31e: {  	p0 =	sne.s32 s0, $0x0;
	s0 =	rddreg [dreg:$0x1]  }
0x31f: {  	s0 =	sadd.s32 @!p0 $0x100000, s0  }
0x320: {  	[sflag:s0] =	ssyncadd.tile.s32 @!p0 $0x1;
	_ =	shalt  }
.Lfunc_end2:
_tile_overlayer_lowered:
.L_overlay_start_2:
0x321: {  	(tag) =	ssettag $0x2  }
0x322: {  	s0 =	rddreg [dreg:$0x0];
	s2 =	stileid.u32  }
0x323: {  	s1 =	rddreg [dreg:$0x1];
	p0 =	sne.s32 s2, $0x0  }
0x324: {  	s3 =	rddreg [dreg:$0x2];
	[bflag:$0x3] =	sbarrier.arrive $0xFFFF;
	s2 =	simm.s32 @!p0 $0x1C02  }
0x325: {  	[timem:s3], [sflag:s2] =	dma.local @!p0 [hbm:s0], s1  }
0x326: {  	s0 =	simm.s32 @!p0 $0x2  }
0x327: {  	_ =	swait.ge @!p0 [sflag:s0], s1  }
0x328: {  	s1 =	ssub.s32 @!p0 $0x0, s1;
	[sflag:s0] =	ssyncset.done @!p0 $0x0  }
0x329: {  	[sflag:s0] =	ssyncadd.s32 @!p0 s1  }
0x32a: {  	[bflag:$0x3] =	sbarrier.arrive $0xFFFF  }
0x32b: {  	_ =	shalt  }

// kernel: kernel.8.cloned.1.call-start
scs
__scs_entry_jumppad:
0x0: {  	(pc) =	sbr.rel $0x88, $3  }
0x1: {  	(tag) =	ssettag $0x0;
	lr =	simm.s32 $0x1  }
0x2: {  	[smem:$0x3F9C] =	sst lr;
	_ =	strace $0xD0000000  }
0x3: {  	_ = 	snop  }
0x4: {  	_ = 	snop  }
0x5: {  	_ = 	snop  }
0x6: {  	_ = 	snop  }
0x7: {  	_ = 	snop  }
__scs_overlays_trampoline_lowered:
0x8: {  	[smem:$0x3FAB] =	sst s0  }
0x9: {  	[smem:$0x3FAC] =	sst s1  }
0xa: {  	[smem:$0x3FAD] =	sst s2  }
0xb: {  	[smem:$0x3FAE] =	sst s3  }
0xc: {  	[smem:$0x3FAF] =	sst s4  }
0xd: {  	[smem:$0x3FB0] =	sst s5  }
0xe: {  	[smem:$0x3FB1] =	sst s6  }
0xf: {  	[smem:$0x3FB2] =	sst s7  }
0x10: {  	[smem:$0x3FB3] =	sst s8  }
0x11: {  	[smem:$0x3FB4] =	sst s9;
	s0 =	simm.s32 @!p0 $0x0  }
0x12: {  	s1 =	sld [smem:$0x3F9A];
	s0 =	simm.s32 @p0 $0x1  }
0x13: {  	[smem:$0x3FB5] =	sst s0;
	s0 =	simm.s32 @!p1 $0x0  }
0x14: {  	s2 =	sld [smem:$0x3F99];
	s0 =	simm.s32 @p1 $0x1  }
0x15: {  	[smem:$0x3FB6] =	sst s0;
	s0 =	simm.s32 @!p2 $0x0  }
0x16: {  	s3 =	sld [smem:$0x3FDB];
	s0 =	simm.s32 @p2 $0x1  }
0x17: {  	s4 =	simm.s32 $0x1BF5;
	[smem:$0x3FB8] =	sst s0  }
0x18: {  	s0 =	sld [smem:$0x3F9B];
	_ =	swait.ge [sflag:s4], $0x0  }
0x19: {  	s7 =	sld [smem:$0x3F9C]  }
0x1a: {  	s8 =	sadd.s32 $0xFFFFE003, lr  }
0x1b: {  	s9 =	sadd.s32 $0xFFFFFEF7, lr;
	s5 =	simm.s32 $0xFFFFFFFF;
	p2 =	slt.u32 s8, $0xFFFFF086  }
0x1c: {  	p1 =	slt.u32 s9, $0xF7A;
	s5 =	simm.s32 @!p2 $0x0  }
0x1d: {  	s5 =	simm.s32 @p1 $0x1;
	p0 =	seq.s32 s7, s2  }
0x1e: {  	s7 =	smul.u32 @!p0 $0xF7A, s2;
	p2 =	seq.s32 @!p0 s5, $0x0  }
0x1f: {  	s9 =	smul.u32 $0xF7A, s1;
	s8 =	simm.s32 @!p0 $0x1BF5;
	p2 =	por !p2, p0  }
0x20: {  	[sflag:s8] =	ssyncset.s32 @!p0 $0xFFFFF086;
	s6 =	sadd.s32 @!p0 s3, s7;
	s7 =	simm.s32 @!p0 $0x108  }
0x21: {  	s3 =	sadd.s32 s3, s9;
	s6 =	sadd.s32 @!p0 $0x88, s6;
	s7 =	simm.s32 @p2 $0x1082  }
0x22: {  	[simem:s7], [sflag:s8] =	dma.local @!p0 [hbm:s6], $0xF7A  }
0x23: {  	s9 =	sor.u32 $0xD0000000, s2;
	s6 =	simm.s32 $0x108;
	_ =	swait.ge @!p0 [sflag:s8], $0x0  }
0x24: {  	s3 =	sadd.s32 $0x88, s3;
	s6 =	simm.s32 @!p1 $0x1082;
	[sflag:s4] =	ssyncset.s32 $0xFFFFF086  }
0x25: {  	[simem:s6], [sflag:s4] =	dma.local [hbm:s3], $0xF7A  }
0x26: {  	[smem:$0x3F9C] =	sst s1;
	(tag) =	ssettag s2;
	_ =	strace s9  }
0x27: {  	s1 =	sld [smem:$0x3FAC]  }
0x28: {  	s2 =	sld [smem:$0x3FAD]  }
0x29: {  	s4 =	sld [smem:$0x3FAF]  }
0x2a: {  	p0 =	seq.s32 s5, $0x0;
	s5 =	sld [smem:$0x3FB0]  }
0x2b: {  	s6 =	sld [smem:$0x3FB1]  }
0x2c: {  	s7 =	sld [smem:$0x3FB2]  }
0x2d: {  	s3 =	simm.s32 $0x108;
	s8 =	sld [smem:$0x3FB3]  }
0x2e: {  	s3 =	simm.s32 @!p0 $0x1082;
	s9 =	sld [smem:$0x3FB4]  }
0x2f: {  	lr =	sadd.s32 s0, s3;
	s0 =	sld [smem:$0x3FAB]  }
0x30: {  	s3 =	sld [smem:$0x3FAE]  }
0x31: {  	[smem:$0x3FB7] =	sst s10  }
0x32: {  	s10 =	sld [smem:$0x3FB5];
	_ =	sdelay $0x3  }
0x33: {  	p0 =	seq.s32 s10, $0x1;
	s10 =	sld [smem:$0x3FB7];
	_ =	sdelay $0x3  }
0x34: {  	[smem:$0x3FB7] =	sst s10  }
0x35: {  	s10 =	sld [smem:$0x3FB6];
	_ =	sdelay $0x3  }
0x36: {  	p1 =	seq.s32 s10, $0x1;
	s10 =	sld [smem:$0x3FB7];
	_ =	sdelay $0x3  }
0x37: {  	[smem:$0x3FB7] =	sst s10  }
0x38: {  	s10 =	sld [smem:$0x3FB8]  }
0x39: {  	_ = 	snop;
	(pc) =	sbr.ind lr, $3  }
0x3a: {  	_ = 	snop  }
0x3b: {  	_ = 	snop  }
0x3c: {  	p2 =	seq.s32 s10, $0x1;
	s10 =	sld [smem:$0x3FB7]  }
0x3d: {  	_ =	shalt  }
0x3e: {  	_ =	shalt  }
0x3f: {  	_ =	shalt  }
0x40: {  	_ =	shalt  }
0x41: {  	_ =	shalt  }
0x42: {  	_ =	shalt  }
0x43: {  	_ =	shalt  }
0x44: {  	_ =	shalt  }
0x45: {  	_ =	shalt  }
0x46: {  	_ =	shalt  }
0x47: {  	_ =	shalt  }
0x48: {  	_ =	shalt  }
0x49: {  	_ =	shalt  }
0x4a: {  	_ =	shalt  }
0x4b: {  	_ =	shalt  }
0x4c: {  	_ =	shalt  }
0x4d: {  	_ =	shalt  }
0x4e: {  	_ =	shalt  }
0x4f: {  	_ =	shalt  }
0x50: {  	_ =	shalt  }
0x51: {  	_ =	shalt  }
0x52: {  	_ =	shalt  }
0x53: {  	_ =	shalt  }
0x54: {  	_ =	shalt  }
0x55: {  	_ =	shalt  }
0x56: {  	_ =	shalt  }
0x57: {  	_ =	shalt  }
0x58: {  	_ =	shalt  }
0x59: {  	_ =	shalt  }
0x5a: {  	_ =	shalt  }
0x5b: {  	_ =	shalt  }
0x5c: {  	_ =	shalt  }
0x5d: {  	_ =	shalt  }
0x5e: {  	_ =	shalt  }
0x5f: {  	_ =	shalt  }
0x60: {  	_ =	shalt  }
0x61: {  	_ =	shalt  }
0x62: {  	_ =	shalt  }
0x63: {  	_ =	shalt  }
0x64: {  	_ =	shalt  }
0x65: {  	_ =	shalt  }
0x66: {  	_ =	shalt  }
0x67: {  	_ =	shalt  }
0x68: {  	_ =	shalt  }
0x69: {  	_ =	shalt  }
0x6a: {  	_ =	shalt  }
0x6b: {  	_ =	shalt  }
0x6c: {  	_ =	shalt  }
0x6d: {  	_ =	shalt  }
0x6e: {  	_ =	shalt  }
0x6f: {  	_ =	shalt  }
0x70: {  	_ =	shalt  }
0x71: {  	_ =	shalt  }
0x72: {  	_ =	shalt  }
0x73: {  	_ =	shalt  }
0x74: {  	_ =	shalt  }
0x75: {  	_ =	shalt  }
0x76: {  	_ =	shalt  }
0x77: {  	_ =	shalt  }
0x78: {  	_ =	shalt  }
0x79: {  	_ =	shalt  }
0x7a: {  	_ =	shalt  }
0x7b: {  	_ =	shalt  }
0x7c: {  	_ =	shalt  }
0x7d: {  	_ =	shalt  }
0x7e: {  	_ =	shalt  }
0x7f: {  	_ =	shalt  }
0x80: {  	_ =	shalt  }
0x81: {  	_ =	shalt  }
0x82: {  	_ =	shalt  }
0x83: {  	_ =	shalt  }
0x84: {  	_ =	shalt  }
0x85: {  	_ =	shalt  }
0x86: {  	_ =	shalt  }
0x87: {  	_ =	shalt  }
.Lfunc_end0:
.L_simem_size_0:
called_computation_lowered:
.L_overlay_start_0:
0x88: {  	s2 =	sld [smem:$0x3FD9]  }
0x89: {  	s3 =	sld [smem:$0x3FFE];
	_ =	sdelay $0x1  }
0x8a: {  	s1 =	srdreg.scid  }
0x8b: {  	s0 =	sand.u32 $0x1, s1  }
0x8c: {  	s17 =	sshll.u32 s0, $0xA;
	s2 =	sadd.s32 s3, s2  }
0x8d: {  	s2 =	sadd.s32 s2, s17  }
0x8e: {  	[smem:$0x3FC3] =	sst s2  }
0x8f: {  	_ = 	snop  }
0x90: {  	s2 =	sld [smem:$0x3FC7]  }
0x91: {  	s18 =	sld [smem:$0x3FC6];
	(tm) =	ssettm $0x1  }
0x92: {  	s4 =	sld [smem:$0x3FFB];
	_ =	sdelay $0x3  }
0x93: {  	_ =	strace s4  }
0x94: {  	s4 =	sld [smem:$0x3FFC];
	_ =	sdelay $0x3  }
0x95: {  	_ =	strace s4  }
0x96: {  	s4 =	sld [smem:$0x3FFD];
	_ =	sdelay $0x3  }
0x97: {  	_ =	strace s4  }
0x98: {  	_ =	strace $0x8FFFFFFF  }
0x99: {  	s19 =	sld [smem:$0x3FDB];
	_ =	sdelay $0x1  }
0x9a: {  	s5 =	simm.s32 $_scs_section_size  }
0x9b: {  	s6 =	simm.s32 $_size__tile_overlayer_lowered;
	s7 =	simm.s32 $_tile_overlayer_lowered  }
0x9c: {  	s22 =	simm.s32 $0x1BFF;
	s21 =	sshll.u32 s7, $0x1;
	s4 =	sadd.s32 s5, s19  }
0x9d: {  	s8 =	simm.s32 $0x0;
	s20 =	sshll.u32 s6, $0x1;
	s6 =	sadd.s32 s21, s4  }
0x9e: {  	[timem:s8], [sflag:s22] =	dma.local [hbm:s6], s20  }
0x9f: {  	_ =	swait.ge [sflag:s22], s20  }
0xa0: {  	s5 =	ssub.s32 $0x0, s20;
	[sflag:s22] =	ssyncset.done $0x0  }
0xa1: {  	[sflag:s22] =	ssyncadd.s32 s5;
	_ =	sdelay $0x1  }
0xa2: {  	s23 =	simm.s32 $0x1B8B  }
0xa3: {  	_ =	swait.ge [sflag:s23], $0x1  }
0xa4: {  	[sflag:s23] =	ssyncset.done $0x0  }
0xa5: {  	s25 =	simm.s32 $0x1B8E;
	s24 =	sld [smem:$0x3FFE];
	[sflag:s23] =	ssyncadd.s32 $0xFFFFFFFF  }
0xa6: {  	s26 =	simm.s32 $execute0_lowered;
	[smem:$0x3FD2] =	sst s25  }
0xa7: {  	s6 =	sshll.u32 s26, $0x1;
	_ =	strace $0x80000046;
	[dreg:$0x1] =	wrdreg $0xFFFFFFFF  }
0xa8: {  	s28 =	simm.s32 $_size_execute0_lowered;
	s4 =	sadd.s32 s4, s6;
	[dreg:$0x0] =	wrdreg $0x0  }
0xa9: {  	s6 =	sshll.u32 s28, $0x1;
	[dreg:$0x2] =	wrdreg s4  }
0xaa: {  	[dreg:$0x3] =	wrdreg s6  }
0xab: {  	[dreg:$0x4] =	wrdreg $0xC0  }
0xac: {  	_ =	task [dreg:s8], $0x5FFFF  }
0xad: {  	[dreg:$0x1] =	wrdreg $0xFFFFFFFF  }
0xae: {  	[dreg:$0x0] =	wrdreg $0x60  }
0xaf: {  	[dreg:$0x2] =	wrdreg s2  }
0xb0: {  	[dreg:$0x3] =	wrdreg s18  }
0xb1: {  	[dreg:$0x4] =	wrdreg s24  }
0xb2: {  	[dreg:$0x5] =	wrdreg $0x9  }
0xb3: {  	_ =	task.clear_ibuf [dreg:s8], $0x6FFFF;
	_ =	strace $0x90000046  }
0xb4: {  	s29 =	simm.s32 $0x9;
	_ =	strace $0x80000048  }
0xb5: {  	_ =	swait.ge [sflag:s29], $0x1  }
0xb6: {  	[sflag:s29] =	ssyncadd.s32 $0xFFFFFFFF  }
0xb7: {  	_ =	strace $0x90000048  }
0xb8: {  	_ =	sfence  }
0xb9: {  	s30 =	sld [smem:$0x0];
	_ =	sdelay $0x2  }
0xba: {  	s31 =	sshll.u32 s1, $0xD;
	s1 =	sshrl.u32 s1, $0x2  }
0xbb: {  	s3 =	sand.u32 $0x4000, s31;
	s1 =	sadd.s32 s1, s30  }
0xbc: {  	s0 =	sor.u32 s3, s0;
	s1 =	sshll.u32 s1, $0x11  }
0xbd: {  	s0 =	sor.u32 s1, s0  }
0xbe: {  	s0 =	sadd.s32 $0x8F2B, s0  }
0xbf: {  	[sflag:s0] =	ssyncadd.remote.s32 $0x1  }
0xc0: {  	_ =	sfence.sel $0xFFFF  }
0xc1: {  	[dreg:$0x0] =	wrdreg $0xFFFFFFFF;
	(pc) =	sbr.abs _section_cstart, $3  }
0xc2: {  	[dreg:$0x1] =	wrdreg $0xFFFFFFFF  }
0xc3: {  	_ =	task.clear_ibuf [dreg:s8], $0x2FFFF;
	_ =	strace $0x9FFFFFFF  }
0xc4: {  	(tm) =	ssettm $0x7FFFFFFF  }
0xc5: {  	_ =	shalt  }
tec
execute0_lowered:
.L_overlay_start_1:
0x0: {  	(tag) =	ssettag $0x1  }
0x1: {  	s1 =	rddreg [dreg:$0x0];
	s2 =	srdreg.scid  }
0x2: {  	s4 =	rddreg [dreg:$0x1];
	s0 =	stileid.u32  }
0x3: {  	s9 =	rddreg [dreg:$0x2];
	s3 =	simm.s32 $0x0;
	s6 =	sand.u32 $0x1, s2  }
0x4: {  	s5 =	sshll.u32 s0, $0x4;
	s2 =	rddreg [dreg:$0x3];
	s7 =	sshll.u32 s6, $0x3  }
0x5: {  	s8 =	simm.s32 $0x1;
	[smem:$0x7FF] =	sst s3;
	s10 =	sor.u32 s7, s5  }
0x6: {  	_ =	strace $0x80000047;
	s11 =	ssub.s32 $0x2, s6;
	s5 =	sshrl.u32 s10, $0x3  }
0x7: {  	s6 =	simm.s32 $0x8;
	s5 =	sadd.s32 s4, s5;
	s4 =	simm.s32 $0x2  }
0x8: {  	[tilespmem:s3], [sflag:$0x2] =	stream.linear.gather [hbm4b:s5+s3], $0x8, $0x38;
	[tilespmem:$0x480] =	vst v63  }
0x9: {  	s7 =	simm.s32 $0x80;
	s12 =	sshrl.u32 s11, $0x1;
	_ =	swait.ge [sflag:s4], $0x8  }
0xa: {  	s10 =	sshll.u32 s10, $0x4;
	s31 =	ssub.s32 s11, s12;
	[sflag:s4] =	ssyncset.done $0x0  }
0xb: {  	s9 =	sadd.s32 s10, s9;
	s10 =	smax.u32 s31, $0x1;
	[sflag:s4] =	ssyncadd.s32 $0xFFFFFFF8  }
0xc: {  	[tilespmem:s7], [sflag:$0x1] =	stream.indirect.gather [hbm4b:s1+s6], $0x80, s3, s6, $0xb8;
	[tilespmem:$0x480] =	vst v63  }
0xd: {  	p0 =	sne.s32 s10, $0x1;
	_ =	swait.ge [sflag:s8], $0x400  }
.Ltmp0:
0xe: {  	[sflag:s8] =	ssyncset.done $0x0;
	(pc) =	sbr.rel @!p0 .LBB2_2-.Ltmp0, $4  }
0xf: {  	s9 =	sadd.s32 $0x1800, s9;
	[sflag:s8] =	ssyncadd.s32 $0xFFFFFC00  }
0x10: {  	[hbm4b:s9+s3] =	stream.linear.scatter [tilespmem:s7], [sflag:$0x2], $0x400, $0x38;
	[tilespmem:$0x480] =	vst v63  }
0x11: {  	_ =	swait.ge [sflag:s4], $0x400  }
0x12: {  	s10 =	sadd.s32 $0xFFFFFFFF, s10;
	[sflag:s4] =	ssyncset.done $0x0  }
.LBB2_1:
0x13: {  	p0 =	sne.s32 s10, $0x1;
	s10 =	sadd.s32 $0xFFFFFFFF, s10;
	[sflag:s4] =	ssyncadd.s32 $0xFFFFFC00  }
0x14: {  	[tilespmem:s3], [sflag:$0x2] =	stream.linear.gather [hbm4b:s5+s3], $0x8, $0x38;
	[tilespmem:$0x480] =	vst v63  }
0x15: {  	_ =	swait.ge [sflag:s4], $0x8  }
0x16: {  	[sflag:s4] =	ssyncset.done $0x0  }
0x17: {  	[sflag:s4] =	ssyncadd.s32 $0xFFFFFFF8  }
0x18: {  	[tilespmem:s7], [sflag:$0x1] =	stream.indirect.gather [hbm4b:s1+s6], $0x80, s3, s6, $0xb8;
	[tilespmem:$0x480] =	vst v63  }
0x19: {  	_ =	swait.ge [sflag:s8], $0x400  }
.Ltmp1:
0x1a: {  	[sflag:s8] =	ssyncset.done $0x0;
	(pc) =	sbr.rel @p0 .LBB2_1-.Ltmp1, $4  }
0x1b: {  	[sflag:s8] =	ssyncadd.s32 $0xFFFFFC00  }
0x1c: {  	[hbm4b:s9+s3] =	stream.linear.scatter [tilespmem:s7], [sflag:$0x2], $0x400, $0x38;
	[tilespmem:$0x480] =	vst v63  }
0x1d: {  	_ =	swait.ge [sflag:s4], $0x400  }
0x1e: {  	[sflag:s4] =	ssyncset.done $0x0  }
.LBB2_2:
0x1f: {  	[sflag:s4] =	ssyncadd.s32 $0xFFFFFC00  }
0x20: {  	_ =	sfence.sel $0x180000  }
0x21: {  	[bflag:$0x0] =	sbarrier.arrive $0xFFFF  }
0x22: {  	p0 =	sne.s32 s0, $0x0;
	_ =	strace $0x90000047  }
0x23: {  	s0 =	sadd.s32 @!p0 $0x100000, s2;
	[bflag:$0x2] =	sbarrier.arrive $0xFFFF  }
0x24: {  	[sflag:s0] =	ssyncadd.tile.s32 @!p0 $0x1;
	_ =	shalt  }
.Lfunc_end2:
_tile_overlayer_lowered:
.L_overlay_start_2:
0x25: {  	(tag) =	ssettag $0x2  }
0x26: {  	s0 =	rddreg [dreg:$0x0];
	s2 =	stileid.u32  }
0x27: {  	s1 =	rddreg [dreg:$0x1];
	p0 =	sne.s32 s2, $0x0  }
0x28: {  	s3 =	rddreg [dreg:$0x2];
	[bflag:$0x3] =	sbarrier.arrive $0xFFFF;
	s2 =	simm.s32 @!p0 $0x1C02  }
0x29: {  	[timem:s3], [sflag:s2] =	dma.local @!p0 [hbm:s0], s1  }
0x2a: {  	s0 =	simm.s32 @!p0 $0x2  }
0x2b: {  	_ =	swait.ge @!p0 [sflag:s0], s1  }
0x2c: {  	s1 =	ssub.s32 @!p0 $0x0, s1;
	[sflag:s0] =	ssyncset.done @!p0 $0x0  }
0x2d: {  	[sflag:s0] =	ssyncadd.s32 @!p0 s1  }
0x2e: {  	[bflag:$0x3] =	sbarrier.arrive $0xFFFF  }
0x2f: {  	_ =	shalt  }

</sc_bundles>
